<compile_context>
chip_gen: v7x
topology: tpu7x:2x2x1
jax: 0.10.2.dev20260603
libtpu: 0.0.44.dev20260713+nightly
codegen_flags: <defaults>
</compile_context>

<pallas_src>
import functools

import jax
import jax.numpy as jnp
from jax import lax
from jax.experimental import pallas as pl
from jax.experimental.pallas import tpu as pltpu
from jax.experimental.pallas import tpu_sc as plsc

_N, _E, _D = 10000, 320000, 128
_NC, _NS = 2, 16
_NW = _NC * _NS
_C = 128
_MCH = 78
_MCHP = 80
_EM = _NW * _MCH * _C
_NX = (_E - _EM) // _C
_SLOT = 8
_RPT = 640
_NPAD = 10240
_DPT = _NPAD // _NS

_mesh = plsc.VectorSubcoreMesh(core_axis_name="c", subcore_axis_name="s")


@functools.partial(
    pl.kernel,
    mesh=_mesh,
    out_type=jax.ShapeDtypeStruct((2, _NPAD), jnp.float32),
    scratch_types=[
        pltpu.VMEM((_MCHP, _C), jnp.int32),
        pltpu.VMEM((1, _C), jnp.int32),
        pltpu.VMEM((_C,), jnp.float32),
        pltpu.VMEM((_DPT,), jnp.float32),
        pltpu.VMEM_SHARED((_NPAD,), jnp.float32),
        pltpu.SemaphoreType.DMA,
        pltpu.SemaphoreType.DMA,
    ],
)
def _sc_degree(dst_hbm, xdst_hbm, out_hbm, dsts_v, xdst_v, ones_v, zeros_v,
               acc_sh, sem_a, sem_b):
    c = lax.axis_index("c")
    s = lax.axis_index("s")
    wid = s * _NC + c
    for i in range(_C // 16):
        ones_v[pl.ds(i * 16, 16)] = jnp.ones((16,), jnp.float32)
    for i in range(_DPT // 16):
        zeros_v[pl.ds(i * 16, 16)] = jnp.zeros((16,), jnp.float32)
    pltpu.sync_copy(dst_hbm.at[wid], dsts_v)
    pltpu.sync_copy(zeros_v, acc_sh.at[pl.ds(s * _DPT, _DPT)])
    plsc.subcore_barrier()

    def _scat(j, sem):
        pltpu.async_copy(ones_v, acc_sh.at[dsts_v.at[j]], sem, add=True)

    def _wait(j, sem):
        pltpu.make_async_copy(ones_v, acc_sh.at[dsts_v.at[j]], sem).wait()

    _scat(0, sem_a)
    _scat(1, sem_b)

    def pair(jj, carry):
        j0 = 2 * jj
        _wait(j0 - 2, sem_a)
        _scat(j0, sem_a)
        _wait(j0 - 1, sem_b)
        _scat(j0 + 1, sem_b)
        return carry

    lax.fori_loop(1, _MCH // 2, pair, 0)
    _wait(_MCH - 2, sem_a)
    _wait(_MCH - 1, sem_b)

    @pl.when(wid < _NX)
    def _extra():
        pltpu.sync_copy(xdst_hbm.at[wid], xdst_v)
        pltpu.sync_copy(ones_v, acc_sh.at[xdst_v.at[0]], add=True)

    plsc.subcore_barrier()
    pltpu.sync_copy(acc_sh.at[pl.ds(s * _DPT, _DPT)],
                    out_hbm.at[c, pl.ds(s * _DPT, _DPT)])


@functools.partial(
    pl.kernel,
    mesh=_mesh,
    out_type=jax.ShapeDtypeStruct((2, _N, _D), jnp.float32),
    scratch_types=[
        pltpu.VMEM((2, _SLOT, _C), jnp.int32),
        pltpu.VMEM((2, _SLOT, _C), jnp.int32),
        pltpu.VMEM((1, _C), jnp.int32),
        pltpu.VMEM((1, _C), jnp.int32),
        pltpu.VMEM((_C, _D), jnp.float32),
        pltpu.VMEM((_C, _D), jnp.float32),
        pltpu.VMEM_SHARED((_N, _D), jnp.float32),
        pltpu.SemaphoreType.DMA,
        pltpu.SemaphoreType.DMA,
        pltpu.SemaphoreType.DMA,
    ],
)
def _sc_agg(y_hbm, src_hbm, dst_hbm, xsrc_hbm, xdst_hbm, out_hbm,
            srcs_v, dsts_v, xsrc_v, xdst_v, rows_a, rows_b, acc_sh,
            sem_a, sem_b, sem_i):
    c = lax.axis_index("c")
    s = lax.axis_index("s")
    wid = s * _NC + c
    row0 = pl.multiple_of(jnp.minimum(s * _RPT, _N - _RPT), 8)
    init = pltpu.async_copy(y_hbm.at[pl.ds(row0, _RPT)],
                            acc_sh.at[pl.ds(row0, _RPT)], sem_i)

    def _load_slot(slot, start):
        start = pl.multiple_of(start, 8)
        pltpu.sync_copy(src_hbm.at[wid, pl.ds(start, _SLOT)],
                        srcs_v.at[slot])
        pltpu.sync_copy(dst_hbm.at[wid, pl.ds(start, _SLOT)],
                        dsts_v.at[slot])

    def _src_row(j):
        return srcs_v.at[(j // _SLOT) % 2, lax.rem(j, _SLOT)]

    def _dst_row(j):
        return dsts_v.at[(j // _SLOT) % 2, lax.rem(j, _SLOT)]

    def _gather(j, buf, sem):
        pltpu.async_copy(y_hbm.at[_src_row(j)], buf, sem)

    def _wait(j, buf, sem):
        pltpu.make_async_copy(y_hbm.at[_src_row(j)], buf, sem).wait()

    def _scatter(j, buf):
        pltpu.sync_copy(buf, acc_sh.at[_dst_row(j)], add=True)

    _load_slot(0, 0)
    _gather(0, rows_a, sem_a)
    init.wait()
    plsc.subcore_barrier()

    def pair(jj, carry):
        j0 = 2 * jj

        @pl.when((lax.rem(j0, _SLOT) == 0) & (j0 + _SLOT < _MCHP))
        def _refill():
            _load_slot(((j0 // _SLOT) + 1) % 2, j0 + _SLOT)

        _gather(j0 + 1, rows_b, sem_b)
        _wait(j0, rows_a, sem_a)
        _scatter(j0, rows_a)
        _gather(j0 + 2, rows_a, sem_a)
        _wait(j0 + 1, rows_b, sem_b)
        _scatter(j0 + 1, rows_b)
        return carry

    lax.fori_loop(0, (_MCH - 2) // 2, pair, 0)
    _gather(_MCH - 1, rows_b, sem_b)
    _wait(_MCH - 2, rows_a, sem_a)
    _scatter(_MCH - 2, rows_a)
    _wait(_MCH - 1, rows_b, sem_b)
    _scatter(_MCH - 1, rows_b)

    @pl.when(wid < _NX)
    def _extra():
        pltpu.sync_copy(xsrc_hbm.at[wid], xsrc_v)
        pltpu.sync_copy(xdst_hbm.at[wid], xdst_v)
        pltpu.async_copy(y_hbm.at[xsrc_v.at[0]], rows_a, sem_a).wait()
        pltpu.sync_copy(rows_a, acc_sh.at[xdst_v.at[0]], add=True)

    plsc.subcore_barrier()
    pltpu.sync_copy(acc_sh.at[pl.ds(row0, _RPT)],
                    out_hbm.at[c, pl.ds(row0, _RPT)])


def _ref_body(em_ref, ex_ref, src_ref, dst_ref, xsrc_ref, xdst_ref):
    pad = jnp.zeros((_NW, _MCHP - _MCH, _C), jnp.int32)
    src_ref[...] = jnp.concatenate(
        [em_ref[0].reshape(_NW, _MCH, _C), pad], axis=1)
    dst_ref[...] = jnp.concatenate(
        [em_ref[1].reshape(_NW, _MCH, _C), pad], axis=1)
    xsrc_ref[...] = ex_ref[0].reshape(_NX, 1, _C)
    xdst_ref[...] = ex_ref[1].reshape(_NX, 1, _C)


_reformat = pl.pallas_call(
    _ref_body,
    grid=(1,),
    in_specs=[
        pl.BlockSpec((2, _EM), lambda i: (0, 0)),
        pl.BlockSpec((2, _E - _EM), lambda i: (0, _EM // (_E - _EM))),
    ],
    out_specs=(
        pl.BlockSpec((_NW, _MCHP, _C), lambda i: (0, 0, 0)),
        pl.BlockSpec((_NW, _MCHP, _C), lambda i: (0, 0, 0)),
        pl.BlockSpec((_NX, 1, _C), lambda i: (0, 0, 0)),
        pl.BlockSpec((_NX, 1, _C), lambda i: (0, 0, 0)),
    ),
    out_shape=(
        jax.ShapeDtypeStruct((_NW, _MCHP, _C), jnp.int32),
        jax.ShapeDtypeStruct((_NW, _MCHP, _C), jnp.int32),
        jax.ShapeDtypeStruct((_NX, 1, _C), jnp.int32),
        jax.ShapeDtypeStruct((_NX, 1, _C), jnp.int32),
    ),
)


_R = 2000
_G = _N // _R


def _d1_body(x_ref, w_ref, deg_ref, y_ref):
    dinv = lax.rsqrt(deg_ref[0, 0])[:, None]
    y_ref[...] = jnp.dot(x_ref[...], w_ref[...],
                         preferred_element_type=jnp.float32) * dinv


_dense1 = pl.pallas_call(
    _d1_body,
    grid=(_G,),
    in_specs=[
        pl.BlockSpec((_R, _D), lambda i: (i, 0)),
        pl.BlockSpec((_D, _D), lambda i: (0, 0)),
        pl.BlockSpec((1, 1, _R), lambda i: (i, 0, 0)),
    ],
    out_specs=pl.BlockSpec((_R, _D), lambda i: (i, 0)),
    out_shape=jax.ShapeDtypeStruct((_N, _D), jnp.float32),
)


def _d2_body(p0_ref, p1_ref, y1_ref, deg_ref, b1_ref, w2_ref, y2_ref):
    dinv = lax.rsqrt(deg_ref[0, 0])[:, None]
    agg = p0_ref[0] + p1_ref[0] - y1_ref[...]
    h1 = jnp.maximum(agg * dinv + b1_ref[...], 0.0)
    y2_ref[...] = jnp.dot(h1, w2_ref[...],
                          preferred_element_type=jnp.float32) * dinv


_dense2 = pl.pallas_call(
    _d2_body,
    grid=(_G,),
    in_specs=[
        pl.BlockSpec((1, _R, _D), lambda i: (0, i, 0)),
        pl.BlockSpec((1, _R, _D), lambda i: (1, i, 0)),
        pl.BlockSpec((_R, _D), lambda i: (i, 0)),
        pl.BlockSpec((1, 1, _R), lambda i: (i, 0, 0)),
        pl.BlockSpec((1, _D), lambda i: (0, 0)),
        pl.BlockSpec((_D, _D), lambda i: (0, 0)),
    ],
    out_specs=pl.BlockSpec((_R, _D), lambda i: (i, 0)),
    out_shape=jax.ShapeDtypeStruct((_N, _D), jnp.float32),
)


def _d3_body(q0_ref, q1_ref, y2_ref, deg_ref, b2_ref, out_ref):
    dinv = lax.rsqrt(deg_ref[0, 0])[:, None]
    h = (q0_ref[0] + q1_ref[0] - y2_ref[...]) * dinv + b2_ref[...]
    m = jnp.max(h, axis=1, keepdims=True)
    hm = h - m
    out_ref[...] = hm - jnp.log(jnp.sum(jnp.exp(hm), axis=1, keepdims=True))


_final = pl.pallas_call(
    _d3_body,
    grid=(_G,),
    in_specs=[
        pl.BlockSpec((1, _R, _D), lambda i: (0, i, 0)),
        pl.BlockSpec((1, _R, _D), lambda i: (1, i, 0)),
        pl.BlockSpec((_R, _D), lambda i: (i, 0)),
        pl.BlockSpec((1, 1, _R), lambda i: (i, 0, 0)),
        pl.BlockSpec((1, _D), lambda i: (0, 0)),
    ],
    out_specs=pl.BlockSpec((_R, _D), lambda i: (i, 0)),
    out_shape=jax.ShapeDtypeStruct((_N, _D), jnp.float32),
)


def kernel(x, edge_index, W1, b1, W2, b2):
    src, dst, xsrc, xdst = _reformat(edge_index, edge_index)
    degp = _sc_degree(dst, xdst)
    deg = (degp[0, :_N] + degp[1, :_N] + 1.0).reshape(_G, 1, _R)
    y1 = _dense1(x, W1, deg)
    p = _sc_agg(y1, src, dst, xsrc, xdst)
    y2 = _dense2(p, p, y1, deg, b1[None, :], W2)
    q = _sc_agg(y2, src, dst, xsrc, xdst)
    return _final(q, q, y2, deg, b2[None, :])

# --- scband reference (transcript-rebuilt; emitter-appended) ---
"""Pipeline reference for scband-py-g-gcn-10720238371544 (READ-ONLY COPY).

The authoritative reference and input builder live on the scoring server;
editing this copy changes nothing except your own understanding.
"""

import jax, jax.numpy as jnp
import numpy as np

N = 10000
E = 320000
D = 128


def setup_inputs(seed: int = 0) -> dict:
    key = jax.random.key(seed)
    k1, k2, k3, k4, k5, k6 = jax.random.split(key, 6)
    x = jax.random.normal(k1, (N, D), dtype=jnp.float32)
    edge_index = jax.random.randint(k2, (2, E), 0, N, dtype=jnp.int32)
    s = 1.0 / np.sqrt(D)
    W1 = jax.random.normal(k3, (D, D), dtype=jnp.float32) * s
    b1 = jnp.zeros((D,), dtype=jnp.float32)
    W2 = jax.random.normal(k4, (D, D), dtype=jnp.float32) * s
    b2 = jnp.zeros((D,), dtype=jnp.float32)
    return {"x": x, "edge_index": edge_index, "W1": W1, "b1": b1, "W2": W2, "b2": b2}


def _gcn_conv(x, edge_index, W, b, n):
    # GCNConv: add self-loops, symmetric normalization D^-1/2 (A+I) D^-1/2 X W + b
    loop = jnp.arange(n, dtype=edge_index.dtype)
    src = jnp.concatenate([edge_index[0], loop])
    dst = jnp.concatenate([edge_index[1], loop])
    deg = jax.ops.segment_sum(jnp.ones_like(src, dtype=x.dtype), dst, num_segments=n)
    dinv = jnp.where(deg > 0, 1.0 / jnp.sqrt(deg), 0.0)
    norm = dinv[src] * dinv[dst]
    xw = x @ W
    msg = jnp.take(xw, src, axis=0) * norm[:, None]
    out = jax.ops.segment_sum(msg, dst, num_segments=n)
    return out + b


def reference(x, edge_index, W1, b1, W2, b2):
    h = _gcn_conv(x, edge_index, W1, b1, N)
    h = jax.nn.relu(h)
    # dropout is identity in eval mode (training=False)
    h = _gcn_conv(h, edge_index, W2, b2, N)
    return jax.nn.log_softmax(h, axis=1)

if __name__ == "__main__":
    import jax
    _d = setup_inputs()
    print(jax.jit(kernel)(*tuple(_d.values())))

</pallas_src>

<mosaic_0001>
#map = affine_map<(d0, d1) -> (0, 0)>
#map1 = affine_map<(d0, d1) -> (0, 0, 0)>
module attributes {stable_mosaic.version = 14 : i64} {
  func.func @_sc_agg(%arg0: i32, %arg1: i32, %arg2: memref<10000x128xf32, #tpu.memory_space<hbm>>, %arg3: memref<32x80x128xi32, #tpu.memory_space<hbm>>, %arg4: memref<32x80x128xi32, #tpu.memory_space<hbm>>, %arg5: memref<4x1x128xi32, #tpu.memory_space<hbm>>, %arg6: memref<4x1x128xi32, #tpu.memory_space<hbm>>, %arg7: memref<2x10000x128xf32, #tpu.memory_space<hbm>>, %arg8: memref<2x8x128xi32, #tpu.memory_space<vmem>>, %arg9: memref<2x8x128xi32, #tpu.memory_space<vmem>>, %arg10: memref<1x128xi32, #tpu.memory_space<vmem>>, %arg11: memref<1x128xi32, #tpu.memory_space<vmem>>, %arg12: memref<128x128xf32, #tpu.memory_space<vmem>>, %arg13: memref<128x128xf32, #tpu.memory_space<vmem>>, %arg14: memref<10000x128xf32, #tpu.memory_space<vmem_shared>>, %arg15: memref<!tpu.dma_semaphore, #tpu.memory_space<semaphore_mem>>, %arg16: memref<!tpu.dma_semaphore, #tpu.memory_space<semaphore_mem>>, %arg17: memref<!tpu.dma_semaphore, #tpu.memory_space<semaphore_mem>>) attributes {dimension_semantics = [#tpu.dimension_semantics<core_parallel>, #tpu.dimension_semantics<subcore_parallel>], iteration_bounds = array<i64: 2, 16>, scalar_prefetch = 0 : i64, scratch_operands = 10 : i64, tpu.core_type = #tpu.core_type<sc_vector_subcore>, window_params = [{transform_indices = #map}, {transform_indices = #map1}, {transform_indices = #map1}, {transform_indices = #map1}, {transform_indices = #map1}, {transform_indices = #map1}]} {
    %mul3A = arith.constant 2 : i32
    %mul3A_0 = arith.muli %arg1, %mul3A : i32
    %add3A = arith.addi %mul3A_0, %arg0 : i32
    %mul3A_1 = arith.constant 640 : i32
    %mul3A_2 = arith.muli %arg1, %mul3A_1 : i32
    %min3A = arith.constant 9360 : i32
    %min3A_3 = arith.minsi %mul3A_2, %min3A : i32
    %multiple_of3A = tpu.assume_multiple %min3A_3, 8 : i32
    %dma_start3A = arith.constant 0 : i32
    %dma_start3A_4 = tpu.memref_slice %arg14[%multiple_of3A, %dma_start3A] : memref<10000x128xf32, #tpu.memory_space<vmem_shared>> -> memref<640x128xf32, #tpu.memory_space<vmem_shared>>
    %dma_start3A_5 = arith.constant 0 : i32
    %dma_start3A_6 = tpu.memref_slice %arg2[%multiple_of3A, %dma_start3A_5] : memref<10000x128xf32, #tpu.memory_space<hbm>> -> memref<640x128xf32, #tpu.memory_space<hbm>>
    tpu.enqueue_dma source(%dma_start3A_6 : memref<640x128xf32, #tpu.memory_space<hbm>>) target(%dma_start3A_4 : memref<640x128xf32, #tpu.memory_space<vmem_shared>>) target_semaphore(%arg17 : memref<!tpu.dma_semaphore, #tpu.memory_space<semaphore_mem>>)
    %multiple_of3A_7 = arith.constant 0 : i32
    %multiple_of3A_8 = tpu.assume_multiple %multiple_of3A_7, 8 : i32
    %run_scoped3A = arith.constant 0 : i32
    "tpu.region"() ({
      %run_scoped3A_68 = tpu.sem_alloc : memref<!tpu.dma_semaphore, #tpu.memory_space<semaphore_mem>>
      %dma_start3A_69 = arith.constant 0 : i32
      %dma_start3A_70 = arith.constant 0 : i32
      %dma_start3A_71 = tpu.memref_slice %arg8[%run_scoped3A, %dma_start3A_69, %dma_start3A_70] : memref<2x8x128xi32, #tpu.memory_space<vmem>> -> memref<1x8x128xi32, #tpu.memory_space<vmem>>
      %dma_start3A_72 = tpu.memref_squeeze %dma_start3A_71 : memref<1x8x128xi32, #tpu.memory_space<vmem>> -> memref<8x128xi32, #tpu.memory_space<vmem>>
      %dma_start3A_73 = arith.constant 0 : i32
      %dma_start3A_74 = tpu.memref_slice %arg3[%add3A, %multiple_of3A_8, %dma_start3A_73] : memref<32x80x128xi32, #tpu.memory_space<hbm>> -> memref<1x8x128xi32, #tpu.memory_space<hbm>>
      %dma_start3A_75 = tpu.memref_squeeze %dma_start3A_74 : memref<1x8x128xi32, #tpu.memory_space<hbm>> -> memref<8x128xi32, #tpu.memory_space<hbm>>
      %dma_start3A_76 = arith.constant 0 : i32
      %dma_start3A_77 = arith.constant 0 : i32
      %dma_start3A_78 = tpu.memref_slice %arg8[%run_scoped3A, %dma_start3A_76, %dma_start3A_77] : memref<2x8x128xi32, #tpu.memory_space<vmem>> -> memref<1x8x128xi32, #tpu.memory_space<vmem>>
      %dma_start3A_79 = tpu.memref_squeeze %dma_start3A_78 : memref<1x8x128xi32, #tpu.memory_space<vmem>> -> memref<8x128xi32, #tpu.memory_space<vmem>>
      %dma_start3A_80 = arith.constant 0 : i32
      %dma_start3A_81 = tpu.memref_slice %arg3[%add3A, %multiple_of3A_8, %dma_start3A_80] : memref<32x80x128xi32, #tpu.memory_space<hbm>> -> memref<1x8x128xi32, #tpu.memory_space<hbm>>
      %dma_start3A_82 = tpu.memref_squeeze %dma_start3A_81 : memref<1x8x128xi32, #tpu.memory_space<hbm>> -> memref<8x128xi32, #tpu.memory_space<hbm>>
      tpu.enqueue_dma source(%dma_start3A_82 : memref<8x128xi32, #tpu.memory_space<hbm>>) target(%dma_start3A_79 : memref<8x128xi32, #tpu.memory_space<vmem>>) target_semaphore(%run_scoped3A_68 : memref<!tpu.dma_semaphore, #tpu.memory_space<semaphore_mem>>)
      %dma_wait3A_83 = arith.constant 0 : i32
      %dma_wait3A_84 = arith.constant 0 : i32
      %dma_wait3A_85 = tpu.memref_slice %arg8[%run_scoped3A, %dma_wait3A_83, %dma_wait3A_84] : memref<2x8x128xi32, #tpu.memory_space<vmem>> -> memref<1x8x128xi32, #tpu.memory_space<vmem>>
      %dma_wait3A_86 = tpu.memref_squeeze %dma_wait3A_85 : memref<1x8x128xi32, #tpu.memory_space<vmem>> -> memref<8x128xi32, #tpu.memory_space<vmem>>
      %dma_wait3A_87 = arith.constant 0 : i32
      %dma_wait3A_88 = tpu.memref_slice %arg3[%add3A, %multiple_of3A_8, %dma_wait3A_87] : memref<32x80x128xi32, #tpu.memory_space<hbm>> -> memref<1x8x128xi32, #tpu.memory_space<hbm>>
      %dma_wait3A_89 = tpu.memref_squeeze %dma_wait3A_88 : memref<1x8x128xi32, #tpu.memory_space<hbm>> -> memref<8x128xi32, #tpu.memory_space<hbm>>
      %dma_wait3A_90 = arith.constant 0 : i32
      %dma_wait3A_91 = arith.constant 0 : i32
      %dma_wait3A_92 = tpu.memref_slice %arg8[%run_scoped3A, %dma_wait3A_90, %dma_wait3A_91] : memref<2x8x128xi32, #tpu.memory_space<vmem>> -> memref<1x8x128xi32, #tpu.memory_space<vmem>>
      %dma_wait3A_93 = tpu.memref_squeeze %dma_wait3A_92 : memref<1x8x128xi32, #tpu.memory_space<vmem>> -> memref<8x128xi32, #tpu.memory_space<vmem>>
      %dma_wait3A_94 = arith.constant 0 : i32
      %dma_wait3A_95 = tpu.memref_slice %arg3[%add3A, %multiple_of3A_8, %dma_wait3A_94] : memref<32x80x128xi32, #tpu.memory_space<hbm>> -> memref<1x8x128xi32, #tpu.memory_space<hbm>>
      %dma_wait3A_96 = tpu.memref_squeeze %dma_wait3A_95 : memref<1x8x128xi32, #tpu.memory_space<hbm>> -> memref<8x128xi32, #tpu.memory_space<hbm>>
      tpu.wait_dma2 semaphore(%run_scoped3A_68 : memref<!tpu.dma_semaphore, #tpu.memory_space<semaphore_mem>>) src(%dma_wait3A_96 : memref<8x128xi32, #tpu.memory_space<hbm>>) dst(%dma_wait3A_93 : memref<8x128xi32, #tpu.memory_space<vmem>>)
      tpu.yield
    }) : () -> ()
    %run_scoped3A_9 = arith.constant 0 : i32
    "tpu.region"() ({
      %run_scoped3A_68 = tpu.sem_alloc : memref<!tpu.dma_semaphore, #tpu.memory_space<semaphore_mem>>
      %dma_start3A_69 = arith.constant 0 : i32
      %dma_start3A_70 = arith.constant 0 : i32
      %dma_start3A_71 = tpu.memref_slice %arg9[%run_scoped3A_9, %dma_start3A_69, %dma_start3A_70] : memref<2x8x128xi32, #tpu.memory_space<vmem>> -> memref<1x8x128xi32, #tpu.memory_space<vmem>>
      %dma_start3A_72 = tpu.memref_squeeze %dma_start3A_71 : memref<1x8x128xi32, #tpu.memory_space<vmem>> -> memref<8x128xi32, #tpu.memory_space<vmem>>
      %dma_start3A_73 = arith.constant 0 : i32
      %dma_start3A_74 = tpu.memref_slice %arg4[%add3A, %multiple_of3A_8, %dma_start3A_73] : memref<32x80x128xi32, #tpu.memory_space<hbm>> -> memref<1x8x128xi32, #tpu.memory_space<hbm>>
      %dma_start3A_75 = tpu.memref_squeeze %dma_start3A_74 : memref<1x8x128xi32, #tpu.memory_space<hbm>> -> memref<8x128xi32, #tpu.memory_space<hbm>>
      %dma_start3A_76 = arith.constant 0 : i32
      %dma_start3A_77 = arith.constant 0 : i32
      %dma_start3A_78 = tpu.memref_slice %arg9[%run_scoped3A_9, %dma_start3A_76, %dma_start3A_77] : memref<2x8x128xi32, #tpu.memory_space<vmem>> -> memref<1x8x128xi32, #tpu.memory_space<vmem>>
      %dma_start3A_79 = tpu.memref_squeeze %dma_start3A_78 : memref<1x8x128xi32, #tpu.memory_space<vmem>> -> memref<8x128xi32, #tpu.memory_space<vmem>>
      %dma_start3A_80 = arith.constant 0 : i32
      %dma_start3A_81 = tpu.memref_slice %arg4[%add3A, %multiple_of3A_8, %dma_start3A_80] : memref<32x80x128xi32, #tpu.memory_space<hbm>> -> memref<1x8x128xi32, #tpu.memory_space<hbm>>
      %dma_start3A_82 = tpu.memref_squeeze %dma_start3A_81 : memref<1x8x128xi32, #tpu.memory_space<hbm>> -> memref<8x128xi32, #tpu.memory_space<hbm>>
      tpu.enqueue_dma source(%dma_start3A_82 : memref<8x128xi32, #tpu.memory_space<hbm>>) target(%dma_start3A_79 : memref<8x128xi32, #tpu.memory_space<vmem>>) target_semaphore(%run_scoped3A_68 : memref<!tpu.dma_semaphore, #tpu.memory_space<semaphore_mem>>)
      %dma_wait3A_83 = arith.constant 0 : i32
      %dma_wait3A_84 = arith.constant 0 : i32
      %dma_wait3A_85 = tpu.memref_slice %arg9[%run_scoped3A_9, %dma_wait3A_83, %dma_wait3A_84] : memref<2x8x128xi32, #tpu.memory_space<vmem>> -> memref<1x8x128xi32, #tpu.memory_space<vmem>>
      %dma_wait3A_86 = tpu.memref_squeeze %dma_wait3A_85 : memref<1x8x128xi32, #tpu.memory_space<vmem>> -> memref<8x128xi32, #tpu.memory_space<vmem>>
      %dma_wait3A_87 = arith.constant 0 : i32
      %dma_wait3A_88 = tpu.memref_slice %arg4[%add3A, %multiple_of3A_8, %dma_wait3A_87] : memref<32x80x128xi32, #tpu.memory_space<hbm>> -> memref<1x8x128xi32, #tpu.memory_space<hbm>>
      %dma_wait3A_89 = tpu.memref_squeeze %dma_wait3A_88 : memref<1x8x128xi32, #tpu.memory_space<hbm>> -> memref<8x128xi32, #tpu.memory_space<hbm>>
      %dma_wait3A_90 = arith.constant 0 : i32
      %dma_wait3A_91 = arith.constant 0 : i32
      %dma_wait3A_92 = tpu.memref_slice %arg9[%run_scoped3A_9, %dma_wait3A_90, %dma_wait3A_91] : memref<2x8x128xi32, #tpu.memory_space<vmem>> -> memref<1x8x128xi32, #tpu.memory_space<vmem>>
      %dma_wait3A_93 = tpu.memref_squeeze %dma_wait3A_92 : memref<1x8x128xi32, #tpu.memory_space<vmem>> -> memref<8x128xi32, #tpu.memory_space<vmem>>
      %dma_wait3A_94 = arith.constant 0 : i32
      %dma_wait3A_95 = tpu.memref_slice %arg4[%add3A, %multiple_of3A_8, %dma_wait3A_94] : memref<32x80x128xi32, #tpu.memory_space<hbm>> -> memref<1x8x128xi32, #tpu.memory_space<hbm>>
      %dma_wait3A_96 = tpu.memref_squeeze %dma_wait3A_95 : memref<1x8x128xi32, #tpu.memory_space<hbm>> -> memref<8x128xi32, #tpu.memory_space<hbm>>
      tpu.wait_dma2 semaphore(%run_scoped3A_68 : memref<!tpu.dma_semaphore, #tpu.memory_space<semaphore_mem>>) src(%dma_wait3A_96 : memref<8x128xi32, #tpu.memory_space<hbm>>) dst(%dma_wait3A_93 : memref<8x128xi32, #tpu.memory_space<vmem>>)
      tpu.yield
    }) : () -> ()
    %rem3A = arith.constant 0 : i32
    %rem3A_10 = arith.constant 8 : i32
    %rem3A_11 = arith.remsi %rem3A, %rem3A_10 : i32
    %dma_start3A_12 = arith.constant 0 : i32
    %dma_start3A_13 = arith.constant 0 : i32
    %dma_start3A_14 = tpu.memref_slice %arg8[%dma_start3A_12, %rem3A_11, %dma_start3A_13] : memref<2x8x128xi32, #tpu.memory_space<vmem>> -> memref<1x1x128xi32, #tpu.memory_space<vmem>>
    %dma_start3A_15 = tpu.memref_squeeze %dma_start3A_14 : memref<1x1x128xi32, #tpu.memory_space<vmem>> -> memref<128xi32, #tpu.memory_space<vmem>>
    %dma_start3A_16 = arith.constant 0 : i32
    %dma_start3A_17 = arith.constant 0 : i32
    %dma_start3A_18 = tpu.memref_slice %arg2[%dma_start3A_16, %dma_start3A_17] : memref<10000x128xf32, #tpu.memory_space<hbm>> -> memref<10000x128xf32, #tpu.memory_space<hbm>>
    tpu.enqueue_indirect_dma source(%dma_start3A_18 : memref<10000x128xf32, #tpu.memory_space<hbm>>) target(%arg12 : memref<128x128xf32, #tpu.memory_space<vmem>>) offsets(%dma_start3A_15 : memref<128xi32, #tpu.memory_space<vmem>>) semaphore(%arg15 : memref<!tpu.dma_semaphore, #tpu.memory_space<semaphore_mem>>)
    %dma_wait3A = arith.constant 0 : i32
    %dma_wait3A_19 = tpu.memref_slice %arg14[%multiple_of3A, %dma_wait3A] : memref<10000x128xf32, #tpu.memory_space<vmem_shared>> -> memref<640x128xf32, #tpu.memory_space<vmem_shared>>
    %dma_wait3A_20 = arith.constant 0 : i32
    %dma_wait3A_21 = tpu.memref_slice %arg2[%multiple_of3A, %dma_wait3A_20] : memref<10000x128xf32, #tpu.memory_space<hbm>> -> memref<640x128xf32, #tpu.memory_space<hbm>>
    tpu.wait_dma2 semaphore(%arg17 : memref<!tpu.dma_semaphore, #tpu.memory_space<semaphore_mem>>) src(%dma_wait3A_21 : memref<640x128xf32, #tpu.memory_space<hbm>>) dst(%dma_wait3A_19 : memref<640x128xf32, #tpu.memory_space<vmem_shared>>)
    %barrier3A = arith.constant 0 : index
    tpu.barrier barrier_id(%barrier3A)
    %scan3A = arith.constant 0 : i32
    %scan3A_22 = arith.constant 0 : i32
    %scan3A_23 = arith.constant 38 : i32
    %scan3A_24 = arith.addi %scan3A_22, %scan3A_23 : i32
    %scan3A_25 = arith.constant 1 : i32
    scf.for %scan3A_68 = %scan3A_22 to %scan3A_24 step %scan3A_25  : i32 {
      %mul3A_69 = arith.constant 2 : i32
      %mul3A_70 = arith.muli %mul3A_69, %scan3A_68 : i32
      %rem3A_71 = arith.constant 8 : i32
      %rem3A_72 = arith.remsi %mul3A_70, %rem3A_71 : i32
      %eq3A = arith.constant 0 : i32
      %eq3A_73 = arith.cmpi eq, %rem3A_72, %eq3A : i32
      %add3A_74 = arith.constant 8 : i32
      %add3A_75 = arith.addi %mul3A_70, %add3A_74 : i32
      %lt3A_76 = arith.constant 80 : i32
      %lt3A_77 = arith.cmpi slt, %add3A_75, %lt3A_76 : i32
      %and3A = arith.andi %eq3A_73, %lt3A_77 : i1
      %convert_element_type3A_78 = arith.extui %and3A : i1 to i32
      %cond3A_79 = arith.constant 0 : i32
      %cond3A_80 = arith.cmpi ne, %convert_element_type3A_78, %cond3A_79 : i32
      scf.if %cond3A_80 {
        %jit3A_359 = arith.constant 8 : i32
        %div3A_360 = arith.divsi %mul3A_70, %jit3A_359 : i32
        %sign3A_361 = arith.constant 0 : i32
        %sign3A_362 = arith.cmpi sgt, %mul3A_70, %sign3A_361 : i32
        %sign3A_363 = arith.extui %sign3A_362 : i1 to i32
        %sign3A_364 = arith.constant 0 : i32
        %sign3A_365 = arith.cmpi slt, %mul3A_70, %sign3A_364 : i32
        %sign3A_366 = arith.extui %sign3A_365 : i1 to i32
        %sign3A_367 = arith.subi %sign3A_363, %sign3A_366 : i32
        %sign3A_368 = arith.constant 0 : i32
        %sign3A_369 = arith.cmpi sgt, %jit3A_359, %sign3A_368 : i32
        %sign3A_370 = arith.extui %sign3A_369 : i1 to i32
        %sign3A_371 = arith.constant 0 : i32
        %sign3A_372 = arith.cmpi slt, %jit3A_359, %sign3A_371 : i32
        %sign3A_373 = arith.extui %sign3A_372 : i1 to i32
        %sign3A_374 = arith.subi %sign3A_370, %sign3A_373 : i32
        %ne3A_375 = arith.cmpi ne, %sign3A_367, %sign3A_374 : i32
        %rem3A_376 = arith.remsi %mul3A_70, %jit3A_359 : i32
        %ne3A_377 = arith.constant 0 : i32
        %ne3A_378 = arith.cmpi ne, %rem3A_376, %ne3A_377 : i32
        %and3A_379 = arith.andi %ne3A_375, %ne3A_378 : i1
        %sub3A_380 = arith.constant 1 : i32
        %sub3A_381 = arith.subi %div3A_360, %sub3A_380 : i32
        %select_n3A_382 = arith.select %and3A_379, %sub3A_381, %div3A_360 : i32
        %add3A_383 = arith.constant 1 : i32
        %add3A_384 = arith.addi %select_n3A_382, %add3A_383 : i32
        %jit3A_385 = arith.constant 2 : i32
        %eq3A_386 = arith.constant 0 : i32
        %eq3A_387 = arith.cmpi eq, %jit3A_385, %eq3A_386 : i32
        %jit3A_388 = arith.constant 1 : i32
        %select_n3A_389 = arith.select %eq3A_387, %jit3A_388, %jit3A_385 : i32
        %rem3A_390 = arith.remsi %add3A_384, %select_n3A_389 : i32
        %ne3A_391 = arith.constant 0 : i32
        %ne3A_392 = arith.cmpi ne, %rem3A_390, %ne3A_391 : i32
        %lt3A_393 = arith.constant 0 : i32
        %lt3A_394 = arith.cmpi slt, %rem3A_390, %lt3A_393 : i32
        %lt3A_395 = arith.constant 0 : i32
        %lt3A_396 = arith.cmpi slt, %select_n3A_389, %lt3A_395 : i32
        %ne3A_397 = arith.xori %lt3A_394, %lt3A_396 : i1
        %and3A_398 = arith.andi %ne3A_397, %ne3A_392 : i1
        %add3A_399 = arith.addi %rem3A_390, %select_n3A_389 : i32
        %select_n3A_400 = arith.select %and3A_398, %add3A_399, %rem3A_390 : i32
        %add3A_401 = arith.constant 8 : i32
        %add3A_402 = arith.addi %mul3A_70, %add3A_401 : i32
        %multiple_of3A_403 = tpu.assume_multiple %add3A_402, 8 : i32
        "tpu.region"() ({
          %run_scoped3A_404 = tpu.sem_alloc : memref<!tpu.dma_semaphore, #tpu.memory_space<semaphore_mem>>
          %dma_start3A_405 = arith.constant 0 : i32
          %dma_start3A_406 = arith.constant 0 : i32
          %dma_start3A_407 = tpu.memref_slice %arg8[%select_n3A_400, %dma_start3A_405, %dma_start3A_406] : memref<2x8x128xi32, #tpu.memory_space<vmem>> -> memref<1x8x128xi32, #tpu.memory_space<vmem>>
          %dma_start3A_408 = tpu.memref_squeeze %dma_start3A_407 : memref<1x8x128xi32, #tpu.memory_space<vmem>> -> memref<8x128xi32, #tpu.memory_space<vmem>>
          %dma_start3A_409 = arith.constant 0 : i32
          %dma_start3A_410 = tpu.memref_slice %arg3[%add3A, %multiple_of3A_403, %dma_start3A_409] : memref<32x80x128xi32, #tpu.memory_space<hbm>> -> memref<1x8x128xi32, #tpu.memory_space<hbm>>
          %dma_start3A_411 = tpu.memref_squeeze %dma_start3A_410 : memref<1x8x128xi32, #tpu.memory_space<hbm>> -> memref<8x128xi32, #tpu.memory_space<hbm>>
          %dma_start3A_412 = arith.constant 0 : i32
          %dma_start3A_413 = arith.constant 0 : i32
          %dma_start3A_414 = tpu.memref_slice %arg8[%select_n3A_400, %dma_start3A_412, %dma_start3A_413] : memref<2x8x128xi32, #tpu.memory_space<vmem>> -> memref<1x8x128xi32, #tpu.memory_space<vmem>>
          %dma_start3A_415 = tpu.memref_squeeze %dma_start3A_414 : memref<1x8x128xi32, #tpu.memory_space<vmem>> -> memref<8x128xi32, #tpu.memory_space<vmem>>
          %dma_start3A_416 = arith.constant 0 : i32
          %dma_start3A_417 = tpu.memref_slice %arg3[%add3A, %multiple_of3A_403, %dma_start3A_416] : memref<32x80x128xi32, #tpu.memory_space<hbm>> -> memref<1x8x128xi32, #tpu.memory_space<hbm>>
          %dma_start3A_418 = tpu.memref_squeeze %dma_start3A_417 : memref<1x8x128xi32, #tpu.memory_space<hbm>> -> memref<8x128xi32, #tpu.memory_space<hbm>>
          tpu.enqueue_dma source(%dma_start3A_418 : memref<8x128xi32, #tpu.memory_space<hbm>>) target(%dma_start3A_415 : memref<8x128xi32, #tpu.memory_space<vmem>>) target_semaphore(%run_scoped3A_404 : memref<!tpu.dma_semaphore, #tpu.memory_space<semaphore_mem>>)
          %dma_wait3A_419 = arith.constant 0 : i32
          %dma_wait3A_420 = arith.constant 0 : i32
          %dma_wait3A_421 = tpu.memref_slice %arg8[%select_n3A_400, %dma_wait3A_419, %dma_wait3A_420] : memref<2x8x128xi32, #tpu.memory_space<vmem>> -> memref<1x8x128xi32, #tpu.memory_space<vmem>>
          %dma_wait3A_422 = tpu.memref_squeeze %dma_wait3A_421 : memref<1x8x128xi32, #tpu.memory_space<vmem>> -> memref<8x128xi32, #tpu.memory_space<vmem>>
          %dma_wait3A_423 = arith.constant 0 : i32
          %dma_wait3A_424 = tpu.memref_slice %arg3[%add3A, %multiple_of3A_403, %dma_wait3A_423] : memref<32x80x128xi32, #tpu.memory_space<hbm>> -> memref<1x8x128xi32, #tpu.memory_space<hbm>>
          %dma_wait3A_425 = tpu.memref_squeeze %dma_wait3A_424 : memref<1x8x128xi32, #tpu.memory_space<hbm>> -> memref<8x128xi32, #tpu.memory_space<hbm>>
          %dma_wait3A_426 = arith.constant 0 : i32
          %dma_wait3A_427 = arith.constant 0 : i32
          %dma_wait3A_428 = tpu.memref_slice %arg8[%select_n3A_400, %dma_wait3A_426, %dma_wait3A_427] : memref<2x8x128xi32, #tpu.memory_space<vmem>> -> memref<1x8x128xi32, #tpu.memory_space<vmem>>
          %dma_wait3A_429 = tpu.memref_squeeze %dma_wait3A_428 : memref<1x8x128xi32, #tpu.memory_space<vmem>> -> memref<8x128xi32, #tpu.memory_space<vmem>>
          %dma_wait3A_430 = arith.constant 0 : i32
          %dma_wait3A_431 = tpu.memref_slice %arg3[%add3A, %multiple_of3A_403, %dma_wait3A_430] : memref<32x80x128xi32, #tpu.memory_space<hbm>> -> memref<1x8x128xi32, #tpu.memory_space<hbm>>
          %dma_wait3A_432 = tpu.memref_squeeze %dma_wait3A_431 : memref<1x8x128xi32, #tpu.memory_space<hbm>> -> memref<8x128xi32, #tpu.memory_space<hbm>>
          tpu.wait_dma2 semaphore(%run_scoped3A_404 : memref<!tpu.dma_semaphore, #tpu.memory_space<semaphore_mem>>) src(%dma_wait3A_432 : memref<8x128xi32, #tpu.memory_space<hbm>>) dst(%dma_wait3A_429 : memref<8x128xi32, #tpu.memory_space<vmem>>)
          tpu.yield
        }) : () -> ()
        "tpu.region"() ({
          %run_scoped3A_404 = tpu.sem_alloc : memref<!tpu.dma_semaphore, #tpu.memory_space<semaphore_mem>>
          %dma_start3A_405 = arith.constant 0 : i32
          %dma_start3A_406 = arith.constant 0 : i32
          %dma_start3A_407 = tpu.memref_slice %arg9[%select_n3A_400, %dma_start3A_405, %dma_start3A_406] : memref<2x8x128xi32, #tpu.memory_space<vmem>> -> memref<1x8x128xi32, #tpu.memory_space<vmem>>
          %dma_start3A_408 = tpu.memref_squeeze %dma_start3A_407 : memref<1x8x128xi32, #tpu.memory_space<vmem>> -> memref<8x128xi32, #tpu.memory_space<vmem>>
          %dma_start3A_409 = arith.constant 0 : i32
          %dma_start3A_410 = tpu.memref_slice %arg4[%add3A, %multiple_of3A_403, %dma_start3A_409] : memref<32x80x128xi32, #tpu.memory_space<hbm>> -> memref<1x8x128xi32, #tpu.memory_space<hbm>>
          %dma_start3A_411 = tpu.memref_squeeze %dma_start3A_410 : memref<1x8x128xi32, #tpu.memory_space<hbm>> -> memref<8x128xi32, #tpu.memory_space<hbm>>
          %dma_start3A_412 = arith.constant 0 : i32
          %dma_start3A_413 = arith.constant 0 : i32
          %dma_start3A_414 = tpu.memref_slice %arg9[%select_n3A_400, %dma_start3A_412, %dma_start3A_413] : memref<2x8x128xi32, #tpu.memory_space<vmem>> -> memref<1x8x128xi32, #tpu.memory_space<vmem>>
          %dma_start3A_415 = tpu.memref_squeeze %dma_start3A_414 : memref<1x8x128xi32, #tpu.memory_space<vmem>> -> memref<8x128xi32, #tpu.memory_space<vmem>>
          %dma_start3A_416 = arith.constant 0 : i32
          %dma_start3A_417 = tpu.memref_slice %arg4[%add3A, %multiple_of3A_403, %dma_start3A_416] : memref<32x80x128xi32, #tpu.memory_space<hbm>> -> memref<1x8x128xi32, #tpu.memory_space<hbm>>
          %dma_start3A_418 = tpu.memref_squeeze %dma_start3A_417 : memref<1x8x128xi32, #tpu.memory_space<hbm>> -> memref<8x128xi32, #tpu.memory_space<hbm>>
          tpu.enqueue_dma source(%dma_start3A_418 : memref<8x128xi32, #tpu.memory_space<hbm>>) target(%dma_start3A_415 : memref<8x128xi32, #tpu.memory_space<vmem>>) target_semaphore(%run_scoped3A_404 : memref<!tpu.dma_semaphore, #tpu.memory_space<semaphore_mem>>)
          %dma_wait3A_419 = arith.constant 0 : i32
          %dma_wait3A_420 = arith.constant 0 : i32
          %dma_wait3A_421 = tpu.memref_slice %arg9[%select_n3A_400, %dma_wait3A_419, %dma_wait3A_420] : memref<2x8x128xi32, #tpu.memory_space<vmem>> -> memref<1x8x128xi32, #tpu.memory_space<vmem>>
          %dma_wait3A_422 = tpu.memref_squeeze %dma_wait3A_421 : memref<1x8x128xi32, #tpu.memory_space<vmem>> -> memref<8x128xi32, #tpu.memory_space<vmem>>
          %dma_wait3A_423 = arith.constant 0 : i32
          %dma_wait3A_424 = tpu.memref_slice %arg4[%add3A, %multiple_of3A_403, %dma_wait3A_423] : memref<32x80x128xi32, #tpu.memory_space<hbm>> -> memref<1x8x128xi32, #tpu.memory_space<hbm>>
          %dma_wait3A_425 = tpu.memref_squeeze %dma_wait3A_424 : memref<1x8x128xi32, #tpu.memory_space<hbm>> -> memref<8x128xi32, #tpu.memory_space<hbm>>
          %dma_wait3A_426 = arith.constant 0 : i32
          %dma_wait3A_427 = arith.constant 0 : i32
          %dma_wait3A_428 = tpu.memref_slice %arg9[%select_n3A_400, %dma_wait3A_426, %dma_wait3A_427] : memref<2x8x128xi32, #tpu.memory_space<vmem>> -> memref<1x8x128xi32, #tpu.memory_space<vmem>>
          %dma_wait3A_429 = tpu.memref_squeeze %dma_wait3A_428 : memref<1x8x128xi32, #tpu.memory_space<vmem>> -> memref<8x128xi32, #tpu.memory_space<vmem>>
          %dma_wait3A_430 = arith.constant 0 : i32
          %dma_wait3A_431 = tpu.memref_slice %arg4[%add3A, %multiple_of3A_403, %dma_wait3A_430] : memref<32x80x128xi32, #tpu.memory_space<hbm>> -> memref<1x8x128xi32, #tpu.memory_space<hbm>>
          %dma_wait3A_432 = tpu.memref_squeeze %dma_wait3A_431 : memref<1x8x128xi32, #tpu.memory_space<hbm>> -> memref<8x128xi32, #tpu.memory_space<hbm>>
          tpu.wait_dma2 semaphore(%run_scoped3A_404 : memref<!tpu.dma_semaphore, #tpu.memory_space<semaphore_mem>>) src(%dma_wait3A_432 : memref<8x128xi32, #tpu.memory_space<hbm>>) dst(%dma_wait3A_429 : memref<8x128xi32, #tpu.memory_space<vmem>>)
          tpu.yield
        }) : () -> ()
      } else {
      }
      %add3A_81 = arith.constant 1 : i32
      %add3A_82 = arith.addi %mul3A_70, %add3A_81 : i32
      %jit3A = arith.constant 8 : i32
      %div3A = arith.divsi %add3A_82, %jit3A : i32
      %sign3A = arith.constant 0 : i32
      %sign3A_83 = arith.cmpi sgt, %add3A_82, %sign3A : i32
      %sign3A_84 = arith.extui %sign3A_83 : i1 to i32
      %sign3A_85 = arith.constant 0 : i32
      %sign3A_86 = arith.cmpi slt, %add3A_82, %sign3A_85 : i32
      %sign3A_87 = arith.extui %sign3A_86 : i1 to i32
      %sign3A_88 = arith.subi %sign3A_84, %sign3A_87 : i32
      %sign3A_89 = arith.constant 0 : i32
      %sign3A_90 = arith.cmpi sgt, %jit3A, %sign3A_89 : i32
      %sign3A_91 = arith.extui %sign3A_90 : i1 to i32
      %sign3A_92 = arith.constant 0 : i32
      %sign3A_93 = arith.cmpi slt, %jit3A, %sign3A_92 : i32
      %sign3A_94 = arith.extui %sign3A_93 : i1 to i32
      %sign3A_95 = arith.subi %sign3A_91, %sign3A_94 : i32
      %ne3A = arith.cmpi ne, %sign3A_88, %sign3A_95 : i32
      %rem3A_96 = arith.remsi %add3A_82, %jit3A : i32
      %ne3A_97 = arith.constant 0 : i32
      %ne3A_98 = arith.cmpi ne, %rem3A_96, %ne3A_97 : i32
      %and3A_99 = arith.andi %ne3A, %ne3A_98 : i1
      %sub3A = arith.constant 1 : i32
      %sub3A_100 = arith.subi %div3A, %sub3A : i32
      %select_n3A = arith.select %and3A_99, %sub3A_100, %div3A : i32
      %jit3A_101 = arith.constant 2 : i32
      %eq3A_102 = arith.constant 0 : i32
      %eq3A_103 = arith.cmpi eq, %jit3A_101, %eq3A_102 : i32
      %jit3A_104 = arith.constant 1 : i32
      %select_n3A_105 = arith.select %eq3A_103, %jit3A_104, %jit3A_101 : i32
      %rem3A_106 = arith.remsi %select_n3A, %select_n3A_105 : i32
      %ne3A_107 = arith.constant 0 : i32
      %ne3A_108 = arith.cmpi ne, %rem3A_106, %ne3A_107 : i32
      %lt3A_109 = arith.constant 0 : i32
      %lt3A_110 = arith.cmpi slt, %rem3A_106, %lt3A_109 : i32
      %lt3A_111 = arith.constant 0 : i32
      %lt3A_112 = arith.cmpi slt, %select_n3A_105, %lt3A_111 : i32
      %ne3A_113 = arith.xori %lt3A_110, %lt3A_112 : i1
      %and3A_114 = arith.andi %ne3A_113, %ne3A_108 : i1
      %add3A_115 = arith.addi %rem3A_106, %select_n3A_105 : i32
      %select_n3A_116 = arith.select %and3A_114, %add3A_115, %rem3A_106 : i32
      %rem3A_117 = arith.constant 8 : i32
      %rem3A_118 = arith.remsi %add3A_82, %rem3A_117 : i32
      %dma_start3A_119 = arith.constant 0 : i32
      %dma_start3A_120 = tpu.memref_slice %arg8[%select_n3A_116, %rem3A_118, %dma_start3A_119] : memref<2x8x128xi32, #tpu.memory_space<vmem>> -> memref<1x1x128xi32, #tpu.memory_space<vmem>>
      %dma_start3A_121 = tpu.memref_squeeze %dma_start3A_120 : memref<1x1x128xi32, #tpu.memory_space<vmem>> -> memref<128xi32, #tpu.memory_space<vmem>>
      %dma_start3A_122 = arith.constant 0 : i32
      %dma_start3A_123 = arith.constant 0 : i32
      %dma_start3A_124 = tpu.memref_slice %arg2[%dma_start3A_122, %dma_start3A_123] : memref<10000x128xf32, #tpu.memory_space<hbm>> -> memref<10000x128xf32, #tpu.memory_space<hbm>>
      tpu.enqueue_indirect_dma source(%dma_start3A_124 : memref<10000x128xf32, #tpu.memory_space<hbm>>) target(%arg13 : memref<128x128xf32, #tpu.memory_space<vmem>>) offsets(%dma_start3A_121 : memref<128xi32, #tpu.memory_space<vmem>>) semaphore(%arg16 : memref<!tpu.dma_semaphore, #tpu.memory_space<semaphore_mem>>)
      %jit3A_125 = arith.constant 8 : i32
      %div3A_126 = arith.divsi %mul3A_70, %jit3A_125 : i32
      %sign3A_127 = arith.constant 0 : i32
      %sign3A_128 = arith.cmpi sgt, %mul3A_70, %sign3A_127 : i32
      %sign3A_129 = arith.extui %sign3A_128 : i1 to i32
      %sign3A_130 = arith.constant 0 : i32
      %sign3A_131 = arith.cmpi slt, %mul3A_70, %sign3A_130 : i32
      %sign3A_132 = arith.extui %sign3A_131 : i1 to i32
      %sign3A_133 = arith.subi %sign3A_129, %sign3A_132 : i32
      %sign3A_134 = arith.constant 0 : i32
      %sign3A_135 = arith.cmpi sgt, %jit3A_125, %sign3A_134 : i32
      %sign3A_136 = arith.extui %sign3A_135 : i1 to i32
      %sign3A_137 = arith.constant 0 : i32
      %sign3A_138 = arith.cmpi slt, %jit3A_125, %sign3A_137 : i32
      %sign3A_139 = arith.extui %sign3A_138 : i1 to i32
      %sign3A_140 = arith.subi %sign3A_136, %sign3A_139 : i32
      %ne3A_141 = arith.cmpi ne, %sign3A_133, %sign3A_140 : i32
      %rem3A_142 = arith.remsi %mul3A_70, %jit3A_125 : i32
      %ne3A_143 = arith.constant 0 : i32
      %ne3A_144 = arith.cmpi ne, %rem3A_142, %ne3A_143 : i32
      %and3A_145 = arith.andi %ne3A_141, %ne3A_144 : i1
      %sub3A_146 = arith.constant 1 : i32
      %sub3A_147 = arith.subi %div3A_126, %sub3A_146 : i32
      %select_n3A_148 = arith.select %and3A_145, %sub3A_147, %div3A_126 : i32
      %jit3A_149 = arith.constant 2 : i32
      %eq3A_150 = arith.constant 0 : i32
      %eq3A_151 = arith.cmpi eq, %jit3A_149, %eq3A_150 : i32
      %jit3A_152 = arith.constant 1 : i32
      %select_n3A_153 = arith.select %eq3A_151, %jit3A_152, %jit3A_149 : i32
      %rem3A_154 = arith.remsi %select_n3A_148, %select_n3A_153 : i32
      %ne3A_155 = arith.constant 0 : i32
      %ne3A_156 = arith.cmpi ne, %rem3A_154, %ne3A_155 : i32
      %lt3A_157 = arith.constant 0 : i32
      %lt3A_158 = arith.cmpi slt, %rem3A_154, %lt3A_157 : i32
      %lt3A_159 = arith.constant 0 : i32
      %lt3A_160 = arith.cmpi slt, %select_n3A_153, %lt3A_159 : i32
      %ne3A_161 = arith.xori %lt3A_158, %lt3A_160 : i1
      %and3A_162 = arith.andi %ne3A_161, %ne3A_156 : i1
      %add3A_163 = arith.addi %rem3A_154, %select_n3A_153 : i32
      %select_n3A_164 = arith.select %and3A_162, %add3A_163, %rem3A_154 : i32
      %rem3A_165 = arith.constant 8 : i32
      %rem3A_166 = arith.remsi %mul3A_70, %rem3A_165 : i32
      %dma_wait3A_167 = arith.constant 0 : i32
      %dma_wait3A_168 = tpu.memref_slice %arg8[%select_n3A_164, %rem3A_166, %dma_wait3A_167] : memref<2x8x128xi32, #tpu.memory_space<vmem>> -> memref<1x1x128xi32, #tpu.memory_space<vmem>>
      %dma_wait3A_169 = tpu.memref_squeeze %dma_wait3A_168 : memref<1x1x128xi32, #tpu.memory_space<vmem>> -> memref<128xi32, #tpu.memory_space<vmem>>
      %dma_wait3A_170 = arith.constant 0 : i32
      %dma_wait3A_171 = arith.constant 0 : i32
      %dma_wait3A_172 = tpu.memref_slice %arg2[%dma_wait3A_170, %dma_wait3A_171] : memref<10000x128xf32, #tpu.memory_space<hbm>> -> memref<10000x128xf32, #tpu.memory_space<hbm>>
      tpu.wait_indirect_dma semaphore(%arg15 : memref<!tpu.dma_semaphore, #tpu.memory_space<semaphore_mem>>) src(%dma_wait3A_172 : memref<10000x128xf32, #tpu.memory_space<hbm>>) dst(%arg12 : memref<128x128xf32, #tpu.memory_space<vmem>>)
      %jit3A_173 = arith.constant 8 : i32
      %div3A_174 = arith.divsi %mul3A_70, %jit3A_173 : i32
      %sign3A_175 = arith.constant 0 : i32
      %sign3A_176 = arith.cmpi sgt, %mul3A_70, %sign3A_175 : i32
      %sign3A_177 = arith.extui %sign3A_176 : i1 to i32
      %sign3A_178 = arith.constant 0 : i32
      %sign3A_179 = arith.cmpi slt, %mul3A_70, %sign3A_178 : i32
      %sign3A_180 = arith.extui %sign3A_179 : i1 to i32
      %sign3A_181 = arith.subi %sign3A_177, %sign3A_180 : i32
      %sign3A_182 = arith.constant 0 : i32
      %sign3A_183 = arith.cmpi sgt, %jit3A_173, %sign3A_182 : i32
      %sign3A_184 = arith.extui %sign3A_183 : i1 to i32
      %sign3A_185 = arith.constant 0 : i32
      %sign3A_186 = arith.cmpi slt, %jit3A_173, %sign3A_185 : i32
      %sign3A_187 = arith.extui %sign3A_186 : i1 to i32
      %sign3A_188 = arith.subi %sign3A_184, %sign3A_187 : i32
      %ne3A_189 = arith.cmpi ne, %sign3A_181, %sign3A_188 : i32
      %rem3A_190 = arith.remsi %mul3A_70, %jit3A_173 : i32
      %ne3A_191 = arith.constant 0 : i32
      %ne3A_192 = arith.cmpi ne, %rem3A_190, %ne3A_191 : i32
      %and3A_193 = arith.andi %ne3A_189, %ne3A_192 : i1
      %sub3A_194 = arith.constant 1 : i32
      %sub3A_195 = arith.subi %div3A_174, %sub3A_194 : i32
      %select_n3A_196 = arith.select %and3A_193, %sub3A_195, %div3A_174 : i32
      %jit3A_197 = arith.constant 2 : i32
      %eq3A_198 = arith.constant 0 : i32
      %eq3A_199 = arith.cmpi eq, %jit3A_197, %eq3A_198 : i32
      %jit3A_200 = arith.constant 1 : i32
      %select_n3A_201 = arith.select %eq3A_199, %jit3A_200, %jit3A_197 : i32
      %rem3A_202 = arith.remsi %select_n3A_196, %select_n3A_201 : i32
      %ne3A_203 = arith.constant 0 : i32
      %ne3A_204 = arith.cmpi ne, %rem3A_202, %ne3A_203 : i32
      %lt3A_205 = arith.constant 0 : i32
      %lt3A_206 = arith.cmpi slt, %rem3A_202, %lt3A_205 : i32
      %lt3A_207 = arith.constant 0 : i32
      %lt3A_208 = arith.cmpi slt, %select_n3A_201, %lt3A_207 : i32
      %ne3A_209 = arith.xori %lt3A_206, %lt3A_208 : i1
      %and3A_210 = arith.andi %ne3A_209, %ne3A_204 : i1
      %add3A_211 = arith.addi %rem3A_202, %select_n3A_201 : i32
      %select_n3A_212 = arith.select %and3A_210, %add3A_211, %rem3A_202 : i32
      %rem3A_213 = arith.constant 8 : i32
      %rem3A_214 = arith.remsi %mul3A_70, %rem3A_213 : i32
      "tpu.region"() ({
        %run_scoped3A_359 = tpu.sem_alloc : memref<!tpu.dma_semaphore, #tpu.memory_space<semaphore_mem>>
        %dma_start3A_360 = arith.constant 0 : i32
        %dma_start3A_361 = tpu.memref_slice %arg9[%select_n3A_212, %rem3A_214, %dma_start3A_360] : memref<2x8x128xi32, #tpu.memory_space<vmem>> -> memref<1x1x128xi32, #tpu.memory_space<vmem>>
        %dma_start3A_362 = tpu.memref_squeeze %dma_start3A_361 : memref<1x1x128xi32, #tpu.memory_space<vmem>> -> memref<128xi32, #tpu.memory_space<vmem>>
        %dma_start3A_363 = arith.constant 0 : i32
        %dma_start3A_364 = arith.constant 0 : i32
        %dma_start3A_365 = tpu.memref_slice %arg14[%dma_start3A_363, %dma_start3A_364] : memref<10000x128xf32, #tpu.memory_space<vmem_shared>> -> memref<10000x128xf32, #tpu.memory_space<vmem_shared>>
        tpu.enqueue_indirect_dma source(%arg12 : memref<128x128xf32, #tpu.memory_space<vmem>>) target(%dma_start3A_365 : memref<10000x128xf32, #tpu.memory_space<vmem_shared>>) offsets(%dma_start3A_362 : memref<128xi32, #tpu.memory_space<vmem>>) semaphore(%run_scoped3A_359 : memref<!tpu.dma_semaphore, #tpu.memory_space<semaphore_mem>>) {add = true}
        %dma_wait3A_366 = arith.constant 0 : i32
        %dma_wait3A_367 = tpu.memref_slice %arg9[%select_n3A_212, %rem3A_214, %dma_wait3A_366] : memref<2x8x128xi32, #tpu.memory_space<vmem>> -> memref<1x1x128xi32, #tpu.memory_space<vmem>>
        %dma_wait3A_368 = tpu.memref_squeeze %dma_wait3A_367 : memref<1x1x128xi32, #tpu.memory_space<vmem>> -> memref<128xi32, #tpu.memory_space<vmem>>
        %dma_wait3A_369 = arith.constant 0 : i32
        %dma_wait3A_370 = arith.constant 0 : i32
        %dma_wait3A_371 = tpu.memref_slice %arg14[%dma_wait3A_369, %dma_wait3A_370] : memref<10000x128xf32, #tpu.memory_space<vmem_shared>> -> memref<10000x128xf32, #tpu.memory_space<vmem_shared>>
        tpu.wait_indirect_dma semaphore(%run_scoped3A_359 : memref<!tpu.dma_semaphore, #tpu.memory_space<semaphore_mem>>) src(%arg12 : memref<128x128xf32, #tpu.memory_space<vmem>>) dst(%dma_wait3A_371 : memref<10000x128xf32, #tpu.memory_space<vmem_shared>>)
        tpu.yield
      }) : () -> ()
      %add3A_215 = arith.constant 2 : i32
      %add3A_216 = arith.addi %mul3A_70, %add3A_215 : i32
      %jit3A_217 = arith.constant 8 : i32
      %div3A_218 = arith.divsi %add3A_216, %jit3A_217 : i32
      %sign3A_219 = arith.constant 0 : i32
      %sign3A_220 = arith.cmpi sgt, %add3A_216, %sign3A_219 : i32
      %sign3A_221 = arith.extui %sign3A_220 : i1 to i32
      %sign3A_222 = arith.constant 0 : i32
      %sign3A_223 = arith.cmpi slt, %add3A_216, %sign3A_222 : i32
      %sign3A_224 = arith.extui %sign3A_223 : i1 to i32
      %sign3A_225 = arith.subi %sign3A_221, %sign3A_224 : i32
      %sign3A_226 = arith.constant 0 : i32
      %sign3A_227 = arith.cmpi sgt, %jit3A_217, %sign3A_226 : i32
      %sign3A_228 = arith.extui %sign3A_227 : i1 to i32
      %sign3A_229 = arith.constant 0 : i32
      %sign3A_230 = arith.cmpi slt, %jit3A_217, %sign3A_229 : i32
      %sign3A_231 = arith.extui %sign3A_230 : i1 to i32
      %sign3A_232 = arith.subi %sign3A_228, %sign3A_231 : i32
      %ne3A_233 = arith.cmpi ne, %sign3A_225, %sign3A_232 : i32
      %rem3A_234 = arith.remsi %add3A_216, %jit3A_217 : i32
      %ne3A_235 = arith.constant 0 : i32
      %ne3A_236 = arith.cmpi ne, %rem3A_234, %ne3A_235 : i32
      %and3A_237 = arith.andi %ne3A_233, %ne3A_236 : i1
      %sub3A_238 = arith.constant 1 : i32
      %sub3A_239 = arith.subi %div3A_218, %sub3A_238 : i32
      %select_n3A_240 = arith.select %and3A_237, %sub3A_239, %div3A_218 : i32
      %jit3A_241 = arith.constant 2 : i32
      %eq3A_242 = arith.constant 0 : i32
      %eq3A_243 = arith.cmpi eq, %jit3A_241, %eq3A_242 : i32
      %jit3A_244 = arith.constant 1 : i32
      %select_n3A_245 = arith.select %eq3A_243, %jit3A_244, %jit3A_241 : i32
      %rem3A_246 = arith.remsi %select_n3A_240, %select_n3A_245 : i32
      %ne3A_247 = arith.constant 0 : i32
      %ne3A_248 = arith.cmpi ne, %rem3A_246, %ne3A_247 : i32
      %lt3A_249 = arith.constant 0 : i32
      %lt3A_250 = arith.cmpi slt, %rem3A_246, %lt3A_249 : i32
      %lt3A_251 = arith.constant 0 : i32
      %lt3A_252 = arith.cmpi slt, %select_n3A_245, %lt3A_251 : i32
      %ne3A_253 = arith.xori %lt3A_250, %lt3A_252 : i1
      %and3A_254 = arith.andi %ne3A_253, %ne3A_248 : i1
      %add3A_255 = arith.addi %rem3A_246, %select_n3A_245 : i32
      %select_n3A_256 = arith.select %and3A_254, %add3A_255, %rem3A_246 : i32
      %rem3A_257 = arith.constant 8 : i32
      %rem3A_258 = arith.remsi %add3A_216, %rem3A_257 : i32
      %dma_start3A_259 = arith.constant 0 : i32
      %dma_start3A_260 = tpu.memref_slice %arg8[%select_n3A_256, %rem3A_258, %dma_start3A_259] : memref<2x8x128xi32, #tpu.memory_space<vmem>> -> memref<1x1x128xi32, #tpu.memory_space<vmem>>
      %dma_start3A_261 = tpu.memref_squeeze %dma_start3A_260 : memref<1x1x128xi32, #tpu.memory_space<vmem>> -> memref<128xi32, #tpu.memory_space<vmem>>
      %dma_start3A_262 = arith.constant 0 : i32
      %dma_start3A_263 = arith.constant 0 : i32
      %dma_start3A_264 = tpu.memref_slice %arg2[%dma_start3A_262, %dma_start3A_263] : memref<10000x128xf32, #tpu.memory_space<hbm>> -> memref<10000x128xf32, #tpu.memory_space<hbm>>
      tpu.enqueue_indirect_dma source(%dma_start3A_264 : memref<10000x128xf32, #tpu.memory_space<hbm>>) target(%arg12 : memref<128x128xf32, #tpu.memory_space<vmem>>) offsets(%dma_start3A_261 : memref<128xi32, #tpu.memory_space<vmem>>) semaphore(%arg15 : memref<!tpu.dma_semaphore, #tpu.memory_space<semaphore_mem>>)
      %add3A_265 = arith.constant 1 : i32
      %add3A_266 = arith.addi %mul3A_70, %add3A_265 : i32
      %jit3A_267 = arith.constant 8 : i32
      %div3A_268 = arith.divsi %add3A_266, %jit3A_267 : i32
      %sign3A_269 = arith.constant 0 : i32
      %sign3A_270 = arith.cmpi sgt, %add3A_266, %sign3A_269 : i32
      %sign3A_271 = arith.extui %sign3A_270 : i1 to i32
      %sign3A_272 = arith.constant 0 : i32
      %sign3A_273 = arith.cmpi slt, %add3A_266, %sign3A_272 : i32
      %sign3A_274 = arith.extui %sign3A_273 : i1 to i32
      %sign3A_275 = arith.subi %sign3A_271, %sign3A_274 : i32
      %sign3A_276 = arith.constant 0 : i32
      %sign3A_277 = arith.cmpi sgt, %jit3A_267, %sign3A_276 : i32
      %sign3A_278 = arith.extui %sign3A_277 : i1 to i32
      %sign3A_279 = arith.constant 0 : i32
      %sign3A_280 = arith.cmpi slt, %jit3A_267, %sign3A_279 : i32
      %sign3A_281 = arith.extui %sign3A_280 : i1 to i32
      %sign3A_282 = arith.subi %sign3A_278, %sign3A_281 : i32
      %ne3A_283 = arith.cmpi ne, %sign3A_275, %sign3A_282 : i32
      %rem3A_284 = arith.remsi %add3A_266, %jit3A_267 : i32
      %ne3A_285 = arith.constant 0 : i32
      %ne3A_286 = arith.cmpi ne, %rem3A_284, %ne3A_285 : i32
      %and3A_287 = arith.andi %ne3A_283, %ne3A_286 : i1
      %sub3A_288 = arith.constant 1 : i32
      %sub3A_289 = arith.subi %div3A_268, %sub3A_288 : i32
      %select_n3A_290 = arith.select %and3A_287, %sub3A_289, %div3A_268 : i32
      %jit3A_291 = arith.constant 2 : i32
      %eq3A_292 = arith.constant 0 : i32
      %eq3A_293 = arith.cmpi eq, %jit3A_291, %eq3A_292 : i32
      %jit3A_294 = arith.constant 1 : i32
      %select_n3A_295 = arith.select %eq3A_293, %jit3A_294, %jit3A_291 : i32
      %rem3A_296 = arith.remsi %select_n3A_290, %select_n3A_295 : i32
      %ne3A_297 = arith.constant 0 : i32
      %ne3A_298 = arith.cmpi ne, %rem3A_296, %ne3A_297 : i32
      %lt3A_299 = arith.constant 0 : i32
      %lt3A_300 = arith.cmpi slt, %rem3A_296, %lt3A_299 : i32
      %lt3A_301 = arith.constant 0 : i32
      %lt3A_302 = arith.cmpi slt, %select_n3A_295, %lt3A_301 : i32
      %ne3A_303 = arith.xori %lt3A_300, %lt3A_302 : i1
      %and3A_304 = arith.andi %ne3A_303, %ne3A_298 : i1
      %add3A_305 = arith.addi %rem3A_296, %select_n3A_295 : i32
      %select_n3A_306 = arith.select %and3A_304, %add3A_305, %rem3A_296 : i32
      %rem3A_307 = arith.constant 8 : i32
      %rem3A_308 = arith.remsi %add3A_266, %rem3A_307 : i32
      %dma_wait3A_309 = arith.constant 0 : i32
      %dma_wait3A_310 = tpu.memref_slice %arg8[%select_n3A_306, %rem3A_308, %dma_wait3A_309] : memref<2x8x128xi32, #tpu.memory_space<vmem>> -> memref<1x1x128xi32, #tpu.memory_space<vmem>>
      %dma_wait3A_311 = tpu.memref_squeeze %dma_wait3A_310 : memref<1x1x128xi32, #tpu.memory_space<vmem>> -> memref<128xi32, #tpu.memory_space<vmem>>
      %dma_wait3A_312 = arith.constant 0 : i32
      %dma_wait3A_313 = arith.constant 0 : i32
      %dma_wait3A_314 = tpu.memref_slice %arg2[%dma_wait3A_312, %dma_wait3A_313] : memref<10000x128xf32, #tpu.memory_space<hbm>> -> memref<10000x128xf32, #tpu.memory_space<hbm>>
      tpu.wait_indirect_dma semaphore(%arg16 : memref<!tpu.dma_semaphore, #tpu.memory_space<semaphore_mem>>) src(%dma_wait3A_314 : memref<10000x128xf32, #tpu.memory_space<hbm>>) dst(%arg13 : memref<128x128xf32, #tpu.memory_space<vmem>>)
      %add3A_315 = arith.constant 1 : i32
      %add3A_316 = arith.addi %mul3A_70, %add3A_315 : i32
      %jit3A_317 = arith.constant 8 : i32
      %div3A_318 = arith.divsi %add3A_316, %jit3A_317 : i32
      %sign3A_319 = arith.constant 0 : i32
      %sign3A_320 = arith.cmpi sgt, %add3A_316, %sign3A_319 : i32
      %sign3A_321 = arith.extui %sign3A_320 : i1 to i32
      %sign3A_322 = arith.constant 0 : i32
      %sign3A_323 = arith.cmpi slt, %add3A_316, %sign3A_322 : i32
      %sign3A_324 = arith.extui %sign3A_323 : i1 to i32
      %sign3A_325 = arith.subi %sign3A_321, %sign3A_324 : i32
      %sign3A_326 = arith.constant 0 : i32
      %sign3A_327 = arith.cmpi sgt, %jit3A_317, %sign3A_326 : i32
      %sign3A_328 = arith.extui %sign3A_327 : i1 to i32
      %sign3A_329 = arith.constant 0 : i32
      %sign3A_330 = arith.cmpi slt, %jit3A_317, %sign3A_329 : i32
      %sign3A_331 = arith.extui %sign3A_330 : i1 to i32
      %sign3A_332 = arith.subi %sign3A_328, %sign3A_331 : i32
      %ne3A_333 = arith.cmpi ne, %sign3A_325, %sign3A_332 : i32
      %rem3A_334 = arith.remsi %add3A_316, %jit3A_317 : i32
      %ne3A_335 = arith.constant 0 : i32
      %ne3A_336 = arith.cmpi ne, %rem3A_334, %ne3A_335 : i32
      %and3A_337 = arith.andi %ne3A_333, %ne3A_336 : i1
      %sub3A_338 = arith.constant 1 : i32
      %sub3A_339 = arith.subi %div3A_318, %sub3A_338 : i32
      %select_n3A_340 = arith.select %and3A_337, %sub3A_339, %div3A_318 : i32
      %jit3A_341 = arith.constant 2 : i32
      %eq3A_342 = arith.constant 0 : i32
      %eq3A_343 = arith.cmpi eq, %jit3A_341, %eq3A_342 : i32
      %jit3A_344 = arith.constant 1 : i32
      %select_n3A_345 = arith.select %eq3A_343, %jit3A_344, %jit3A_341 : i32
      %rem3A_346 = arith.remsi %select_n3A_340, %select_n3A_345 : i32
      %ne3A_347 = arith.constant 0 : i32
      %ne3A_348 = arith.cmpi ne, %rem3A_346, %ne3A_347 : i32
      %lt3A_349 = arith.constant 0 : i32
      %lt3A_350 = arith.cmpi slt, %rem3A_346, %lt3A_349 : i32
      %lt3A_351 = arith.constant 0 : i32
      %lt3A_352 = arith.cmpi slt, %select_n3A_345, %lt3A_351 : i32
      %ne3A_353 = arith.xori %lt3A_350, %lt3A_352 : i1
      %and3A_354 = arith.andi %ne3A_353, %ne3A_348 : i1
      %add3A_355 = arith.addi %rem3A_346, %select_n3A_345 : i32
      %select_n3A_356 = arith.select %and3A_354, %add3A_355, %rem3A_346 : i32
      %rem3A_357 = arith.constant 8 : i32
      %rem3A_358 = arith.remsi %add3A_316, %rem3A_357 : i32
      "tpu.region"() ({
        %run_scoped3A_359 = tpu.sem_alloc : memref<!tpu.dma_semaphore, #tpu.memory_space<semaphore_mem>>
        %dma_start3A_360 = arith.constant 0 : i32
        %dma_start3A_361 = tpu.memref_slice %arg9[%select_n3A_356, %rem3A_358, %dma_start3A_360] : memref<2x8x128xi32, #tpu.memory_space<vmem>> -> memref<1x1x128xi32, #tpu.memory_space<vmem>>
        %dma_start3A_362 = tpu.memref_squeeze %dma_start3A_361 : memref<1x1x128xi32, #tpu.memory_space<vmem>> -> memref<128xi32, #tpu.memory_space<vmem>>
        %dma_start3A_363 = arith.constant 0 : i32
        %dma_start3A_364 = arith.constant 0 : i32
        %dma_start3A_365 = tpu.memref_slice %arg14[%dma_start3A_363, %dma_start3A_364] : memref<10000x128xf32, #tpu.memory_space<vmem_shared>> -> memref<10000x128xf32, #tpu.memory_space<vmem_shared>>
        tpu.enqueue_indirect_dma source(%arg13 : memref<128x128xf32, #tpu.memory_space<vmem>>) target(%dma_start3A_365 : memref<10000x128xf32, #tpu.memory_space<vmem_shared>>) offsets(%dma_start3A_362 : memref<128xi32, #tpu.memory_space<vmem>>) semaphore(%run_scoped3A_359 : memref<!tpu.dma_semaphore, #tpu.memory_space<semaphore_mem>>) {add = true}
        %dma_wait3A_366 = arith.constant 0 : i32
        %dma_wait3A_367 = tpu.memref_slice %arg9[%select_n3A_356, %rem3A_358, %dma_wait3A_366] : memref<2x8x128xi32, #tpu.memory_space<vmem>> -> memref<1x1x128xi32, #tpu.memory_space<vmem>>
        %dma_wait3A_368 = tpu.memref_squeeze %dma_wait3A_367 : memref<1x1x128xi32, #tpu.memory_space<vmem>> -> memref<128xi32, #tpu.memory_space<vmem>>
        %dma_wait3A_369 = arith.constant 0 : i32
        %dma_wait3A_370 = arith.constant 0 : i32
        %dma_wait3A_371 = tpu.memref_slice %arg14[%dma_wait3A_369, %dma_wait3A_370] : memref<10000x128xf32, #tpu.memory_space<vmem_shared>> -> memref<10000x128xf32, #tpu.memory_space<vmem_shared>>
        tpu.wait_indirect_dma semaphore(%run_scoped3A_359 : memref<!tpu.dma_semaphore, #tpu.memory_space<semaphore_mem>>) src(%arg13 : memref<128x128xf32, #tpu.memory_space<vmem>>) dst(%dma_wait3A_371 : memref<10000x128xf32, #tpu.memory_space<vmem_shared>>)
        tpu.yield
      }) : () -> ()
    }
    %scan3A_26 = arith.constant 38 : i32
    %rem3A_27 = arith.constant 77 : i32
    %rem3A_28 = arith.constant 8 : i32
    %rem3A_29 = arith.remsi %rem3A_27, %rem3A_28 : i32
    %dma_start3A_30 = arith.constant 1 : i32
    %dma_start3A_31 = arith.constant 0 : i32
    %dma_start3A_32 = tpu.memref_slice %arg8[%dma_start3A_30, %rem3A_29, %dma_start3A_31] : memref<2x8x128xi32, #tpu.memory_space<vmem>> -> memref<1x1x128xi32, #tpu.memory_space<vmem>>
    %dma_start3A_33 = tpu.memref_squeeze %dma_start3A_32 : memref<1x1x128xi32, #tpu.memory_space<vmem>> -> memref<128xi32, #tpu.memory_space<vmem>>
    %dma_start3A_34 = arith.constant 0 : i32
    %dma_start3A_35 = arith.constant 0 : i32
    %dma_start3A_36 = tpu.memref_slice %arg2[%dma_start3A_34, %dma_start3A_35] : memref<10000x128xf32, #tpu.memory_space<hbm>> -> memref<10000x128xf32, #tpu.memory_space<hbm>>
    tpu.enqueue_indirect_dma source(%dma_start3A_36 : memref<10000x128xf32, #tpu.memory_space<hbm>>) target(%arg13 : memref<128x128xf32, #tpu.memory_space<vmem>>) offsets(%dma_start3A_33 : memref<128xi32, #tpu.memory_space<vmem>>) semaphore(%arg16 : memref<!tpu.dma_semaphore, #tpu.memory_space<semaphore_mem>>)
    %rem3A_37 = arith.constant 76 : i32
    %rem3A_38 = arith.constant 8 : i32
    %rem3A_39 = arith.remsi %rem3A_37, %rem3A_38 : i32
    %dma_wait3A_40 = arith.constant 1 : i32
    %dma_wait3A_41 = arith.constant 0 : i32
    %dma_wait3A_42 = tpu.memref_slice %arg8[%dma_wait3A_40, %rem3A_39, %dma_wait3A_41] : memref<2x8x128xi32, #tpu.memory_space<vmem>> -> memref<1x1x128xi32, #tpu.memory_space<vmem>>
    %dma_wait3A_43 = tpu.memref_squeeze %dma_wait3A_42 : memref<1x1x128xi32, #tpu.memory_space<vmem>> -> memref<128xi32, #tpu.memory_space<vmem>>
    %dma_wait3A_44 = arith.constant 0 : i32
    %dma_wait3A_45 = arith.constant 0 : i32
    %dma_wait3A_46 = tpu.memref_slice %arg2[%dma_wait3A_44, %dma_wait3A_45] : memref<10000x128xf32, #tpu.memory_space<hbm>> -> memref<10000x128xf32, #tpu.memory_space<hbm>>
    tpu.wait_indirect_dma semaphore(%arg15 : memref<!tpu.dma_semaphore, #tpu.memory_space<semaphore_mem>>) src(%dma_wait3A_46 : memref<10000x128xf32, #tpu.memory_space<hbm>>) dst(%arg12 : memref<128x128xf32, #tpu.memory_space<vmem>>)
    %rem3A_47 = arith.constant 76 : i32
    %rem3A_48 = arith.constant 8 : i32
    %rem3A_49 = arith.remsi %rem3A_47, %rem3A_48 : i32
    %run_scoped3A_50 = arith.constant 1 : i32
    "tpu.region"() ({
      %run_scoped3A_68 = tpu.sem_alloc : memref<!tpu.dma_semaphore, #tpu.memory_space<semaphore_mem>>
      %dma_start3A_69 = arith.constant 0 : i32
      %dma_start3A_70 = tpu.memref_slice %arg9[%run_scoped3A_50, %rem3A_49, %dma_start3A_69] : memref<2x8x128xi32, #tpu.memory_space<vmem>> -> memref<1x1x128xi32, #tpu.memory_space<vmem>>
      %dma_start3A_71 = tpu.memref_squeeze %dma_start3A_70 : memref<1x1x128xi32, #tpu.memory_space<vmem>> -> memref<128xi32, #tpu.memory_space<vmem>>
      %dma_start3A_72 = arith.constant 0 : i32
      %dma_start3A_73 = arith.constant 0 : i32
      %dma_start3A_74 = tpu.memref_slice %arg14[%dma_start3A_72, %dma_start3A_73] : memref<10000x128xf32, #tpu.memory_space<vmem_shared>> -> memref<10000x128xf32, #tpu.memory_space<vmem_shared>>
      tpu.enqueue_indirect_dma source(%arg12 : memref<128x128xf32, #tpu.memory_space<vmem>>) target(%dma_start3A_74 : memref<10000x128xf32, #tpu.memory_space<vmem_shared>>) offsets(%dma_start3A_71 : memref<128xi32, #tpu.memory_space<vmem>>) semaphore(%run_scoped3A_68 : memref<!tpu.dma_semaphore, #tpu.memory_space<semaphore_mem>>) {add = true}
      %dma_wait3A_75 = arith.constant 0 : i32
      %dma_wait3A_76 = tpu.memref_slice %arg9[%run_scoped3A_50, %rem3A_49, %dma_wait3A_75] : memref<2x8x128xi32, #tpu.memory_space<vmem>> -> memref<1x1x128xi32, #tpu.memory_space<vmem>>
      %dma_wait3A_77 = tpu.memref_squeeze %dma_wait3A_76 : memref<1x1x128xi32, #tpu.memory_space<vmem>> -> memref<128xi32, #tpu.memory_space<vmem>>
      %dma_wait3A_78 = arith.constant 0 : i32
      %dma_wait3A_79 = arith.constant 0 : i32
      %dma_wait3A_80 = tpu.memref_slice %arg14[%dma_wait3A_78, %dma_wait3A_79] : memref<10000x128xf32, #tpu.memory_space<vmem_shared>> -> memref<10000x128xf32, #tpu.memory_space<vmem_shared>>
      tpu.wait_indirect_dma semaphore(%run_scoped3A_68 : memref<!tpu.dma_semaphore, #tpu.memory_space<semaphore_mem>>) src(%arg12 : memref<128x128xf32, #tpu.memory_space<vmem>>) dst(%dma_wait3A_80 : memref<10000x128xf32, #tpu.memory_space<vmem_shared>>)
      tpu.yield
    }) : () -> ()
    %rem3A_51 = arith.constant 77 : i32
    %rem3A_52 = arith.constant 8 : i32
    %rem3A_53 = arith.remsi %rem3A_51, %rem3A_52 : i32
    %dma_wait3A_54 = arith.constant 1 : i32
    %dma_wait3A_55 = arith.constant 0 : i32
    %dma_wait3A_56 = tpu.memref_slice %arg8[%dma_wait3A_54, %rem3A_53, %dma_wait3A_55] : memref<2x8x128xi32, #tpu.memory_space<vmem>> -> memref<1x1x128xi32, #tpu.memory_space<vmem>>
    %dma_wait3A_57 = tpu.memref_squeeze %dma_wait3A_56 : memref<1x1x128xi32, #tpu.memory_space<vmem>> -> memref<128xi32, #tpu.memory_space<vmem>>
    %dma_wait3A_58 = arith.constant 0 : i32
    %dma_wait3A_59 = arith.constant 0 : i32
    %dma_wait3A_60 = tpu.memref_slice %arg2[%dma_wait3A_58, %dma_wait3A_59] : memref<10000x128xf32, #tpu.memory_space<hbm>> -> memref<10000x128xf32, #tpu.memory_space<hbm>>
    tpu.wait_indirect_dma semaphore(%arg16 : memref<!tpu.dma_semaphore, #tpu.memory_space<semaphore_mem>>) src(%dma_wait3A_60 : memref<10000x128xf32, #tpu.memory_space<hbm>>) dst(%arg13 : memref<128x128xf32, #tpu.memory_space<vmem>>)
    %rem3A_61 = arith.constant 77 : i32
    %rem3A_62 = arith.constant 8 : i32
    %rem3A_63 = arith.remsi %rem3A_61, %rem3A_62 : i32
    %run_scoped3A_64 = arith.constant 1 : i32
    "tpu.region"() ({
      %run_scoped3A_68 = tpu.sem_alloc : memref<!tpu.dma_semaphore, #tpu.memory_space<semaphore_mem>>
      %dma_start3A_69 = arith.constant 0 : i32
      %dma_start3A_70 = tpu.memref_slice %arg9[%run_scoped3A_64, %rem3A_63, %dma_start3A_69] : memref<2x8x128xi32, #tpu.memory_space<vmem>> -> memref<1x1x128xi32, #tpu.memory_space<vmem>>
      %dma_start3A_71 = tpu.memref_squeeze %dma_start3A_70 : memref<1x1x128xi32, #tpu.memory_space<vmem>> -> memref<128xi32, #tpu.memory_space<vmem>>
      %dma_start3A_72 = arith.constant 0 : i32
      %dma_start3A_73 = arith.constant 0 : i32
      %dma_start3A_74 = tpu.memref_slice %arg14[%dma_start3A_72, %dma_start3A_73] : memref<10000x128xf32, #tpu.memory_space<vmem_shared>> -> memref<10000x128xf32, #tpu.memory_space<vmem_shared>>
      tpu.enqueue_indirect_dma source(%arg13 : memref<128x128xf32, #tpu.memory_space<vmem>>) target(%dma_start3A_74 : memref<10000x128xf32, #tpu.memory_space<vmem_shared>>) offsets(%dma_start3A_71 : memref<128xi32, #tpu.memory_space<vmem>>) semaphore(%run_scoped3A_68 : memref<!tpu.dma_semaphore, #tpu.memory_space<semaphore_mem>>) {add = true}
      %dma_wait3A_75 = arith.constant 0 : i32
      %dma_wait3A_76 = tpu.memref_slice %arg9[%run_scoped3A_64, %rem3A_63, %dma_wait3A_75] : memref<2x8x128xi32, #tpu.memory_space<vmem>> -> memref<1x1x128xi32, #tpu.memory_space<vmem>>
      %dma_wait3A_77 = tpu.memref_squeeze %dma_wait3A_76 : memref<1x1x128xi32, #tpu.memory_space<vmem>> -> memref<128xi32, #tpu.memory_space<vmem>>
      %dma_wait3A_78 = arith.constant 0 : i32
      %dma_wait3A_79 = arith.constant 0 : i32
      %dma_wait3A_80 = tpu.memref_slice %arg14[%dma_wait3A_78, %dma_wait3A_79] : memref<10000x128xf32, #tpu.memory_space<vmem_shared>> -> memref<10000x128xf32, #tpu.memory_space<vmem_shared>>
      tpu.wait_indirect_dma semaphore(%run_scoped3A_68 : memref<!tpu.dma_semaphore, #tpu.memory_space<semaphore_mem>>) src(%arg13 : memref<128x128xf32, #tpu.memory_space<vmem>>) dst(%dma_wait3A_80 : memref<10000x128xf32, #tpu.memory_space<vmem_shared>>)
      tpu.yield
    }) : () -> ()
    %lt3A = arith.constant 4 : i32
    %lt3A_65 = arith.cmpi slt, %add3A, %lt3A : i32
    %convert_element_type3A = arith.extui %lt3A_65 : i1 to i32
    %cond3A = arith.constant 0 : i32
    %cond3A_66 = arith.cmpi ne, %convert_element_type3A, %cond3A : i32
    scf.if %cond3A_66 {
      "tpu.region"() ({
        %run_scoped3A_83 = tpu.sem_alloc : memref<!tpu.dma_semaphore, #tpu.memory_space<semaphore_mem>>
        %dma_start3A_84 = arith.constant 0 : i32
        %dma_start3A_85 = arith.constant 0 : i32
        %dma_start3A_86 = tpu.memref_slice %arg5[%add3A, %dma_start3A_84, %dma_start3A_85] : memref<4x1x128xi32, #tpu.memory_space<hbm>> -> memref<1x1x128xi32, #tpu.memory_space<hbm>>
        %dma_start3A_87 = tpu.memref_squeeze %dma_start3A_86 : memref<1x1x128xi32, #tpu.memory_space<hbm>> -> memref<1x128xi32, #tpu.memory_space<hbm>>
        %dma_start3A_88 = arith.constant 0 : i32
        %dma_start3A_89 = arith.constant 0 : i32
        %dma_start3A_90 = tpu.memref_slice %arg5[%add3A, %dma_start3A_88, %dma_start3A_89] : memref<4x1x128xi32, #tpu.memory_space<hbm>> -> memref<1x1x128xi32, #tpu.memory_space<hbm>>
        %dma_start3A_91 = tpu.memref_squeeze %dma_start3A_90 : memref<1x1x128xi32, #tpu.memory_space<hbm>> -> memref<1x128xi32, #tpu.memory_space<hbm>>
        tpu.enqueue_dma source(%dma_start3A_91 : memref<1x128xi32, #tpu.memory_space<hbm>>) target(%arg10 : memref<1x128xi32, #tpu.memory_space<vmem>>) target_semaphore(%run_scoped3A_83 : memref<!tpu.dma_semaphore, #tpu.memory_space<semaphore_mem>>)
        %dma_wait3A_92 = arith.constant 0 : i32
        %dma_wait3A_93 = arith.constant 0 : i32
        %dma_wait3A_94 = tpu.memref_slice %arg5[%add3A, %dma_wait3A_92, %dma_wait3A_93] : memref<4x1x128xi32, #tpu.memory_space<hbm>> -> memref<1x1x128xi32, #tpu.memory_space<hbm>>
        %dma_wait3A_95 = tpu.memref_squeeze %dma_wait3A_94 : memref<1x1x128xi32, #tpu.memory_space<hbm>> -> memref<1x128xi32, #tpu.memory_space<hbm>>
        %dma_wait3A_96 = arith.constant 0 : i32
        %dma_wait3A_97 = arith.constant 0 : i32
        %dma_wait3A_98 = tpu.memref_slice %arg5[%add3A, %dma_wait3A_96, %dma_wait3A_97] : memref<4x1x128xi32, #tpu.memory_space<hbm>> -> memref<1x1x128xi32, #tpu.memory_space<hbm>>
        %dma_wait3A_99 = tpu.memref_squeeze %dma_wait3A_98 : memref<1x1x128xi32, #tpu.memory_space<hbm>> -> memref<1x128xi32, #tpu.memory_space<hbm>>
        tpu.wait_dma2 semaphore(%run_scoped3A_83 : memref<!tpu.dma_semaphore, #tpu.memory_space<semaphore_mem>>) src(%dma_wait3A_99 : memref<1x128xi32, #tpu.memory_space<hbm>>) dst(%arg10 : memref<1x128xi32, #tpu.memory_space<vmem>>)
        tpu.yield
      }) : () -> ()
      "tpu.region"() ({
        %run_scoped3A_83 = tpu.sem_alloc : memref<!tpu.dma_semaphore, #tpu.memory_space<semaphore_mem>>
        %dma_start3A_84 = arith.constant 0 : i32
        %dma_start3A_85 = arith.constant 0 : i32
        %dma_start3A_86 = tpu.memref_slice %arg6[%add3A, %dma_start3A_84, %dma_start3A_85] : memref<4x1x128xi32, #tpu.memory_space<hbm>> -> memref<1x1x128xi32, #tpu.memory_space<hbm>>
        %dma_start3A_87 = tpu.memref_squeeze %dma_start3A_86 : memref<1x1x128xi32, #tpu.memory_space<hbm>> -> memref<1x128xi32, #tpu.memory_space<hbm>>
        %dma_start3A_88 = arith.constant 0 : i32
        %dma_start3A_89 = arith.constant 0 : i32
        %dma_start3A_90 = tpu.memref_slice %arg6[%add3A, %dma_start3A_88, %dma_start3A_89] : memref<4x1x128xi32, #tpu.memory_space<hbm>> -> memref<1x1x128xi32, #tpu.memory_space<hbm>>
        %dma_start3A_91 = tpu.memref_squeeze %dma_start3A_90 : memref<1x1x128xi32, #tpu.memory_space<hbm>> -> memref<1x128xi32, #tpu.memory_space<hbm>>
        tpu.enqueue_dma source(%dma_start3A_91 : memref<1x128xi32, #tpu.memory_space<hbm>>) target(%arg11 : memref<1x128xi32, #tpu.memory_space<vmem>>) target_semaphore(%run_scoped3A_83 : memref<!tpu.dma_semaphore, #tpu.memory_space<semaphore_mem>>)
        %dma_wait3A_92 = arith.constant 0 : i32
        %dma_wait3A_93 = arith.constant 0 : i32
        %dma_wait3A_94 = tpu.memref_slice %arg6[%add3A, %dma_wait3A_92, %dma_wait3A_93] : memref<4x1x128xi32, #tpu.memory_space<hbm>> -> memref<1x1x128xi32, #tpu.memory_space<hbm>>
        %dma_wait3A_95 = tpu.memref_squeeze %dma_wait3A_94 : memref<1x1x128xi32, #tpu.memory_space<hbm>> -> memref<1x128xi32, #tpu.memory_space<hbm>>
        %dma_wait3A_96 = arith.constant 0 : i32
        %dma_wait3A_97 = arith.constant 0 : i32
        %dma_wait3A_98 = tpu.memref_slice %arg6[%add3A, %dma_wait3A_96, %dma_wait3A_97] : memref<4x1x128xi32, #tpu.memory_space<hbm>> -> memref<1x1x128xi32, #tpu.memory_space<hbm>>
        %dma_wait3A_99 = tpu.memref_squeeze %dma_wait3A_98 : memref<1x1x128xi32, #tpu.memory_space<hbm>> -> memref<1x128xi32, #tpu.memory_space<hbm>>
        tpu.wait_dma2 semaphore(%run_scoped3A_83 : memref<!tpu.dma_semaphore, #tpu.memory_space<semaphore_mem>>) src(%dma_wait3A_99 : memref<1x128xi32, #tpu.memory_space<hbm>>) dst(%arg11 : memref<1x128xi32, #tpu.memory_space<vmem>>)
        tpu.yield
      }) : () -> ()
      %dma_start3A_68 = arith.constant 0 : i32
      %dma_start3A_69 = arith.constant 0 : i32
      %dma_start3A_70 = tpu.memref_slice %arg10[%dma_start3A_68, %dma_start3A_69] : memref<1x128xi32, #tpu.memory_space<vmem>> -> memref<1x128xi32, #tpu.memory_space<vmem>>
      %dma_start3A_71 = tpu.memref_squeeze %dma_start3A_70 : memref<1x128xi32, #tpu.memory_space<vmem>> -> memref<128xi32, #tpu.memory_space<vmem>>
      %dma_start3A_72 = arith.constant 0 : i32
      %dma_start3A_73 = arith.constant 0 : i32
      %dma_start3A_74 = tpu.memref_slice %arg2[%dma_start3A_72, %dma_start3A_73] : memref<10000x128xf32, #tpu.memory_space<hbm>> -> memref<10000x128xf32, #tpu.memory_space<hbm>>
      tpu.enqueue_indirect_dma source(%dma_start3A_74 : memref<10000x128xf32, #tpu.memory_space<hbm>>) target(%arg12 : memref<128x128xf32, #tpu.memory_space<vmem>>) offsets(%dma_start3A_71 : memref<128xi32, #tpu.memory_space<vmem>>) semaphore(%arg15 : memref<!tpu.dma_semaphore, #tpu.memory_space<semaphore_mem>>)
      %dma_wait3A_75 = arith.constant 0 : i32
      %dma_wait3A_76 = arith.constant 0 : i32
      %dma_wait3A_77 = tpu.memref_slice %arg10[%dma_wait3A_75, %dma_wait3A_76] : memref<1x128xi32, #tpu.memory_space<vmem>> -> memref<1x128xi32, #tpu.memory_space<vmem>>
      %dma_wait3A_78 = tpu.memref_squeeze %dma_wait3A_77 : memref<1x128xi32, #tpu.memory_space<vmem>> -> memref<128xi32, #tpu.memory_space<vmem>>
      %dma_wait3A_79 = arith.constant 0 : i32
      %dma_wait3A_80 = arith.constant 0 : i32
      %dma_wait3A_81 = tpu.memref_slice %arg2[%dma_wait3A_79, %dma_wait3A_80] : memref<10000x128xf32, #tpu.memory_space<hbm>> -> memref<10000x128xf32, #tpu.memory_space<hbm>>
      tpu.wait_indirect_dma semaphore(%arg15 : memref<!tpu.dma_semaphore, #tpu.memory_space<semaphore_mem>>) src(%dma_wait3A_81 : memref<10000x128xf32, #tpu.memory_space<hbm>>) dst(%arg12 : memref<128x128xf32, #tpu.memory_space<vmem>>)
      %run_scoped3A_82 = arith.constant 0 : i32
      "tpu.region"() ({
        %run_scoped3A_83 = tpu.sem_alloc : memref<!tpu.dma_semaphore, #tpu.memory_space<semaphore_mem>>
        %dma_start3A_84 = arith.constant 0 : i32
        %dma_start3A_85 = tpu.memref_slice %arg11[%run_scoped3A_82, %dma_start3A_84] : memref<1x128xi32, #tpu.memory_space<vmem>> -> memref<1x128xi32, #tpu.memory_space<vmem>>
        %dma_start3A_86 = tpu.memref_squeeze %dma_start3A_85 : memref<1x128xi32, #tpu.memory_space<vmem>> -> memref<128xi32, #tpu.memory_space<vmem>>
        %dma_start3A_87 = arith.constant 0 : i32
        %dma_start3A_88 = arith.constant 0 : i32
        %dma_start3A_89 = tpu.memref_slice %arg14[%dma_start3A_87, %dma_start3A_88] : memref<10000x128xf32, #tpu.memory_space<vmem_shared>> -> memref<10000x128xf32, #tpu.memory_space<vmem_shared>>
        tpu.enqueue_indirect_dma source(%arg12 : memref<128x128xf32, #tpu.memory_space<vmem>>) target(%dma_start3A_89 : memref<10000x128xf32, #tpu.memory_space<vmem_shared>>) offsets(%dma_start3A_86 : memref<128xi32, #tpu.memory_space<vmem>>) semaphore(%run_scoped3A_83 : memref<!tpu.dma_semaphore, #tpu.memory_space<semaphore_mem>>) {add = true}
        %dma_wait3A_90 = arith.constant 0 : i32
        %dma_wait3A_91 = tpu.memref_slice %arg11[%run_scoped3A_82, %dma_wait3A_90] : memref<1x128xi32, #tpu.memory_space<vmem>> -> memref<1x128xi32, #tpu.memory_space<vmem>>
        %dma_wait3A_92 = tpu.memref_squeeze %dma_wait3A_91 : memref<1x128xi32, #tpu.memory_space<vmem>> -> memref<128xi32, #tpu.memory_space<vmem>>
        %dma_wait3A_93 = arith.constant 0 : i32
        %dma_wait3A_94 = arith.constant 0 : i32
        %dma_wait3A_95 = tpu.memref_slice %arg14[%dma_wait3A_93, %dma_wait3A_94] : memref<10000x128xf32, #tpu.memory_space<vmem_shared>> -> memref<10000x128xf32, #tpu.memory_space<vmem_shared>>
        tpu.wait_indirect_dma semaphore(%run_scoped3A_83 : memref<!tpu.dma_semaphore, #tpu.memory_space<semaphore_mem>>) src(%arg12 : memref<128x128xf32, #tpu.memory_space<vmem>>) dst(%dma_wait3A_95 : memref<10000x128xf32, #tpu.memory_space<vmem_shared>>)
        tpu.yield
      }) : () -> ()
    } else {
    }
    %barrier3A_67 = arith.constant 0 : index
    tpu.barrier barrier_id(%barrier3A_67)
    "tpu.region"() ({
      %run_scoped3A_68 = tpu.sem_alloc : memref<!tpu.dma_semaphore, #tpu.memory_space<semaphore_mem>>
      %dma_start3A_69 = arith.constant 0 : i32
      %dma_start3A_70 = tpu.memref_slice %arg7[%arg0, %multiple_of3A, %dma_start3A_69] : memref<2x10000x128xf32, #tpu.memory_space<hbm>> -> memref<1x640x128xf32, #tpu.memory_space<hbm>>
      %dma_start3A_71 = tpu.memref_squeeze %dma_start3A_70 : memref<1x640x128xf32, #tpu.memory_space<hbm>> -> memref<640x128xf32, #tpu.memory_space<hbm>>
      %dma_start3A_72 = arith.constant 0 : i32
      %dma_start3A_73 = tpu.memref_slice %arg14[%multiple_of3A, %dma_start3A_72] : memref<10000x128xf32, #tpu.memory_space<vmem_shared>> -> memref<640x128xf32, #tpu.memory_space<vmem_shared>>
      tpu.enqueue_dma source(%dma_start3A_73 : memref<640x128xf32, #tpu.memory_space<vmem_shared>>) target(%dma_start3A_71 : memref<640x128xf32, #tpu.memory_space<hbm>>) target_semaphore(%run_scoped3A_68 : memref<!tpu.dma_semaphore, #tpu.memory_space<semaphore_mem>>)
      %dma_wait3A_74 = arith.constant 0 : i32
      %dma_wait3A_75 = tpu.memref_slice %arg7[%arg0, %multiple_of3A, %dma_wait3A_74] : memref<2x10000x128xf32, #tpu.memory_space<hbm>> -> memref<1x640x128xf32, #tpu.memory_space<hbm>>
      %dma_wait3A_76 = tpu.memref_squeeze %dma_wait3A_75 : memref<1x640x128xf32, #tpu.memory_space<hbm>> -> memref<640x128xf32, #tpu.memory_space<hbm>>
      %dma_wait3A_77 = arith.constant 0 : i32
      %dma_wait3A_78 = tpu.memref_slice %arg14[%multiple_of3A, %dma_wait3A_77] : memref<10000x128xf32, #tpu.memory_space<vmem_shared>> -> memref<640x128xf32, #tpu.memory_space<vmem_shared>>
      tpu.wait_dma2 semaphore(%run_scoped3A_68 : memref<!tpu.dma_semaphore, #tpu.memory_space<semaphore_mem>>) src(%dma_wait3A_78 : memref<640x128xf32, #tpu.memory_space<vmem_shared>>) dst(%dma_wait3A_76 : memref<640x128xf32, #tpu.memory_space<hbm>>)
      tpu.yield
    }) : () -> ()
    return
  }
}

#map = affine_map<(d0, d1) -> (0, 0, 0)>
#map1 = affine_map<(d0, d1) -> (0, 0)>
module attributes {stable_mosaic.version = 14 : i64} {
  func.func @_sc_degree(%arg0: i32, %arg1: i32, %arg2: memref<32x80x128xi32, #tpu.memory_space<hbm>>, %arg3: memref<4x1x128xi32, #tpu.memory_space<hbm>>, %arg4: memref<2x10240xf32, #tpu.memory_space<hbm>>, %arg5: memref<80x128xi32, #tpu.memory_space<vmem>>, %arg6: memref<1x128xi32, #tpu.memory_space<vmem>>, %arg7: memref<128xf32, #tpu.memory_space<vmem>>, %arg8: memref<640xf32, #tpu.memory_space<vmem>>, %arg9: memref<10240xf32, #tpu.memory_space<vmem_shared>>, %arg10: memref<!tpu.dma_semaphore, #tpu.memory_space<semaphore_mem>>, %arg11: memref<!tpu.dma_semaphore, #tpu.memory_space<semaphore_mem>>) attributes {dimension_semantics = [#tpu.dimension_semantics<core_parallel>, #tpu.dimension_semantics<subcore_parallel>], iteration_bounds = array<i64: 2, 16>, scalar_prefetch = 0 : i64, scratch_operands = 7 : i64, tpu.core_type = #tpu.core_type<sc_vector_subcore>, window_params = [{transform_indices = #map}, {transform_indices = #map}, {transform_indices = #map1}]} {
    %mul3A = arith.constant 2 : i32
    %mul3A_0 = arith.muli %arg1, %mul3A : i32
    %add3A = arith.addi %mul3A_0, %arg0 : i32
    %broadcast_in_dim3A = arith.constant 1.000000e+00 : f32
    %broadcast_in_dim3A_1 = vector.broadcast %broadcast_in_dim3A : f32 to vector<16xf32>
    %swap3A = arith.constant 0 : index
    %swap3A_2 = tpu.vector_load %arg7[%swap3A] {strides = array<i32>} : memref<128xf32, #tpu.memory_space<vmem>>, vector<16xf32>,
    %swap3A_3 = vector.shape_cast %swap3A_2 : vector<16xf32> to vector<16xf32>
    %swap3A_4 = vector.shape_cast %broadcast_in_dim3A_1 : vector<16xf32> to vector<16xf32>
    tpu.vector_store %arg7[%swap3A], %swap3A_4 {strides = array<i32>} : memref<128xf32, #tpu.memory_space<vmem>>, vector<16xf32>,
    %broadcast_in_dim3A_5 = arith.constant 1.000000e+00 : f32
    %broadcast_in_dim3A_6 = vector.broadcast %broadcast_in_dim3A_5 : f32 to vector<16xf32>
    %swap3A_7 = arith.constant 16 : index
    %swap3A_8 = tpu.vector_load %arg7[%swap3A_7] {strides = array<i32>} : memref<128xf32, #tpu.memory_space<vmem>>, vector<16xf32>,
    %swap3A_9 = vector.shape_cast %swap3A_8 : vector<16xf32> to vector<16xf32>
    %swap3A_10 = vector.shape_cast %broadcast_in_dim3A_6 : vector<16xf32> to vector<16xf32>
    tpu.vector_store %arg7[%swap3A_7], %swap3A_10 {strides = array<i32>} : memref<128xf32, #tpu.memory_space<vmem>>, vector<16xf32>,
    %broadcast_in_dim3A_11 = arith.constant 1.000000e+00 : f32
    %broadcast_in_dim3A_12 = vector.broadcast %broadcast_in_dim3A_11 : f32 to vector<16xf32>
    %swap3A_13 = arith.constant 32 : index
    %swap3A_14 = tpu.vector_load %arg7[%swap3A_13] {strides = array<i32>} : memref<128xf32, #tpu.memory_space<vmem>>, vector<16xf32>,
    %swap3A_15 = vector.shape_cast %swap3A_14 : vector<16xf32> to vector<16xf32>
    %swap3A_16 = vector.shape_cast %broadcast_in_dim3A_12 : vector<16xf32> to vector<16xf32>
    tpu.vector_store %arg7[%swap3A_13], %swap3A_16 {strides = array<i32>} : memref<128xf32, #tpu.memory_space<vmem>>, vector<16xf32>,
    %broadcast_in_dim3A_17 = arith.constant 1.000000e+00 : f32
    %broadcast_in_dim3A_18 = vector.broadcast %broadcast_in_dim3A_17 : f32 to vector<16xf32>
    %swap3A_19 = arith.constant 48 : index
    %swap3A_20 = tpu.vector_load %arg7[%swap3A_19] {strides = array<i32>} : memref<128xf32, #tpu.memory_space<vmem>>, vector<16xf32>,
    %swap3A_21 = vector.shape_cast %swap3A_20 : vector<16xf32> to vector<16xf32>
    %swap3A_22 = vector.shape_cast %broadcast_in_dim3A_18 : vector<16xf32> to vector<16xf32>
    tpu.vector_store %arg7[%swap3A_19], %swap3A_22 {strides = array<i32>} : memref<128xf32, #tpu.memory_space<vmem>>, vector<16xf32>,
    %broadcast_in_dim3A_23 = arith.constant 1.000000e+00 : f32
    %broadcast_in_dim3A_24 = vector.broadcast %broadcast_in_dim3A_23 : f32 to vector<16xf32>
    %swap3A_25 = arith.constant 64 : index
    %swap3A_26 = tpu.vector_load %arg7[%swap3A_25] {strides = array<i32>} : memref<128xf32, #tpu.memory_space<vmem>>, vector<16xf32>,
    %swap3A_27 = vector.shape_cast %swap3A_26 : vector<16xf32> to vector<16xf32>
    %swap3A_28 = vector.shape_cast %broadcast_in_dim3A_24 : vector<16xf32> to vector<16xf32>
    tpu.vector_store %arg7[%swap3A_25], %swap3A_28 {strides = array<i32>} : memref<128xf32, #tpu.memory_space<vmem>>, vector<16xf32>,
    %broadcast_in_dim3A_29 = arith.constant 1.000000e+00 : f32
    %broadcast_in_dim3A_30 = vector.broadcast %broadcast_in_dim3A_29 : f32 to vector<16xf32>
    %swap3A_31 = arith.constant 80 : index
    %swap3A_32 = tpu.vector_load %arg7[%swap3A_31] {strides = array<i32>} : memref<128xf32, #tpu.memory_space<vmem>>, vector<16xf32>,
    %swap3A_33 = vector.shape_cast %swap3A_32 : vector<16xf32> to vector<16xf32>
    %swap3A_34 = vector.shape_cast %broadcast_in_dim3A_30 : vector<16xf32> to vector<16xf32>
    tpu.vector_store %arg7[%swap3A_31], %swap3A_34 {strides = array<i32>} : memref<128xf32, #tpu.memory_space<vmem>>, vector<16xf32>,
    %broadcast_in_dim3A_35 = arith.constant 1.000000e+00 : f32
    %broadcast_in_dim3A_36 = vector.broadcast %broadcast_in_dim3A_35 : f32 to vector<16xf32>
    %swap3A_37 = arith.constant 96 : index
    %swap3A_38 = tpu.vector_load %arg7[%swap3A_37] {strides = array<i32>} : memref<128xf32, #tpu.memory_space<vmem>>, vector<16xf32>,
    %swap3A_39 = vector.shape_cast %swap3A_38 : vector<16xf32> to vector<16xf32>
    %swap3A_40 = vector.shape_cast %broadcast_in_dim3A_36 : vector<16xf32> to vector<16xf32>
    tpu.vector_store %arg7[%swap3A_37], %swap3A_40 {strides = array<i32>} : memref<128xf32, #tpu.memory_space<vmem>>, vector<16xf32>,
    %broadcast_in_dim3A_41 = arith.constant 1.000000e+00 : f32
    %broadcast_in_dim3A_42 = vector.broadcast %broadcast_in_dim3A_41 : f32 to vector<16xf32>
    %swap3A_43 = arith.constant 112 : index
    %swap3A_44 = tpu.vector_load %arg7[%swap3A_43] {strides = array<i32>} : memref<128xf32, #tpu.memory_space<vmem>>, vector<16xf32>,
    %swap3A_45 = vector.shape_cast %swap3A_44 : vector<16xf32> to vector<16xf32>
    %swap3A_46 = vector.shape_cast %broadcast_in_dim3A_42 : vector<16xf32> to vector<16xf32>
    tpu.vector_store %arg7[%swap3A_43], %swap3A_46 {strides = array<i32>} : memref<128xf32, #tpu.memory_space<vmem>>, vector<16xf32>,
    %broadcast_in_dim3A_47 = arith.constant 0.000000e+00 : f32
    %broadcast_in_dim3A_48 = vector.broadcast %broadcast_in_dim3A_47 : f32 to vector<16xf32>
    %swap3A_49 = arith.constant 0 : index
    %swap3A_50 = tpu.vector_load %arg8[%swap3A_49] {strides = array<i32>} : memref<640xf32, #tpu.memory_space<vmem>>, vector<16xf32>,
    %swap3A_51 = vector.shape_cast %swap3A_50 : vector<16xf32> to vector<16xf32>
    %swap3A_52 = vector.shape_cast %broadcast_in_dim3A_48 : vector<16xf32> to vector<16xf32>
    tpu.vector_store %arg8[%swap3A_49], %swap3A_52 {strides = array<i32>} : memref<640xf32, #tpu.memory_space<vmem>>, vector<16xf32>,
    %broadcast_in_dim3A_53 = arith.constant 0.000000e+00 : f32
    %broadcast_in_dim3A_54 = vector.broadcast %broadcast_in_dim3A_53 : f32 to vector<16xf32>
    %swap3A_55 = arith.constant 16 : index
    %swap3A_56 = tpu.vector_load %arg8[%swap3A_55] {strides = array<i32>} : memref<640xf32, #tpu.memory_space<vmem>>, vector<16xf32>,
    %swap3A_57 = vector.shape_cast %swap3A_56 : vector<16xf32> to vector<16xf32>
    %swap3A_58 = vector.shape_cast %broadcast_in_dim3A_54 : vector<16xf32> to vector<16xf32>
    tpu.vector_store %arg8[%swap3A_55], %swap3A_58 {strides = array<i32>} : memref<640xf32, #tpu.memory_space<vmem>>, vector<16xf32>,
    %broadcast_in_dim3A_59 = arith.constant 0.000000e+00 : f32
    %broadcast_in_dim3A_60 = vector.broadcast %broadcast_in_dim3A_59 : f32 to vector<16xf32>
    %swap3A_61 = arith.constant 32 : index
    %swap3A_62 = tpu.vector_load %arg8[%swap3A_61] {strides = array<i32>} : memref<640xf32, #tpu.memory_space<vmem>>, vector<16xf32>,
    %swap3A_63 = vector.shape_cast %swap3A_62 : vector<16xf32> to vector<16xf32>
    %swap3A_64 = vector.shape_cast %broadcast_in_dim3A_60 : vector<16xf32> to vector<16xf32>
    tpu.vector_store %arg8[%swap3A_61], %swap3A_64 {strides = array<i32>} : memref<640xf32, #tpu.memory_space<vmem>>, vector<16xf32>,
    %broadcast_in_dim3A_65 = arith.constant 0.000000e+00 : f32
    %broadcast_in_dim3A_66 = vector.broadcast %broadcast_in_dim3A_65 : f32 to vector<16xf32>
    %swap3A_67 = arith.constant 48 : index
    %swap3A_68 = tpu.vector_load %arg8[%swap3A_67] {strides = array<i32>} : memref<640xf32, #tpu.memory_space<vmem>>, vector<16xf32>,
    %swap3A_69 = vector.shape_cast %swap3A_68 : vector<16xf32> to vector<16xf32>
    %swap3A_70 = vector.shape_cast %broadcast_in_dim3A_66 : vector<16xf32> to vector<16xf32>
    tpu.vector_store %arg8[%swap3A_67], %swap3A_70 {strides = array<i32>} : memref<640xf32, #tpu.memory_space<vmem>>, vector<16xf32>,
    %broadcast_in_dim3A_71 = arith.constant 0.000000e+00 : f32
    %broadcast_in_dim3A_72 = vector.broadcast %broadcast_in_dim3A_71 : f32 to vector<16xf32>
    %swap3A_73 = arith.constant 64 : index
    %swap3A_74 = tpu.vector_load %arg8[%swap3A_73] {strides = array<i32>} : memref<640xf32, #tpu.memory_space<vmem>>, vector<16xf32>,
    %swap3A_75 = vector.shape_cast %swap3A_74 : vector<16xf32> to vector<16xf32>
    %swap3A_76 = vector.shape_cast %broadcast_in_dim3A_72 : vector<16xf32> to vector<16xf32>
    tpu.vector_store %arg8[%swap3A_73], %swap3A_76 {strides = array<i32>} : memref<640xf32, #tpu.memory_space<vmem>>, vector<16xf32>,
    %broadcast_in_dim3A_77 = arith.constant 0.000000e+00 : f32
    %broadcast_in_dim3A_78 = vector.broadcast %broadcast_in_dim3A_77 : f32 to vector<16xf32>
    %swap3A_79 = arith.constant 80 : index
    %swap3A_80 = tpu.vector_load %arg8[%swap3A_79] {strides = array<i32>} : memref<640xf32, #tpu.memory_space<vmem>>, vector<16xf32>,
    %swap3A_81 = vector.shape_cast %swap3A_80 : vector<16xf32> to vector<16xf32>
    %swap3A_82 = vector.shape_cast %broadcast_in_dim3A_78 : vector<16xf32> to vector<16xf32>
    tpu.vector_store %arg8[%swap3A_79], %swap3A_82 {strides = array<i32>} : memref<640xf32, #tpu.memory_space<vmem>>, vector<16xf32>,
    %broadcast_in_dim3A_83 = arith.constant 0.000000e+00 : f32
    %broadcast_in_dim3A_84 = vector.broadcast %broadcast_in_dim3A_83 : f32 to vector<16xf32>
    %swap3A_85 = arith.constant 96 : index
    %swap3A_86 = tpu.vector_load %arg8[%swap3A_85] {strides = array<i32>} : memref<640xf32, #tpu.memory_space<vmem>>, vector<16xf32>,
    %swap3A_87 = vector.shape_cast %swap3A_86 : vector<16xf32> to vector<16xf32>
    %swap3A_88 = vector.shape_cast %broadcast_in_dim3A_84 : vector<16xf32> to vector<16xf32>
    tpu.vector_store %arg8[%swap3A_85], %swap3A_88 {strides = array<i32>} : memref<640xf32, #tpu.memory_space<vmem>>, vector<16xf32>,
    %broadcast_in_dim3A_89 = arith.constant 0.000000e+00 : f32
    %broadcast_in_dim3A_90 = vector.broadcast %broadcast_in_dim3A_89 : f32 to vector<16xf32>
    %swap3A_91 = arith.constant 112 : index
    %swap3A_92 = tpu.vector_load %arg8[%swap3A_91] {strides = array<i32>} : memref<640xf32, #tpu.memory_space<vmem>>, vector<16xf32>,
    %swap3A_93 = vector.shape_cast %swap3A_92 : vector<16xf32> to vector<16xf32>
    %swap3A_94 = vector.shape_cast %broadcast_in_dim3A_90 : vector<16xf32> to vector<16xf32>
    tpu.vector_store %arg8[%swap3A_91], %swap3A_94 {strides = array<i32>} : memref<640xf32, #tpu.memory_space<vmem>>, vector<16xf32>,
    %broadcast_in_dim3A_95 = arith.constant 0.000000e+00 : f32
    %broadcast_in_dim3A_96 = vector.broadcast %broadcast_in_dim3A_95 : f32 to vector<16xf32>
    %swap3A_97 = arith.constant 128 : index
    %swap3A_98 = tpu.vector_load %arg8[%swap3A_97] {strides = array<i32>} : memref<640xf32, #tpu.memory_space<vmem>>, vector<16xf32>,
    %swap3A_99 = vector.shape_cast %swap3A_98 : vector<16xf32> to vector<16xf32>
    %swap3A_100 = vector.shape_cast %broadcast_in_dim3A_96 : vector<16xf32> to vector<16xf32>
    tpu.vector_store %arg8[%swap3A_97], %swap3A_100 {strides = array<i32>} : memref<640xf32, #tpu.memory_space<vmem>>, vector<16xf32>,
    %broadcast_in_dim3A_101 = arith.constant 0.000000e+00 : f32
    %broadcast_in_dim3A_102 = vector.broadcast %broadcast_in_dim3A_101 : f32 to vector<16xf32>
    %swap3A_103 = arith.constant 144 : index
    %swap3A_104 = tpu.vector_load %arg8[%swap3A_103] {strides = array<i32>} : memref<640xf32, #tpu.memory_space<vmem>>, vector<16xf32>,
    %swap3A_105 = vector.shape_cast %swap3A_104 : vector<16xf32> to vector<16xf32>
    %swap3A_106 = vector.shape_cast %broadcast_in_dim3A_102 : vector<16xf32> to vector<16xf32>
    tpu.vector_store %arg8[%swap3A_103], %swap3A_106 {strides = array<i32>} : memref<640xf32, #tpu.memory_space<vmem>>, vector<16xf32>,
    %broadcast_in_dim3A_107 = arith.constant 0.000000e+00 : f32
    %broadcast_in_dim3A_108 = vector.broadcast %broadcast_in_dim3A_107 : f32 to vector<16xf32>
    %swap3A_109 = arith.constant 160 : index
    %swap3A_110 = tpu.vector_load %arg8[%swap3A_109] {strides = array<i32>} : memref<640xf32, #tpu.memory_space<vmem>>, vector<16xf32>,
    %swap3A_111 = vector.shape_cast %swap3A_110 : vector<16xf32> to vector<16xf32>
    %swap3A_112 = vector.shape_cast %broadcast_in_dim3A_108 : vector<16xf32> to vector<16xf32>
    tpu.vector_store %arg8[%swap3A_109], %swap3A_112 {strides = array<i32>} : memref<640xf32, #tpu.memory_space<vmem>>, vector<16xf32>,
    %broadcast_in_dim3A_113 = arith.constant 0.000000e+00 : f32
    %broadcast_in_dim3A_114 = vector.broadcast %broadcast_in_dim3A_113 : f32 to vector<16xf32>
    %swap3A_115 = arith.constant 176 : index
    %swap3A_116 = tpu.vector_load %arg8[%swap3A_115] {strides = array<i32>} : memref<640xf32, #tpu.memory_space<vmem>>, vector<16xf32>,
    %swap3A_117 = vector.shape_cast %swap3A_116 : vector<16xf32> to vector<16xf32>
    %swap3A_118 = vector.shape_cast %broadcast_in_dim3A_114 : vector<16xf32> to vector<16xf32>
    tpu.vector_store %arg8[%swap3A_115], %swap3A_118 {strides = array<i32>} : memref<640xf32, #tpu.memory_space<vmem>>, vector<16xf32>,
    %broadcast_in_dim3A_119 = arith.constant 0.000000e+00 : f32
    %broadcast_in_dim3A_120 = vector.broadcast %broadcast_in_dim3A_119 : f32 to vector<16xf32>
    %swap3A_121 = arith.constant 192 : index
    %swap3A_122 = tpu.vector_load %arg8[%swap3A_121] {strides = array<i32>} : memref<640xf32, #tpu.memory_space<vmem>>, vector<16xf32>,
    %swap3A_123 = vector.shape_cast %swap3A_122 : vector<16xf32> to vector<16xf32>
    %swap3A_124 = vector.shape_cast %broadcast_in_dim3A_120 : vector<16xf32> to vector<16xf32>
    tpu.vector_store %arg8[%swap3A_121], %swap3A_124 {strides = array<i32>} : memref<640xf32, #tpu.memory_space<vmem>>, vector<16xf32>,
    %broadcast_in_dim3A_125 = arith.constant 0.000000e+00 : f32
    %broadcast_in_dim3A_126 = vector.broadcast %broadcast_in_dim3A_125 : f32 to vector<16xf32>
    %swap3A_127 = arith.constant 208 : index
    %swap3A_128 = tpu.vector_load %arg8[%swap3A_127] {strides = array<i32>} : memref<640xf32, #tpu.memory_space<vmem>>, vector<16xf32>,
    %swap3A_129 = vector.shape_cast %swap3A_128 : vector<16xf32> to vector<16xf32>
    %swap3A_130 = vector.shape_cast %broadcast_in_dim3A_126 : vector<16xf32> to vector<16xf32>
    tpu.vector_store %arg8[%swap3A_127], %swap3A_130 {strides = array<i32>} : memref<640xf32, #tpu.memory_space<vmem>>, vector<16xf32>,
    %broadcast_in_dim3A_131 = arith.constant 0.000000e+00 : f32
    %broadcast_in_dim3A_132 = vector.broadcast %broadcast_in_dim3A_131 : f32 to vector<16xf32>
    %swap3A_133 = arith.constant 224 : index
    %swap3A_134 = tpu.vector_load %arg8[%swap3A_133] {strides = array<i32>} : memref<640xf32, #tpu.memory_space<vmem>>, vector<16xf32>,
    %swap3A_135 = vector.shape_cast %swap3A_134 : vector<16xf32> to vector<16xf32>
    %swap3A_136 = vector.shape_cast %broadcast_in_dim3A_132 : vector<16xf32> to vector<16xf32>
    tpu.vector_store %arg8[%swap3A_133], %swap3A_136 {strides = array<i32>} : memref<640xf32, #tpu.memory_space<vmem>>, vector<16xf32>,
    %broadcast_in_dim3A_137 = arith.constant 0.000000e+00 : f32
    %broadcast_in_dim3A_138 = vector.broadcast %broadcast_in_dim3A_137 : f32 to vector<16xf32>
    %swap3A_139 = arith.constant 240 : index
    %swap3A_140 = tpu.vector_load %arg8[%swap3A_139] {strides = array<i32>} : memref<640xf32, #tpu.memory_space<vmem>>, vector<16xf32>,
    %swap3A_141 = vector.shape_cast %swap3A_140 : vector<16xf32> to vector<16xf32>
    %swap3A_142 = vector.shape_cast %broadcast_in_dim3A_138 : vector<16xf32> to vector<16xf32>
    tpu.vector_store %arg8[%swap3A_139], %swap3A_142 {strides = array<i32>} : memref<640xf32, #tpu.memory_space<vmem>>, vector<16xf32>,
    %broadcast_in_dim3A_143 = arith.constant 0.000000e+00 : f32
    %broadcast_in_dim3A_144 = vector.broadcast %broadcast_in_dim3A_143 : f32 to vector<16xf32>
    %swap3A_145 = arith.constant 256 : index
    %swap3A_146 = tpu.vector_load %arg8[%swap3A_145] {strides = array<i32>} : memref<640xf32, #tpu.memory_space<vmem>>, vector<16xf32>,
    %swap3A_147 = vector.shape_cast %swap3A_146 : vector<16xf32> to vector<16xf32>
    %swap3A_148 = vector.shape_cast %broadcast_in_dim3A_144 : vector<16xf32> to vector<16xf32>
    tpu.vector_store %arg8[%swap3A_145], %swap3A_148 {strides = array<i32>} : memref<640xf32, #tpu.memory_space<vmem>>, vector<16xf32>,
    %broadcast_in_dim3A_149 = arith.constant 0.000000e+00 : f32
    %broadcast_in_dim3A_150 = vector.broadcast %broadcast_in_dim3A_149 : f32 to vector<16xf32>
    %swap3A_151 = arith.constant 272 : index
    %swap3A_152 = tpu.vector_load %arg8[%swap3A_151] {strides = array<i32>} : memref<640xf32, #tpu.memory_space<vmem>>, vector<16xf32>,
    %swap3A_153 = vector.shape_cast %swap3A_152 : vector<16xf32> to vector<16xf32>
    %swap3A_154 = vector.shape_cast %broadcast_in_dim3A_150 : vector<16xf32> to vector<16xf32>
    tpu.vector_store %arg8[%swap3A_151], %swap3A_154 {strides = array<i32>} : memref<640xf32, #tpu.memory_space<vmem>>, vector<16xf32>,
    %broadcast_in_dim3A_155 = arith.constant 0.000000e+00 : f32
    %broadcast_in_dim3A_156 = vector.broadcast %broadcast_in_dim3A_155 : f32 to vector<16xf32>
    %swap3A_157 = arith.constant 288 : index
    %swap3A_158 = tpu.vector_load %arg8[%swap3A_157] {strides = array<i32>} : memref<640xf32, #tpu.memory_space<vmem>>, vector<16xf32>,
    %swap3A_159 = vector.shape_cast %swap3A_158 : vector<16xf32> to vector<16xf32>
    %swap3A_160 = vector.shape_cast %broadcast_in_dim3A_156 : vector<16xf32> to vector<16xf32>
    tpu.vector_store %arg8[%swap3A_157], %swap3A_160 {strides = array<i32>} : memref<640xf32, #tpu.memory_space<vmem>>, vector<16xf32>,
    %broadcast_in_dim3A_161 = arith.constant 0.000000e+00 : f32
    %broadcast_in_dim3A_162 = vector.broadcast %broadcast_in_dim3A_161 : f32 to vector<16xf32>
    %swap3A_163 = arith.constant 304 : index
    %swap3A_164 = tpu.vector_load %arg8[%swap3A_163] {strides = array<i32>} : memref<640xf32, #tpu.memory_space<vmem>>, vector<16xf32>,
    %swap3A_165 = vector.shape_cast %swap3A_164 : vector<16xf32> to vector<16xf32>
    %swap3A_166 = vector.shape_cast %broadcast_in_dim3A_162 : vector<16xf32> to vector<16xf32>
    tpu.vector_store %arg8[%swap3A_163], %swap3A_166 {strides = array<i32>} : memref<640xf32, #tpu.memory_space<vmem>>, vector<16xf32>,
    %broadcast_in_dim3A_167 = arith.constant 0.000000e+00 : f32
    %broadcast_in_dim3A_168 = vector.broadcast %broadcast_in_dim3A_167 : f32 to vector<16xf32>
    %swap3A_169 = arith.constant 320 : index
    %swap3A_170 = tpu.vector_load %arg8[%swap3A_169] {strides = array<i32>} : memref<640xf32, #tpu.memory_space<vmem>>, vector<16xf32>,
    %swap3A_171 = vector.shape_cast %swap3A_170 : vector<16xf32> to vector<16xf32>
    %swap3A_172 = vector.shape_cast %broadcast_in_dim3A_168 : vector<16xf32> to vector<16xf32>
    tpu.vector_store %arg8[%swap3A_169], %swap3A_172 {strides = array<i32>} : memref<640xf32, #tpu.memory_space<vmem>>, vector<16xf32>,
    %broadcast_in_dim3A_173 = arith.constant 0.000000e+00 : f32
    %broadcast_in_dim3A_174 = vector.broadcast %broadcast_in_dim3A_173 : f32 to vector<16xf32>
    %swap3A_175 = arith.constant 336 : index
    %swap3A_176 = tpu.vector_load %arg8[%swap3A_175] {strides = array<i32>} : memref<640xf32, #tpu.memory_space<vmem>>, vector<16xf32>,
    %swap3A_177 = vector.shape_cast %swap3A_176 : vector<16xf32> to vector<16xf32>
    %swap3A_178 = vector.shape_cast %broadcast_in_dim3A_174 : vector<16xf32> to vector<16xf32>
    tpu.vector_store %arg8[%swap3A_175], %swap3A_178 {strides = array<i32>} : memref<640xf32, #tpu.memory_space<vmem>>, vector<16xf32>,
    %broadcast_in_dim3A_179 = arith.constant 0.000000e+00 : f32
    %broadcast_in_dim3A_180 = vector.broadcast %broadcast_in_dim3A_179 : f32 to vector<16xf32>
    %swap3A_181 = arith.constant 352 : index
    %swap3A_182 = tpu.vector_load %arg8[%swap3A_181] {strides = array<i32>} : memref<640xf32, #tpu.memory_space<vmem>>, vector<16xf32>,
    %swap3A_183 = vector.shape_cast %swap3A_182 : vector<16xf32> to vector<16xf32>
    %swap3A_184 = vector.shape_cast %broadcast_in_dim3A_180 : vector<16xf32> to vector<16xf32>
    tpu.vector_store %arg8[%swap3A_181], %swap3A_184 {strides = array<i32>} : memref<640xf32, #tpu.memory_space<vmem>>, vector<16xf32>,
    %broadcast_in_dim3A_185 = arith.constant 0.000000e+00 : f32
    %broadcast_in_dim3A_186 = vector.broadcast %broadcast_in_dim3A_185 : f32 to vector<16xf32>
    %swap3A_187 = arith.constant 368 : index
    %swap3A_188 = tpu.vector_load %arg8[%swap3A_187] {strides = array<i32>} : memref<640xf32, #tpu.memory_space<vmem>>, vector<16xf32>,
    %swap3A_189 = vector.shape_cast %swap3A_188 : vector<16xf32> to vector<16xf32>
    %swap3A_190 = vector.shape_cast %broadcast_in_dim3A_186 : vector<16xf32> to vector<16xf32>
    tpu.vector_store %arg8[%swap3A_187], %swap3A_190 {strides = array<i32>} : memref<640xf32, #tpu.memory_space<vmem>>, vector<16xf32>,
    %broadcast_in_dim3A_191 = arith.constant 0.000000e+00 : f32
    %broadcast_in_dim3A_192 = vector.broadcast %broadcast_in_dim3A_191 : f32 to vector<16xf32>
    %swap3A_193 = arith.constant 384 : index
    %swap3A_194 = tpu.vector_load %arg8[%swap3A_193] {strides = array<i32>} : memref<640xf32, #tpu.memory_space<vmem>>, vector<16xf32>,
    %swap3A_195 = vector.shape_cast %swap3A_194 : vector<16xf32> to vector<16xf32>
    %swap3A_196 = vector.shape_cast %broadcast_in_dim3A_192 : vector<16xf32> to vector<16xf32>
    tpu.vector_store %arg8[%swap3A_193], %swap3A_196 {strides = array<i32>} : memref<640xf32, #tpu.memory_space<vmem>>, vector<16xf32>,
    %broadcast_in_dim3A_197 = arith.constant 0.000000e+00 : f32
    %broadcast_in_dim3A_198 = vector.broadcast %broadcast_in_dim3A_197 : f32 to vector<16xf32>
    %swap3A_199 = arith.constant 400 : index
    %swap3A_200 = tpu.vector_load %arg8[%swap3A_199] {strides = array<i32>} : memref<640xf32, #tpu.memory_space<vmem>>, vector<16xf32>,
    %swap3A_201 = vector.shape_cast %swap3A_200 : vector<16xf32> to vector<16xf32>
    %swap3A_202 = vector.shape_cast %broadcast_in_dim3A_198 : vector<16xf32> to vector<16xf32>
    tpu.vector_store %arg8[%swap3A_199], %swap3A_202 {strides = array<i32>} : memref<640xf32, #tpu.memory_space<vmem>>, vector<16xf32>,
    %broadcast_in_dim3A_203 = arith.constant 0.000000e+00 : f32
    %broadcast_in_dim3A_204 = vector.broadcast %broadcast_in_dim3A_203 : f32 to vector<16xf32>
    %swap3A_205 = arith.constant 416 : index
    %swap3A_206 = tpu.vector_load %arg8[%swap3A_205] {strides = array<i32>} : memref<640xf32, #tpu.memory_space<vmem>>, vector<16xf32>,
    %swap3A_207 = vector.shape_cast %swap3A_206 : vector<16xf32> to vector<16xf32>
    %swap3A_208 = vector.shape_cast %broadcast_in_dim3A_204 : vector<16xf32> to vector<16xf32>
    tpu.vector_store %arg8[%swap3A_205], %swap3A_208 {strides = array<i32>} : memref<640xf32, #tpu.memory_space<vmem>>, vector<16xf32>,
    %broadcast_in_dim3A_209 = arith.constant 0.000000e+00 : f32
    %broadcast_in_dim3A_210 = vector.broadcast %broadcast_in_dim3A_209 : f32 to vector<16xf32>
    %swap3A_211 = arith.constant 432 : index
    %swap3A_212 = tpu.vector_load %arg8[%swap3A_211] {strides = array<i32>} : memref<640xf32, #tpu.memory_space<vmem>>, vector<16xf32>,
    %swap3A_213 = vector.shape_cast %swap3A_212 : vector<16xf32> to vector<16xf32>
    %swap3A_214 = vector.shape_cast %broadcast_in_dim3A_210 : vector<16xf32> to vector<16xf32>
    tpu.vector_store %arg8[%swap3A_211], %swap3A_214 {strides = array<i32>} : memref<640xf32, #tpu.memory_space<vmem>>, vector<16xf32>,
    %broadcast_in_dim3A_215 = arith.constant 0.000000e+00 : f32
    %broadcast_in_dim3A_216 = vector.broadcast %broadcast_in_dim3A_215 : f32 to vector<16xf32>
    %swap3A_217 = arith.constant 448 : index
    %swap3A_218 = tpu.vector_load %arg8[%swap3A_217] {strides = array<i32>} : memref<640xf32, #tpu.memory_space<vmem>>, vector<16xf32>,
    %swap3A_219 = vector.shape_cast %swap3A_218 : vector<16xf32> to vector<16xf32>
    %swap3A_220 = vector.shape_cast %broadcast_in_dim3A_216 : vector<16xf32> to vector<16xf32>
    tpu.vector_store %arg8[%swap3A_217], %swap3A_220 {strides = array<i32>} : memref<640xf32, #tpu.memory_space<vmem>>, vector<16xf32>,
    %broadcast_in_dim3A_221 = arith.constant 0.000000e+00 : f32
    %broadcast_in_dim3A_222 = vector.broadcast %broadcast_in_dim3A_221 : f32 to vector<16xf32>
    %swap3A_223 = arith.constant 464 : index
    %swap3A_224 = tpu.vector_load %arg8[%swap3A_223] {strides = array<i32>} : memref<640xf32, #tpu.memory_space<vmem>>, vector<16xf32>,
    %swap3A_225 = vector.shape_cast %swap3A_224 : vector<16xf32> to vector<16xf32>
    %swap3A_226 = vector.shape_cast %broadcast_in_dim3A_222 : vector<16xf32> to vector<16xf32>
    tpu.vector_store %arg8[%swap3A_223], %swap3A_226 {strides = array<i32>} : memref<640xf32, #tpu.memory_space<vmem>>, vector<16xf32>,
    %broadcast_in_dim3A_227 = arith.constant 0.000000e+00 : f32
    %broadcast_in_dim3A_228 = vector.broadcast %broadcast_in_dim3A_227 : f32 to vector<16xf32>
    %swap3A_229 = arith.constant 480 : index
    %swap3A_230 = tpu.vector_load %arg8[%swap3A_229] {strides = array<i32>} : memref<640xf32, #tpu.memory_space<vmem>>, vector<16xf32>,
    %swap3A_231 = vector.shape_cast %swap3A_230 : vector<16xf32> to vector<16xf32>
    %swap3A_232 = vector.shape_cast %broadcast_in_dim3A_228 : vector<16xf32> to vector<16xf32>
    tpu.vector_store %arg8[%swap3A_229], %swap3A_232 {strides = array<i32>} : memref<640xf32, #tpu.memory_space<vmem>>, vector<16xf32>,
    %broadcast_in_dim3A_233 = arith.constant 0.000000e+00 : f32
    %broadcast_in_dim3A_234 = vector.broadcast %broadcast_in_dim3A_233 : f32 to vector<16xf32>
    %swap3A_235 = arith.constant 496 : index
    %swap3A_236 = tpu.vector_load %arg8[%swap3A_235] {strides = array<i32>} : memref<640xf32, #tpu.memory_space<vmem>>, vector<16xf32>,
    %swap3A_237 = vector.shape_cast %swap3A_236 : vector<16xf32> to vector<16xf32>
    %swap3A_238 = vector.shape_cast %broadcast_in_dim3A_234 : vector<16xf32> to vector<16xf32>
    tpu.vector_store %arg8[%swap3A_235], %swap3A_238 {strides = array<i32>} : memref<640xf32, #tpu.memory_space<vmem>>, vector<16xf32>,
    %broadcast_in_dim3A_239 = arith.constant 0.000000e+00 : f32
    %broadcast_in_dim3A_240 = vector.broadcast %broadcast_in_dim3A_239 : f32 to vector<16xf32>
    %swap3A_241 = arith.constant 512 : index
    %swap3A_242 = tpu.vector_load %arg8[%swap3A_241] {strides = array<i32>} : memref<640xf32, #tpu.memory_space<vmem>>, vector<16xf32>,
    %swap3A_243 = vector.shape_cast %swap3A_242 : vector<16xf32> to vector<16xf32>
    %swap3A_244 = vector.shape_cast %broadcast_in_dim3A_240 : vector<16xf32> to vector<16xf32>
    tpu.vector_store %arg8[%swap3A_241], %swap3A_244 {strides = array<i32>} : memref<640xf32, #tpu.memory_space<vmem>>, vector<16xf32>,
    %broadcast_in_dim3A_245 = arith.constant 0.000000e+00 : f32
    %broadcast_in_dim3A_246 = vector.broadcast %broadcast_in_dim3A_245 : f32 to vector<16xf32>
    %swap3A_247 = arith.constant 528 : index
    %swap3A_248 = tpu.vector_load %arg8[%swap3A_247] {strides = array<i32>} : memref<640xf32, #tpu.memory_space<vmem>>, vector<16xf32>,
    %swap3A_249 = vector.shape_cast %swap3A_248 : vector<16xf32> to vector<16xf32>
    %swap3A_250 = vector.shape_cast %broadcast_in_dim3A_246 : vector<16xf32> to vector<16xf32>
    tpu.vector_store %arg8[%swap3A_247], %swap3A_250 {strides = array<i32>} : memref<640xf32, #tpu.memory_space<vmem>>, vector<16xf32>,
    %broadcast_in_dim3A_251 = arith.constant 0.000000e+00 : f32
    %broadcast_in_dim3A_252 = vector.broadcast %broadcast_in_dim3A_251 : f32 to vector<16xf32>
    %swap3A_253 = arith.constant 544 : index
    %swap3A_254 = tpu.vector_load %arg8[%swap3A_253] {strides = array<i32>} : memref<640xf32, #tpu.memory_space<vmem>>, vector<16xf32>,
    %swap3A_255 = vector.shape_cast %swap3A_254 : vector<16xf32> to vector<16xf32>
    %swap3A_256 = vector.shape_cast %broadcast_in_dim3A_252 : vector<16xf32> to vector<16xf32>
    tpu.vector_store %arg8[%swap3A_253], %swap3A_256 {strides = array<i32>} : memref<640xf32, #tpu.memory_space<vmem>>, vector<16xf32>,
    %broadcast_in_dim3A_257 = arith.constant 0.000000e+00 : f32
    %broadcast_in_dim3A_258 = vector.broadcast %broadcast_in_dim3A_257 : f32 to vector<16xf32>
    %swap3A_259 = arith.constant 560 : index
    %swap3A_260 = tpu.vector_load %arg8[%swap3A_259] {strides = array<i32>} : memref<640xf32, #tpu.memory_space<vmem>>, vector<16xf32>,
    %swap3A_261 = vector.shape_cast %swap3A_260 : vector<16xf32> to vector<16xf32>
    %swap3A_262 = vector.shape_cast %broadcast_in_dim3A_258 : vector<16xf32> to vector<16xf32>
    tpu.vector_store %arg8[%swap3A_259], %swap3A_262 {strides = array<i32>} : memref<640xf32, #tpu.memory_space<vmem>>, vector<16xf32>,
    %broadcast_in_dim3A_263 = arith.constant 0.000000e+00 : f32
    %broadcast_in_dim3A_264 = vector.broadcast %broadcast_in_dim3A_263 : f32 to vector<16xf32>
    %swap3A_265 = arith.constant 576 : index
    %swap3A_266 = tpu.vector_load %arg8[%swap3A_265] {strides = array<i32>} : memref<640xf32, #tpu.memory_space<vmem>>, vector<16xf32>,
    %swap3A_267 = vector.shape_cast %swap3A_266 : vector<16xf32> to vector<16xf32>
    %swap3A_268 = vector.shape_cast %broadcast_in_dim3A_264 : vector<16xf32> to vector<16xf32>
    tpu.vector_store %arg8[%swap3A_265], %swap3A_268 {strides = array<i32>} : memref<640xf32, #tpu.memory_space<vmem>>, vector<16xf32>,
    %broadcast_in_dim3A_269 = arith.constant 0.000000e+00 : f32
    %broadcast_in_dim3A_270 = vector.broadcast %broadcast_in_dim3A_269 : f32 to vector<16xf32>
    %swap3A_271 = arith.constant 592 : index
    %swap3A_272 = tpu.vector_load %arg8[%swap3A_271] {strides = array<i32>} : memref<640xf32, #tpu.memory_space<vmem>>, vector<16xf32>,
    %swap3A_273 = vector.shape_cast %swap3A_272 : vector<16xf32> to vector<16xf32>
    %swap3A_274 = vector.shape_cast %broadcast_in_dim3A_270 : vector<16xf32> to vector<16xf32>
    tpu.vector_store %arg8[%swap3A_271], %swap3A_274 {strides = array<i32>} : memref<640xf32, #tpu.memory_space<vmem>>, vector<16xf32>,
    %broadcast_in_dim3A_275 = arith.constant 0.000000e+00 : f32
    %broadcast_in_dim3A_276 = vector.broadcast %broadcast_in_dim3A_275 : f32 to vector<16xf32>
    %swap3A_277 = arith.constant 608 : index
    %swap3A_278 = tpu.vector_load %arg8[%swap3A_277] {strides = array<i32>} : memref<640xf32, #tpu.memory_space<vmem>>, vector<16xf32>,
    %swap3A_279 = vector.shape_cast %swap3A_278 : vector<16xf32> to vector<16xf32>
    %swap3A_280 = vector.shape_cast %broadcast_in_dim3A_276 : vector<16xf32> to vector<16xf32>
    tpu.vector_store %arg8[%swap3A_277], %swap3A_280 {strides = array<i32>} : memref<640xf32, #tpu.memory_space<vmem>>, vector<16xf32>,
    %broadcast_in_dim3A_281 = arith.constant 0.000000e+00 : f32
    %broadcast_in_dim3A_282 = vector.broadcast %broadcast_in_dim3A_281 : f32 to vector<16xf32>
    %swap3A_283 = arith.constant 624 : index
    %swap3A_284 = tpu.vector_load %arg8[%swap3A_283] {strides = array<i32>} : memref<640xf32, #tpu.memory_space<vmem>>, vector<16xf32>,
    %swap3A_285 = vector.shape_cast %swap3A_284 : vector<16xf32> to vector<16xf32>
    %swap3A_286 = vector.shape_cast %broadcast_in_dim3A_282 : vector<16xf32> to vector<16xf32>
    tpu.vector_store %arg8[%swap3A_283], %swap3A_286 {strides = array<i32>} : memref<640xf32, #tpu.memory_space<vmem>>, vector<16xf32>,
    "tpu.region"() ({
      %run_scoped3A = tpu.sem_alloc : memref<!tpu.dma_semaphore, #tpu.memory_space<semaphore_mem>>
      %dma_start3A_323 = arith.constant 0 : i32
      %dma_start3A_324 = arith.constant 0 : i32
      %dma_start3A_325 = tpu.memref_slice %arg2[%add3A, %dma_start3A_323, %dma_start3A_324] : memref<32x80x128xi32, #tpu.memory_space<hbm>> -> memref<1x80x128xi32, #tpu.memory_space<hbm>>
      %dma_start3A_326 = tpu.memref_squeeze %dma_start3A_325 : memref<1x80x128xi32, #tpu.memory_space<hbm>> -> memref<80x128xi32, #tpu.memory_space<hbm>>
      %dma_start3A_327 = arith.constant 0 : i32
      %dma_start3A_328 = arith.constant 0 : i32
      %dma_start3A_329 = tpu.memref_slice %arg2[%add3A, %dma_start3A_327, %dma_start3A_328] : memref<32x80x128xi32, #tpu.memory_space<hbm>> -> memref<1x80x128xi32, #tpu.memory_space<hbm>>
      %dma_start3A_330 = tpu.memref_squeeze %dma_start3A_329 : memref<1x80x128xi32, #tpu.memory_space<hbm>> -> memref<80x128xi32, #tpu.memory_space<hbm>>
      tpu.enqueue_dma source(%dma_start3A_330 : memref<80x128xi32, #tpu.memory_space<hbm>>) target(%arg5 : memref<80x128xi32, #tpu.memory_space<vmem>>) target_semaphore(%run_scoped3A : memref<!tpu.dma_semaphore, #tpu.memory_space<semaphore_mem>>)
      %dma_wait3A_331 = arith.constant 0 : i32
      %dma_wait3A_332 = arith.constant 0 : i32
      %dma_wait3A_333 = tpu.memref_slice %arg2[%add3A, %dma_wait3A_331, %dma_wait3A_332] : memref<32x80x128xi32, #tpu.memory_space<hbm>> -> memref<1x80x128xi32, #tpu.memory_space<hbm>>
      %dma_wait3A_334 = tpu.memref_squeeze %dma_wait3A_333 : memref<1x80x128xi32, #tpu.memory_space<hbm>> -> memref<80x128xi32, #tpu.memory_space<hbm>>
      %dma_wait3A_335 = arith.constant 0 : i32
      %dma_wait3A_336 = arith.constant 0 : i32
      %dma_wait3A_337 = tpu.memref_slice %arg2[%add3A, %dma_wait3A_335, %dma_wait3A_336] : memref<32x80x128xi32, #tpu.memory_space<hbm>> -> memref<1x80x128xi32, #tpu.memory_space<hbm>>
      %dma_wait3A_338 = tpu.memref_squeeze %dma_wait3A_337 : memref<1x80x128xi32, #tpu.memory_space<hbm>> -> memref<80x128xi32, #tpu.memory_space<hbm>>
      tpu.wait_dma2 semaphore(%run_scoped3A : memref<!tpu.dma_semaphore, #tpu.memory_space<semaphore_mem>>) src(%dma_wait3A_338 : memref<80x128xi32, #tpu.memory_space<hbm>>) dst(%arg5 : memref<80x128xi32, #tpu.memory_space<vmem>>)
      tpu.yield
    }) : () -> ()
    %mul3A_287 = arith.constant 640 : i32
    %mul3A_288 = arith.muli %arg1, %mul3A_287 : i32
    "tpu.region"() ({
      %run_scoped3A = tpu.sem_alloc : memref<!tpu.dma_semaphore, #tpu.memory_space<semaphore_mem>>
      %dma_start3A_323 = tpu.memref_slice %arg9[%mul3A_288] : memref<10240xf32, #tpu.memory_space<vmem_shared>> -> memref<640xf32, #tpu.memory_space<vmem_shared>>
      %dma_start3A_324 = tpu.memref_slice %arg9[%mul3A_288] : memref<10240xf32, #tpu.memory_space<vmem_shared>> -> memref<640xf32, #tpu.memory_space<vmem_shared>>
      tpu.enqueue_dma source(%arg8 : memref<640xf32, #tpu.memory_space<vmem>>) target(%dma_start3A_324 : memref<640xf32, #tpu.memory_space<vmem_shared>>) target_semaphore(%run_scoped3A : memref<!tpu.dma_semaphore, #tpu.memory_space<semaphore_mem>>)
      %dma_wait3A_325 = tpu.memref_slice %arg9[%mul3A_288] : memref<10240xf32, #tpu.memory_space<vmem_shared>> -> memref<640xf32, #tpu.memory_space<vmem_shared>>
      %dma_wait3A_326 = tpu.memref_slice %arg9[%mul3A_288] : memref<10240xf32, #tpu.memory_space<vmem_shared>> -> memref<640xf32, #tpu.memory_space<vmem_shared>>
      tpu.wait_dma2 semaphore(%run_scoped3A : memref<!tpu.dma_semaphore, #tpu.memory_space<semaphore_mem>>) src(%arg8 : memref<640xf32, #tpu.memory_space<vmem>>) dst(%dma_wait3A_326 : memref<640xf32, #tpu.memory_space<vmem_shared>>)
      tpu.yield
    }) : () -> ()
    %barrier3A = arith.constant 0 : index
    tpu.barrier barrier_id(%barrier3A)
    %dma_start3A = arith.constant 0 : i32
    %dma_start3A_289 = arith.constant 0 : i32
    %dma_start3A_290 = tpu.memref_slice %arg5[%dma_start3A, %dma_start3A_289] : memref<80x128xi32, #tpu.memory_space<vmem>> -> memref<1x128xi32, #tpu.memory_space<vmem>>
    %dma_start3A_291 = tpu.memref_squeeze %dma_start3A_290 : memref<1x128xi32, #tpu.memory_space<vmem>> -> memref<128xi32, #tpu.memory_space<vmem>>
    %dma_start3A_292 = arith.constant 0 : i32
    %dma_start3A_293 = tpu.memref_slice %arg9[%dma_start3A_292] : memref<10240xf32, #tpu.memory_space<vmem_shared>> -> memref<10240xf32, #tpu.memory_space<vmem_shared>>
    tpu.enqueue_indirect_dma source(%arg7 : memref<128xf32, #tpu.memory_space<vmem>>) target(%dma_start3A_293 : memref<10240xf32, #tpu.memory_space<vmem_shared>>) offsets(%dma_start3A_291 : memref<128xi32, #tpu.memory_space<vmem>>) semaphore(%arg10 : memref<!tpu.dma_semaphore, #tpu.memory_space<semaphore_mem>>) {add = true}
    %dma_start3A_294 = arith.constant 1 : i32
    %dma_start3A_295 = arith.constant 0 : i32
    %dma_start3A_296 = tpu.memref_slice %arg5[%dma_start3A_294, %dma_start3A_295] : memref<80x128xi32, #tpu.memory_space<vmem>> -> memref<1x128xi32, #tpu.memory_space<vmem>>
    %dma_start3A_297 = tpu.memref_squeeze %dma_start3A_296 : memref<1x128xi32, #tpu.memory_space<vmem>> -> memref<128xi32, #tpu.memory_space<vmem>>
    %dma_start3A_298 = arith.constant 0 : i32
    %dma_start3A_299 = tpu.memref_slice %arg9[%dma_start3A_298] : memref<10240xf32, #tpu.memory_space<vmem_shared>> -> memref<10240xf32, #tpu.memory_space<vmem_shared>>
    tpu.enqueue_indirect_dma source(%arg7 : memref<128xf32, #tpu.memory_space<vmem>>) target(%dma_start3A_299 : memref<10240xf32, #tpu.memory_space<vmem_shared>>) offsets(%dma_start3A_297 : memref<128xi32, #tpu.memory_space<vmem>>) semaphore(%arg11 : memref<!tpu.dma_semaphore, #tpu.memory_space<semaphore_mem>>) {add = true}
    %scan3A = arith.constant 0 : i32
    %scan3A_300 = arith.constant 1 : i32
    %scan3A_301 = arith.constant 38 : i32
    %scan3A_302 = arith.addi %scan3A_300, %scan3A_301 : i32
    %scan3A_303 = arith.constant 1 : i32
    scf.for %scan3A_323 = %scan3A_300 to %scan3A_302 step %scan3A_303  : i32 {
      %mul3A_324 = arith.constant 2 : i32
      %mul3A_325 = arith.muli %mul3A_324, %scan3A_323 : i32
      %sub3A = arith.constant 2 : i32
      %sub3A_326 = arith.subi %mul3A_325, %sub3A : i32
      %dma_wait3A_327 = arith.constant 0 : i32
      %dma_wait3A_328 = tpu.memref_slice %arg5[%sub3A_326, %dma_wait3A_327] : memref<80x128xi32, #tpu.memory_space<vmem>> -> memref<1x128xi32, #tpu.memory_space<vmem>>
      %dma_wait3A_329 = tpu.memref_squeeze %dma_wait3A_328 : memref<1x128xi32, #tpu.memory_space<vmem>> -> memref<128xi32, #tpu.memory_space<vmem>>
      %dma_wait3A_330 = arith.constant 0 : i32
      %dma_wait3A_331 = tpu.memref_slice %arg9[%dma_wait3A_330] : memref<10240xf32, #tpu.memory_space<vmem_shared>> -> memref<10240xf32, #tpu.memory_space<vmem_shared>>
      tpu.wait_indirect_dma semaphore(%arg10 : memref<!tpu.dma_semaphore, #tpu.memory_space<semaphore_mem>>) src(%arg7 : memref<128xf32, #tpu.memory_space<vmem>>) dst(%dma_wait3A_331 : memref<10240xf32, #tpu.memory_space<vmem_shared>>)
      %dma_start3A_332 = arith.constant 0 : i32
      %dma_start3A_333 = tpu.memref_slice %arg5[%mul3A_325, %dma_start3A_332] : memref<80x128xi32, #tpu.memory_space<vmem>> -> memref<1x128xi32, #tpu.memory_space<vmem>>
      %dma_start3A_334 = tpu.memref_squeeze %dma_start3A_333 : memref<1x128xi32, #tpu.memory_space<vmem>> -> memref<128xi32, #tpu.memory_space<vmem>>
      %dma_start3A_335 = arith.constant 0 : i32
      %dma_start3A_336 = tpu.memref_slice %arg9[%dma_start3A_335] : memref<10240xf32, #tpu.memory_space<vmem_shared>> -> memref<10240xf32, #tpu.memory_space<vmem_shared>>
      tpu.enqueue_indirect_dma source(%arg7 : memref<128xf32, #tpu.memory_space<vmem>>) target(%dma_start3A_336 : memref<10240xf32, #tpu.memory_space<vmem_shared>>) offsets(%dma_start3A_334 : memref<128xi32, #tpu.memory_space<vmem>>) semaphore(%arg10 : memref<!tpu.dma_semaphore, #tpu.memory_space<semaphore_mem>>) {add = true}
      %sub3A_337 = arith.constant 1 : i32
      %sub3A_338 = arith.subi %mul3A_325, %sub3A_337 : i32
      %dma_wait3A_339 = arith.constant 0 : i32
      %dma_wait3A_340 = tpu.memref_slice %arg5[%sub3A_338, %dma_wait3A_339] : memref<80x128xi32, #tpu.memory_space<vmem>> -> memref<1x128xi32, #tpu.memory_space<vmem>>
      %dma_wait3A_341 = tpu.memref_squeeze %dma_wait3A_340 : memref<1x128xi32, #tpu.memory_space<vmem>> -> memref<128xi32, #tpu.memory_space<vmem>>
      %dma_wait3A_342 = arith.constant 0 : i32
      %dma_wait3A_343 = tpu.memref_slice %arg9[%dma_wait3A_342] : memref<10240xf32, #tpu.memory_space<vmem_shared>> -> memref<10240xf32, #tpu.memory_space<vmem_shared>>
      tpu.wait_indirect_dma semaphore(%arg11 : memref<!tpu.dma_semaphore, #tpu.memory_space<semaphore_mem>>) src(%arg7 : memref<128xf32, #tpu.memory_space<vmem>>) dst(%dma_wait3A_343 : memref<10240xf32, #tpu.memory_space<vmem_shared>>)
      %add3A_344 = arith.constant 1 : i32
      %add3A_345 = arith.addi %mul3A_325, %add3A_344 : i32
      %dma_start3A_346 = arith.constant 0 : i32
      %dma_start3A_347 = tpu.memref_slice %arg5[%add3A_345, %dma_start3A_346] : memref<80x128xi32, #tpu.memory_space<vmem>> -> memref<1x128xi32, #tpu.memory_space<vmem>>
      %dma_start3A_348 = tpu.memref_squeeze %dma_start3A_347 : memref<1x128xi32, #tpu.memory_space<vmem>> -> memref<128xi32, #tpu.memory_space<vmem>>
      %dma_start3A_349 = arith.constant 0 : i32
      %dma_start3A_350 = tpu.memref_slice %arg9[%dma_start3A_349] : memref<10240xf32, #tpu.memory_space<vmem_shared>> -> memref<10240xf32, #tpu.memory_space<vmem_shared>>
      tpu.enqueue_indirect_dma source(%arg7 : memref<128xf32, #tpu.memory_space<vmem>>) target(%dma_start3A_350 : memref<10240xf32, #tpu.memory_space<vmem_shared>>) offsets(%dma_start3A_348 : memref<128xi32, #tpu.memory_space<vmem>>) semaphore(%arg11 : memref<!tpu.dma_semaphore, #tpu.memory_space<semaphore_mem>>) {add = true}
    }
    %scan3A_304 = arith.constant 38 : i32
    %dma_wait3A = arith.constant 76 : i32
    %dma_wait3A_305 = arith.constant 0 : i32
    %dma_wait3A_306 = tpu.memref_slice %arg5[%dma_wait3A, %dma_wait3A_305] : memref<80x128xi32, #tpu.memory_space<vmem>> -> memref<1x128xi32, #tpu.memory_space<vmem>>
    %dma_wait3A_307 = tpu.memref_squeeze %dma_wait3A_306 : memref<1x128xi32, #tpu.memory_space<vmem>> -> memref<128xi32, #tpu.memory_space<vmem>>
    %dma_wait3A_308 = arith.constant 0 : i32
    %dma_wait3A_309 = tpu.memref_slice %arg9[%dma_wait3A_308] : memref<10240xf32, #tpu.memory_space<vmem_shared>> -> memref<10240xf32, #tpu.memory_space<vmem_shared>>
    tpu.wait_indirect_dma semaphore(%arg10 : memref<!tpu.dma_semaphore, #tpu.memory_space<semaphore_mem>>) src(%arg7 : memref<128xf32, #tpu.memory_space<vmem>>) dst(%dma_wait3A_309 : memref<10240xf32, #tpu.memory_space<vmem_shared>>)
    %dma_wait3A_310 = arith.constant 77 : i32
    %dma_wait3A_311 = arith.constant 0 : i32
    %dma_wait3A_312 = tpu.memref_slice %arg5[%dma_wait3A_310, %dma_wait3A_311] : memref<80x128xi32, #tpu.memory_space<vmem>> -> memref<1x128xi32, #tpu.memory_space<vmem>>
    %dma_wait3A_313 = tpu.memref_squeeze %dma_wait3A_312 : memref<1x128xi32, #tpu.memory_space<vmem>> -> memref<128xi32, #tpu.memory_space<vmem>>
    %dma_wait3A_314 = arith.constant 0 : i32
    %dma_wait3A_315 = tpu.memref_slice %arg9[%dma_wait3A_314] : memref<10240xf32, #tpu.memory_space<vmem_shared>> -> memref<10240xf32, #tpu.memory_space<vmem_shared>>
    tpu.wait_indirect_dma semaphore(%arg11 : memref<!tpu.dma_semaphore, #tpu.memory_space<semaphore_mem>>) src(%arg7 : memref<128xf32, #tpu.memory_space<vmem>>) dst(%dma_wait3A_315 : memref<10240xf32, #tpu.memory_space<vmem_shared>>)
    %lt3A = arith.constant 4 : i32
    %lt3A_316 = arith.cmpi slt, %add3A, %lt3A : i32
    %convert_element_type3A = arith.extui %lt3A_316 : i1 to i32
    %cond3A = arith.constant 0 : i32
    %cond3A_317 = arith.cmpi ne, %convert_element_type3A, %cond3A : i32
    scf.if %cond3A_317 {
      "tpu.region"() ({
        %run_scoped3A_323 = tpu.sem_alloc : memref<!tpu.dma_semaphore, #tpu.memory_space<semaphore_mem>>
        %dma_start3A_324 = arith.constant 0 : i32
        %dma_start3A_325 = arith.constant 0 : i32
        %dma_start3A_326 = tpu.memref_slice %arg3[%add3A, %dma_start3A_324, %dma_start3A_325] : memref<4x1x128xi32, #tpu.memory_space<hbm>> -> memref<1x1x128xi32, #tpu.memory_space<hbm>>
        %dma_start3A_327 = tpu.memref_squeeze %dma_start3A_326 : memref<1x1x128xi32, #tpu.memory_space<hbm>> -> memref<1x128xi32, #tpu.memory_space<hbm>>
        %dma_start3A_328 = arith.constant 0 : i32
        %dma_start3A_329 = arith.constant 0 : i32
        %dma_start3A_330 = tpu.memref_slice %arg3[%add3A, %dma_start3A_328, %dma_start3A_329] : memref<4x1x128xi32, #tpu.memory_space<hbm>> -> memref<1x1x128xi32, #tpu.memory_space<hbm>>
        %dma_start3A_331 = tpu.memref_squeeze %dma_start3A_330 : memref<1x1x128xi32, #tpu.memory_space<hbm>> -> memref<1x128xi32, #tpu.memory_space<hbm>>
        tpu.enqueue_dma source(%dma_start3A_331 : memref<1x128xi32, #tpu.memory_space<hbm>>) target(%arg6 : memref<1x128xi32, #tpu.memory_space<vmem>>) target_semaphore(%run_scoped3A_323 : memref<!tpu.dma_semaphore, #tpu.memory_space<semaphore_mem>>)
        %dma_wait3A_332 = arith.constant 0 : i32
        %dma_wait3A_333 = arith.constant 0 : i32
        %dma_wait3A_334 = tpu.memref_slice %arg3[%add3A, %dma_wait3A_332, %dma_wait3A_333] : memref<4x1x128xi32, #tpu.memory_space<hbm>> -> memref<1x1x128xi32, #tpu.memory_space<hbm>>
        %dma_wait3A_335 = tpu.memref_squeeze %dma_wait3A_334 : memref<1x1x128xi32, #tpu.memory_space<hbm>> -> memref<1x128xi32, #tpu.memory_space<hbm>>
        %dma_wait3A_336 = arith.constant 0 : i32
        %dma_wait3A_337 = arith.constant 0 : i32
        %dma_wait3A_338 = tpu.memref_slice %arg3[%add3A, %dma_wait3A_336, %dma_wait3A_337] : memref<4x1x128xi32, #tpu.memory_space<hbm>> -> memref<1x1x128xi32, #tpu.memory_space<hbm>>
        %dma_wait3A_339 = tpu.memref_squeeze %dma_wait3A_338 : memref<1x1x128xi32, #tpu.memory_space<hbm>> -> memref<1x128xi32, #tpu.memory_space<hbm>>
        tpu.wait_dma2 semaphore(%run_scoped3A_323 : memref<!tpu.dma_semaphore, #tpu.memory_space<semaphore_mem>>) src(%dma_wait3A_339 : memref<1x128xi32, #tpu.memory_space<hbm>>) dst(%arg6 : memref<1x128xi32, #tpu.memory_space<vmem>>)
        tpu.yield
      }) : () -> ()
      %run_scoped3A = arith.constant 0 : i32
      "tpu.region"() ({
        %run_scoped3A_323 = tpu.sem_alloc : memref<!tpu.dma_semaphore, #tpu.memory_space<semaphore_mem>>
        %dma_start3A_324 = arith.constant 0 : i32
        %dma_start3A_325 = tpu.memref_slice %arg6[%run_scoped3A, %dma_start3A_324] : memref<1x128xi32, #tpu.memory_space<vmem>> -> memref<1x128xi32, #tpu.memory_space<vmem>>
        %dma_start3A_326 = tpu.memref_squeeze %dma_start3A_325 : memref<1x128xi32, #tpu.memory_space<vmem>> -> memref<128xi32, #tpu.memory_space<vmem>>
        %dma_start3A_327 = arith.constant 0 : i32
        %dma_start3A_328 = tpu.memref_slice %arg9[%dma_start3A_327] : memref<10240xf32, #tpu.memory_space<vmem_shared>> -> memref<10240xf32, #tpu.memory_space<vmem_shared>>
        tpu.enqueue_indirect_dma source(%arg7 : memref<128xf32, #tpu.memory_space<vmem>>) target(%dma_start3A_328 : memref<10240xf32, #tpu.memory_space<vmem_shared>>) offsets(%dma_start3A_326 : memref<128xi32, #tpu.memory_space<vmem>>) semaphore(%run_scoped3A_323 : memref<!tpu.dma_semaphore, #tpu.memory_space<semaphore_mem>>) {add = true}
        %dma_wait3A_329 = arith.constant 0 : i32
        %dma_wait3A_330 = tpu.memref_slice %arg6[%run_scoped3A, %dma_wait3A_329] : memref<1x128xi32, #tpu.memory_space<vmem>> -> memref<1x128xi32, #tpu.memory_space<vmem>>
        %dma_wait3A_331 = tpu.memref_squeeze %dma_wait3A_330 : memref<1x128xi32, #tpu.memory_space<vmem>> -> memref<128xi32, #tpu.memory_space<vmem>>
        %dma_wait3A_332 = arith.constant 0 : i32
        %dma_wait3A_333 = tpu.memref_slice %arg9[%dma_wait3A_332] : memref<10240xf32, #tpu.memory_space<vmem_shared>> -> memref<10240xf32, #tpu.memory_space<vmem_shared>>
        tpu.wait_indirect_dma semaphore(%run_scoped3A_323 : memref<!tpu.dma_semaphore, #tpu.memory_space<semaphore_mem>>) src(%arg7 : memref<128xf32, #tpu.memory_space<vmem>>) dst(%dma_wait3A_333 : memref<10240xf32, #tpu.memory_space<vmem_shared>>)
        tpu.yield
      }) : () -> ()
    } else {
    }
    %barrier3A_318 = arith.constant 0 : index
    tpu.barrier barrier_id(%barrier3A_318)
    %mul3A_319 = arith.constant 640 : i32
    %mul3A_320 = arith.muli %arg1, %mul3A_319 : i32
    %mul3A_321 = arith.constant 640 : i32
    %mul3A_322 = arith.muli %arg1, %mul3A_321 : i32
    "tpu.region"() ({
      %run_scoped3A = tpu.sem_alloc : memref<!tpu.dma_semaphore, #tpu.memory_space<semaphore_mem>>
      %dma_start3A_323 = tpu.memref_slice %arg4[%arg0, %mul3A_322] : memref<2x10240xf32, #tpu.memory_space<hbm>> -> memref<1x640xf32, #tpu.memory_space<hbm>>
      %dma_start3A_324 = tpu.memref_squeeze %dma_start3A_323 : memref<1x640xf32, #tpu.memory_space<hbm>> -> memref<640xf32, #tpu.memory_space<hbm>>
      %dma_start3A_325 = tpu.memref_slice %arg9[%mul3A_320] : memref<10240xf32, #tpu.memory_space<vmem_shared>> -> memref<640xf32, #tpu.memory_space<vmem_shared>>
      tpu.enqueue_dma source(%dma_start3A_325 : memref<640xf32, #tpu.memory_space<vmem_shared>>) target(%dma_start3A_324 : memref<640xf32, #tpu.memory_space<hbm>>) target_semaphore(%run_scoped3A : memref<!tpu.dma_semaphore, #tpu.memory_space<semaphore_mem>>)
      %dma_wait3A_326 = tpu.memref_slice %arg4[%arg0, %mul3A_322] : memref<2x10240xf32, #tpu.memory_space<hbm>> -> memref<1x640xf32, #tpu.memory_space<hbm>>
      %dma_wait3A_327 = tpu.memref_squeeze %dma_wait3A_326 : memref<1x640xf32, #tpu.memory_space<hbm>> -> memref<640xf32, #tpu.memory_space<hbm>>
      %dma_wait3A_328 = tpu.memref_slice %arg9[%mul3A_320] : memref<10240xf32, #tpu.memory_space<vmem_shared>> -> memref<640xf32, #tpu.memory_space<vmem_shared>>
      tpu.wait_dma2 semaphore(%run_scoped3A : memref<!tpu.dma_semaphore, #tpu.memory_space<semaphore_mem>>) src(%dma_wait3A_328 : memref<640xf32, #tpu.memory_space<vmem_shared>>) dst(%dma_wait3A_327 : memref<640xf32, #tpu.memory_space<hbm>>)
      tpu.yield
    }) : () -> ()
    return
  }
}

#map = affine_map<(d0, d1) -> (0, 0)>
#map1 = affine_map<(d0, d1) -> (0, 0, 0)>
module attributes {stable_mosaic.version = 14 : i64} {
  func.func @_sc_agg(%arg0: i32, %arg1: i32, %arg2: memref<10000x128xf32, #tpu.memory_space<hbm>>, %arg3: memref<32x80x128xi32, #tpu.memory_space<hbm>>, %arg4: memref<32x80x128xi32, #tpu.memory_space<hbm>>, %arg5: memref<4x1x128xi32, #tpu.memory_space<hbm>>, %arg6: memref<4x1x128xi32, #tpu.memory_space<hbm>>, %arg7: memref<2x10000x128xf32, #tpu.memory_space<hbm>>, %arg8: memref<2x8x128xi32, #tpu.memory_space<vmem>>, %arg9: memref<2x8x128xi32, #tpu.memory_space<vmem>>, %arg10: memref<1x128xi32, #tpu.memory_space<vmem>>, %arg11: memref<1x128xi32, #tpu.memory_space<vmem>>, %arg12: memref<128x128xf32, #tpu.memory_space<vmem>>, %arg13: memref<128x128xf32, #tpu.memory_space<vmem>>, %arg14: memref<10000x128xf32, #tpu.memory_space<vmem_shared>>, %arg15: memref<!tpu.dma_semaphore, #tpu.memory_space<semaphore_mem>>, %arg16: memref<!tpu.dma_semaphore, #tpu.memory_space<semaphore_mem>>, %arg17: memref<!tpu.dma_semaphore, #tpu.memory_space<semaphore_mem>>) attributes {dimension_semantics = [#tpu.dimension_semantics<core_parallel>, #tpu.dimension_semantics<subcore_parallel>], iteration_bounds = array<i64: 2, 16>, scalar_prefetch = 0 : i64, scratch_operands = 10 : i64, tpu.core_type = #tpu.core_type<sc_vector_subcore>, window_params = [{transform_indices = #map}, {transform_indices = #map1}, {transform_indices = #map1}, {transform_indices = #map1}, {transform_indices = #map1}, {transform_indices = #map1}]} {
    %mul3A = arith.constant 2 : i32
    %mul3A_0 = arith.muli %arg1, %mul3A : i32
    %add3A = arith.addi %mul3A_0, %arg0 : i32
    %mul3A_1 = arith.constant 640 : i32
    %mul3A_2 = arith.muli %arg1, %mul3A_1 : i32
    %min3A = arith.constant 9360 : i32
    %min3A_3 = arith.minsi %mul3A_2, %min3A : i32
    %multiple_of3A = tpu.assume_multiple %min3A_3, 8 : i32
    %dma_start3A = arith.constant 0 : i32
    %dma_start3A_4 = tpu.memref_slice %arg14[%multiple_of3A, %dma_start3A] : memref<10000x128xf32, #tpu.memory_space<vmem_shared>> -> memref<640x128xf32, #tpu.memory_space<vmem_shared>>
    %dma_start3A_5 = arith.constant 0 : i32
    %dma_start3A_6 = tpu.memref_slice %arg2[%multiple_of3A, %dma_start3A_5] : memref<10000x128xf32, #tpu.memory_space<hbm>> -> memref<640x128xf32, #tpu.memory_space<hbm>>
    tpu.enqueue_dma source(%dma_start3A_6 : memref<640x128xf32, #tpu.memory_space<hbm>>) target(%dma_start3A_4 : memref<640x128xf32, #tpu.memory_space<vmem_shared>>) target_semaphore(%arg17 : memref<!tpu.dma_semaphore, #tpu.memory_space<semaphore_mem>>)
    %multiple_of3A_7 = arith.constant 0 : i32
    %multiple_of3A_8 = tpu.assume_multiple %multiple_of3A_7, 8 : i32
    %run_scoped3A = arith.constant 0 : i32
    "tpu.region"() ({
      %run_scoped3A_68 = tpu.sem_alloc : memref<!tpu.dma_semaphore, #tpu.memory_space<semaphore_mem>>
      %dma_start3A_69 = arith.constant 0 : i32
      %dma_start3A_70 = arith.constant 0 : i32
      %dma_start3A_71 = tpu.memref_slice %arg8[%run_scoped3A, %dma_start3A_69, %dma_start3A_70] : memref<2x8x128xi32, #tpu.memory_space<vmem>> -> memref<1x8x128xi32, #tpu.memory_space<vmem>>
      %dma_start3A_72 = tpu.memref_squeeze %dma_start3A_71 : memref<1x8x128xi32, #tpu.memory_space<vmem>> -> memref<8x128xi32, #tpu.memory_space<vmem>>
      %dma_start3A_73 = arith.constant 0 : i32
      %dma_start3A_74 = tpu.memref_slice %arg3[%add3A, %multiple_of3A_8, %dma_start3A_73] : memref<32x80x128xi32, #tpu.memory_space<hbm>> -> memref<1x8x128xi32, #tpu.memory_space<hbm>>
      %dma_start3A_75 = tpu.memref_squeeze %dma_start3A_74 : memref<1x8x128xi32, #tpu.memory_space<hbm>> -> memref<8x128xi32, #tpu.memory_space<hbm>>
      %dma_start3A_76 = arith.constant 0 : i32
      %dma_start3A_77 = arith.constant 0 : i32
      %dma_start3A_78 = tpu.memref_slice %arg8[%run_scoped3A, %dma_start3A_76, %dma_start3A_77] : memref<2x8x128xi32, #tpu.memory_space<vmem>> -> memref<1x8x128xi32, #tpu.memory_space<vmem>>
      %dma_start3A_79 = tpu.memref_squeeze %dma_start3A_78 : memref<1x8x128xi32, #tpu.memory_space<vmem>> -> memref<8x128xi32, #tpu.memory_space<vmem>>
      %dma_start3A_80 = arith.constant 0 : i32
      %dma_start3A_81 = tpu.memref_slice %arg3[%add3A, %multiple_of3A_8, %dma_start3A_80] : memref<32x80x128xi32, #tpu.memory_space<hbm>> -> memref<1x8x128xi32, #tpu.memory_space<hbm>>
      %dma_start3A_82 = tpu.memref_squeeze %dma_start3A_81 : memref<1x8x128xi32, #tpu.memory_space<hbm>> -> memref<8x128xi32, #tpu.memory_space<hbm>>
      tpu.enqueue_dma source(%dma_start3A_82 : memref<8x128xi32, #tpu.memory_space<hbm>>) target(%dma_start3A_79 : memref<8x128xi32, #tpu.memory_space<vmem>>) target_semaphore(%run_scoped3A_68 : memref<!tpu.dma_semaphore, #tpu.memory_space<semaphore_mem>>)
      %dma_wait3A_83 = arith.constant 0 : i32
      %dma_wait3A_84 = arith.constant 0 : i32
      %dma_wait3A_85 = tpu.memref_slice %arg8[%run_scoped3A, %dma_wait3A_83, %dma_wait3A_84] : memref<2x8x128xi32, #tpu.memory_space<vmem>> -> memref<1x8x128xi32, #tpu.memory_space<vmem>>
      %dma_wait3A_86 = tpu.memref_squeeze %dma_wait3A_85 : memref<1x8x128xi32, #tpu.memory_space<vmem>> -> memref<8x128xi32, #tpu.memory_space<vmem>>
      %dma_wait3A_87 = arith.constant 0 : i32
      %dma_wait3A_88 = tpu.memref_slice %arg3[%add3A, %multiple_of3A_8, %dma_wait3A_87] : memref<32x80x128xi32, #tpu.memory_space<hbm>> -> memref<1x8x128xi32, #tpu.memory_space<hbm>>
      %dma_wait3A_89 = tpu.memref_squeeze %dma_wait3A_88 : memref<1x8x128xi32, #tpu.memory_space<hbm>> -> memref<8x128xi32, #tpu.memory_space<hbm>>
      %dma_wait3A_90 = arith.constant 0 : i32
      %dma_wait3A_91 = arith.constant 0 : i32
      %dma_wait3A_92 = tpu.memref_slice %arg8[%run_scoped3A, %dma_wait3A_90, %dma_wait3A_91] : memref<2x8x128xi32, #tpu.memory_space<vmem>> -> memref<1x8x128xi32, #tpu.memory_space<vmem>>
      %dma_wait3A_93 = tpu.memref_squeeze %dma_wait3A_92 : memref<1x8x128xi32, #tpu.memory_space<vmem>> -> memref<8x128xi32, #tpu.memory_space<vmem>>
      %dma_wait3A_94 = arith.constant 0 : i32
      %dma_wait3A_95 = tpu.memref_slice %arg3[%add3A, %multiple_of3A_8, %dma_wait3A_94] : memref<32x80x128xi32, #tpu.memory_space<hbm>> -> memref<1x8x128xi32, #tpu.memory_space<hbm>>
      %dma_wait3A_96 = tpu.memref_squeeze %dma_wait3A_95 : memref<1x8x128xi32, #tpu.memory_space<hbm>> -> memref<8x128xi32, #tpu.memory_space<hbm>>
      tpu.wait_dma2 semaphore(%run_scoped3A_68 : memref<!tpu.dma_semaphore, #tpu.memory_space<semaphore_mem>>) src(%dma_wait3A_96 : memref<8x128xi32, #tpu.memory_space<hbm>>) dst(%dma_wait3A_93 : memref<8x128xi32, #tpu.memory_space<vmem>>)
      tpu.yield
    }) : () -> ()
    %run_scoped3A_9 = arith.constant 0 : i32
    "tpu.region"() ({
      %run_scoped3A_68 = tpu.sem_alloc : memref<!tpu.dma_semaphore, #tpu.memory_space<semaphore_mem>>
      %dma_start3A_69 = arith.constant 0 : i32
      %dma_start3A_70 = arith.constant 0 : i32
      %dma_start3A_71 = tpu.memref_slice %arg9[%run_scoped3A_9, %dma_start3A_69, %dma_start3A_70] : memref<2x8x128xi32, #tpu.memory_space<vmem>> -> memref<1x8x128xi32, #tpu.memory_space<vmem>>
      %dma_start3A_72 = tpu.memref_squeeze %dma_start3A_71 : memref<1x8x128xi32, #tpu.memory_space<vmem>> -> memref<8x128xi32, #tpu.memory_space<vmem>>
      %dma_start3A_73 = arith.constant 0 : i32
      %dma_start3A_74 = tpu.memref_slice %arg4[%add3A, %multiple_of3A_8, %dma_start3A_73] : memref<32x80x128xi32, #tpu.memory_space<hbm>> -> memref<1x8x128xi32, #tpu.memory_space<hbm>>
      %dma_start3A_75 = tpu.memref_squeeze %dma_start3A_74 : memref<1x8x128xi32, #tpu.memory_space<hbm>> -> memref<8x128xi32, #tpu.memory_space<hbm>>
      %dma_start3A_76 = arith.constant 0 : i32
      %dma_start3A_77 = arith.constant 0 : i32
      %dma_start3A_78 = tpu.memref_slice %arg9[%run_scoped3A_9, %dma_start3A_76, %dma_start3A_77] : memref<2x8x128xi32, #tpu.memory_space<vmem>> -> memref<1x8x128xi32, #tpu.memory_space<vmem>>
      %dma_start3A_79 = tpu.memref_squeeze %dma_start3A_78 : memref<1x8x128xi32, #tpu.memory_space<vmem>> -> memref<8x128xi32, #tpu.memory_space<vmem>>
      %dma_start3A_80 = arith.constant 0 : i32
      %dma_start3A_81 = tpu.memref_slice %arg4[%add3A, %multiple_of3A_8, %dma_start3A_80] : memref<32x80x128xi32, #tpu.memory_space<hbm>> -> memref<1x8x128xi32, #tpu.memory_space<hbm>>
      %dma_start3A_82 = tpu.memref_squeeze %dma_start3A_81 : memref<1x8x128xi32, #tpu.memory_space<hbm>> -> memref<8x128xi32, #tpu.memory_space<hbm>>
      tpu.enqueue_dma source(%dma_start3A_82 : memref<8x128xi32, #tpu.memory_space<hbm>>) target(%dma_start3A_79 : memref<8x128xi32, #tpu.memory_space<vmem>>) target_semaphore(%run_scoped3A_68 : memref<!tpu.dma_semaphore, #tpu.memory_space<semaphore_mem>>)
      %dma_wait3A_83 = arith.constant 0 : i32
      %dma_wait3A_84 = arith.constant 0 : i32
      %dma_wait3A_85 = tpu.memref_slice %arg9[%run_scoped3A_9, %dma_wait3A_83, %dma_wait3A_84] : memref<2x8x128xi32, #tpu.memory_space<vmem>> -> memref<1x8x128xi32, #tpu.memory_space<vmem>>
      %dma_wait3A_86 = tpu.memref_squeeze %dma_wait3A_85 : memref<1x8x128xi32, #tpu.memory_space<vmem>> -> memref<8x128xi32, #tpu.memory_space<vmem>>
      %dma_wait3A_87 = arith.constant 0 : i32
      %dma_wait3A_88 = tpu.memref_slice %arg4[%add3A, %multiple_of3A_8, %dma_wait3A_87] : memref<32x80x128xi32, #tpu.memory_space<hbm>> -> memref<1x8x128xi32, #tpu.memory_space<hbm>>
      %dma_wait3A_89 = tpu.memref_squeeze %dma_wait3A_88 : memref<1x8x128xi32, #tpu.memory_space<hbm>> -> memref<8x128xi32, #tpu.memory_space<hbm>>
      %dma_wait3A_90 = arith.constant 0 : i32
      %dma_wait3A_91 = arith.constant 0 : i32
      %dma_wait3A_92 = tpu.memref_slice %arg9[%run_scoped3A_9, %dma_wait3A_90, %dma_wait3A_91] : memref<2x8x128xi32, #tpu.memory_space<vmem>> -> memref<1x8x128xi32, #tpu.memory_space<vmem>>
      %dma_wait3A_93 = tpu.memref_squeeze %dma_wait3A_92 : memref<1x8x128xi32, #tpu.memory_space<vmem>> -> memref<8x128xi32, #tpu.memory_space<vmem>>
      %dma_wait3A_94 = arith.constant 0 : i32
      %dma_wait3A_95 = tpu.memref_slice %arg4[%add3A, %multiple_of3A_8, %dma_wait3A_94] : memref<32x80x128xi32, #tpu.memory_space<hbm>> -> memref<1x8x128xi32, #tpu.memory_space<hbm>>
      %dma_wait3A_96 = tpu.memref_squeeze %dma_wait3A_95 : memref<1x8x128xi32, #tpu.memory_space<hbm>> -> memref<8x128xi32, #tpu.memory_space<hbm>>
      tpu.wait_dma2 semaphore(%run_scoped3A_68 : memref<!tpu.dma_semaphore, #tpu.memory_space<semaphore_mem>>) src(%dma_wait3A_96 : memref<8x128xi32, #tpu.memory_space<hbm>>) dst(%dma_wait3A_93 : memref<8x128xi32, #tpu.memory_space<vmem>>)
      tpu.yield
    }) : () -> ()
    %rem3A = arith.constant 0 : i32
    %rem3A_10 = arith.constant 8 : i32
    %rem3A_11 = arith.remsi %rem3A, %rem3A_10 : i32
    %dma_start3A_12 = arith.constant 0 : i32
    %dma_start3A_13 = arith.constant 0 : i32
    %dma_start3A_14 = tpu.memref_slice %arg8[%dma_start3A_12, %rem3A_11, %dma_start3A_13] : memref<2x8x128xi32, #tpu.memory_space<vmem>> -> memref<1x1x128xi32, #tpu.memory_space<vmem>>
    %dma_start3A_15 = tpu.memref_squeeze %dma_start3A_14 : memref<1x1x128xi32, #tpu.memory_space<vmem>> -> memref<128xi32, #tpu.memory_space<vmem>>
    %dma_start3A_16 = arith.constant 0 : i32
    %dma_start3A_17 = arith.constant 0 : i32
    %dma_start3A_18 = tpu.memref_slice %arg2[%dma_start3A_16, %dma_start3A_17] : memref<10000x128xf32, #tpu.memory_space<hbm>> -> memref<10000x128xf32, #tpu.memory_space<hbm>>
    tpu.enqueue_indirect_dma source(%dma_start3A_18 : memref<10000x128xf32, #tpu.memory_space<hbm>>) target(%arg12 : memref<128x128xf32, #tpu.memory_space<vmem>>) offsets(%dma_start3A_15 : memref<128xi32, #tpu.memory_space<vmem>>) semaphore(%arg15 : memref<!tpu.dma_semaphore, #tpu.memory_space<semaphore_mem>>)
    %dma_wait3A = arith.constant 0 : i32
    %dma_wait3A_19 = tpu.memref_slice %arg14[%multiple_of3A, %dma_wait3A] : memref<10000x128xf32, #tpu.memory_space<vmem_shared>> -> memref<640x128xf32, #tpu.memory_space<vmem_shared>>
    %dma_wait3A_20 = arith.constant 0 : i32
    %dma_wait3A_21 = tpu.memref_slice %arg2[%multiple_of3A, %dma_wait3A_20] : memref<10000x128xf32, #tpu.memory_space<hbm>> -> memref<640x128xf32, #tpu.memory_space<hbm>>
    tpu.wait_dma2 semaphore(%arg17 : memref<!tpu.dma_semaphore, #tpu.memory_space<semaphore_mem>>) src(%dma_wait3A_21 : memref<640x128xf32, #tpu.memory_space<hbm>>) dst(%dma_wait3A_19 : memref<640x128xf32, #tpu.memory_space<vmem_shared>>)
    %barrier3A = arith.constant 0 : index
    tpu.barrier barrier_id(%barrier3A)
    %scan3A = arith.constant 0 : i32
    %scan3A_22 = arith.constant 0 : i32
    %scan3A_23 = arith.constant 38 : i32
    %scan3A_24 = arith.addi %scan3A_22, %scan3A_23 : i32
    %scan3A_25 = arith.constant 1 : i32
    scf.for %scan3A_68 = %scan3A_22 to %scan3A_24 step %scan3A_25  : i32 {
      %mul3A_69 = arith.constant 2 : i32
      %mul3A_70 = arith.muli %mul3A_69, %scan3A_68 : i32
      %rem3A_71 = arith.constant 8 : i32
      %rem3A_72 = arith.remsi %mul3A_70, %rem3A_71 : i32
      %eq3A = arith.constant 0 : i32
      %eq3A_73 = arith.cmpi eq, %rem3A_72, %eq3A : i32
      %add3A_74 = arith.constant 8 : i32
      %add3A_75 = arith.addi %mul3A_70, %add3A_74 : i32
      %lt3A_76 = arith.constant 80 : i32
      %lt3A_77 = arith.cmpi slt, %add3A_75, %lt3A_76 : i32
      %and3A = arith.andi %eq3A_73, %lt3A_77 : i1
      %convert_element_type3A_78 = arith.extui %and3A : i1 to i32
      %cond3A_79 = arith.constant 0 : i32
      %cond3A_80 = arith.cmpi ne, %convert_element_type3A_78, %cond3A_79 : i32
      scf.if %cond3A_80 {
        %jit3A_359 = arith.constant 8 : i32
        %div3A_360 = arith.divsi %mul3A_70, %jit3A_359 : i32
        %sign3A_361 = arith.constant 0 : i32
        %sign3A_362 = arith.cmpi sgt, %mul3A_70, %sign3A_361 : i32
        %sign3A_363 = arith.extui %sign3A_362 : i1 to i32
        %sign3A_364 = arith.constant 0 : i32
        %sign3A_365 = arith.cmpi slt, %mul3A_70, %sign3A_364 : i32
        %sign3A_366 = arith.extui %sign3A_365 : i1 to i32
        %sign3A_367 = arith.subi %sign3A_363, %sign3A_366 : i32
        %sign3A_368 = arith.constant 0 : i32
        %sign3A_369 = arith.cmpi sgt, %jit3A_359, %sign3A_368 : i32
        %sign3A_370 = arith.extui %sign3A_369 : i1 to i32
        %sign3A_371 = arith.constant 0 : i32
        %sign3A_372 = arith.cmpi slt, %jit3A_359, %sign3A_371 : i32
        %sign3A_373 = arith.extui %sign3A_372 : i1 to i32
        %sign3A_374 = arith.subi %sign3A_370, %sign3A_373 : i32
        %ne3A_375 = arith.cmpi ne, %sign3A_367, %sign3A_374 : i32
        %rem3A_376 = arith.remsi %mul3A_70, %jit3A_359 : i32
        %ne3A_377 = arith.constant 0 : i32
        %ne3A_378 = arith.cmpi ne, %rem3A_376, %ne3A_377 : i32
        %and3A_379 = arith.andi %ne3A_375, %ne3A_378 : i1
        %sub3A_380 = arith.constant 1 : i32
        %sub3A_381 = arith.subi %div3A_360, %sub3A_380 : i32
        %select_n3A_382 = arith.select %and3A_379, %sub3A_381, %div3A_360 : i32
        %add3A_383 = arith.constant 1 : i32
        %add3A_384 = arith.addi %select_n3A_382, %add3A_383 : i32
        %jit3A_385 = arith.constant 2 : i32
        %eq3A_386 = arith.constant 0 : i32
        %eq3A_387 = arith.cmpi eq, %jit3A_385, %eq3A_386 : i32
        %jit3A_388 = arith.constant 1 : i32
        %select_n3A_389 = arith.select %eq3A_387, %jit3A_388, %jit3A_385 : i32
        %rem3A_390 = arith.remsi %add3A_384, %select_n3A_389 : i32
        %ne3A_391 = arith.constant 0 : i32
        %ne3A_392 = arith.cmpi ne, %rem3A_390, %ne3A_391 : i32
        %lt3A_393 = arith.constant 0 : i32
        %lt3A_394 = arith.cmpi slt, %rem3A_390, %lt3A_393 : i32
        %lt3A_395 = arith.constant 0 : i32
        %lt3A_396 = arith.cmpi slt, %select_n3A_389, %lt3A_395 : i32
        %ne3A_397 = arith.xori %lt3A_394, %lt3A_396 : i1
        %and3A_398 = arith.andi %ne3A_397, %ne3A_392 : i1
        %add3A_399 = arith.addi %rem3A_390, %select_n3A_389 : i32
        %select_n3A_400 = arith.select %and3A_398, %add3A_399, %rem3A_390 : i32
        %add3A_401 = arith.constant 8 : i32
        %add3A_402 = arith.addi %mul3A_70, %add3A_401 : i32
        %multiple_of3A_403 = tpu.assume_multiple %add3A_402, 8 : i32
        "tpu.region"() ({
          %run_scoped3A_404 = tpu.sem_alloc : memref<!tpu.dma_semaphore, #tpu.memory_space<semaphore_mem>>
          %dma_start3A_405 = arith.constant 0 : i32
          %dma_start3A_406 = arith.constant 0 : i32
          %dma_start3A_407 = tpu.memref_slice %arg8[%select_n3A_400, %dma_start3A_405, %dma_start3A_406] : memref<2x8x128xi32, #tpu.memory_space<vmem>> -> memref<1x8x128xi32, #tpu.memory_space<vmem>>
          %dma_start3A_408 = tpu.memref_squeeze %dma_start3A_407 : memref<1x8x128xi32, #tpu.memory_space<vmem>> -> memref<8x128xi32, #tpu.memory_space<vmem>>
          %dma_start3A_409 = arith.constant 0 : i32
          %dma_start3A_410 = tpu.memref_slice %arg3[%add3A, %multiple_of3A_403, %dma_start3A_409] : memref<32x80x128xi32, #tpu.memory_space<hbm>> -> memref<1x8x128xi32, #tpu.memory_space<hbm>>
          %dma_start3A_411 = tpu.memref_squeeze %dma_start3A_410 : memref<1x8x128xi32, #tpu.memory_space<hbm>> -> memref<8x128xi32, #tpu.memory_space<hbm>>
          %dma_start3A_412 = arith.constant 0 : i32
          %dma_start3A_413 = arith.constant 0 : i32
          %dma_start3A_414 = tpu.memref_slice %arg8[%select_n3A_400, %dma_start3A_412, %dma_start3A_413] : memref<2x8x128xi32, #tpu.memory_space<vmem>> -> memref<1x8x128xi32, #tpu.memory_space<vmem>>
          %dma_start3A_415 = tpu.memref_squeeze %dma_start3A_414 : memref<1x8x128xi32, #tpu.memory_space<vmem>> -> memref<8x128xi32, #tpu.memory_space<vmem>>
          %dma_start3A_416 = arith.constant 0 : i32
          %dma_start3A_417 = tpu.memref_slice %arg3[%add3A, %multiple_of3A_403, %dma_start3A_416] : memref<32x80x128xi32, #tpu.memory_space<hbm>> -> memref<1x8x128xi32, #tpu.memory_space<hbm>>
          %dma_start3A_418 = tpu.memref_squeeze %dma_start3A_417 : memref<1x8x128xi32, #tpu.memory_space<hbm>> -> memref<8x128xi32, #tpu.memory_space<hbm>>
          tpu.enqueue_dma source(%dma_start3A_418 : memref<8x128xi32, #tpu.memory_space<hbm>>) target(%dma_start3A_415 : memref<8x128xi32, #tpu.memory_space<vmem>>) target_semaphore(%run_scoped3A_404 : memref<!tpu.dma_semaphore, #tpu.memory_space<semaphore_mem>>)
          %dma_wait3A_419 = arith.constant 0 : i32
          %dma_wait3A_420 = arith.constant 0 : i32
          %dma_wait3A_421 = tpu.memref_slice %arg8[%select_n3A_400, %dma_wait3A_419, %dma_wait3A_420] : memref<2x8x128xi32, #tpu.memory_space<vmem>> -> memref<1x8x128xi32, #tpu.memory_space<vmem>>
          %dma_wait3A_422 = tpu.memref_squeeze %dma_wait3A_421 : memref<1x8x128xi32, #tpu.memory_space<vmem>> -> memref<8x128xi32, #tpu.memory_space<vmem>>
          %dma_wait3A_423 = arith.constant 0 : i32
          %dma_wait3A_424 = tpu.memref_slice %arg3[%add3A, %multiple_of3A_403, %dma_wait3A_423] : memref<32x80x128xi32, #tpu.memory_space<hbm>> -> memref<1x8x128xi32, #tpu.memory_space<hbm>>
          %dma_wait3A_425 = tpu.memref_squeeze %dma_wait3A_424 : memref<1x8x128xi32, #tpu.memory_space<hbm>> -> memref<8x128xi32, #tpu.memory_space<hbm>>
          %dma_wait3A_426 = arith.constant 0 : i32
          %dma_wait3A_427 = arith.constant 0 : i32
          %dma_wait3A_428 = tpu.memref_slice %arg8[%select_n3A_400, %dma_wait3A_426, %dma_wait3A_427] : memref<2x8x128xi32, #tpu.memory_space<vmem>> -> memref<1x8x128xi32, #tpu.memory_space<vmem>>
          %dma_wait3A_429 = tpu.memref_squeeze %dma_wait3A_428 : memref<1x8x128xi32, #tpu.memory_space<vmem>> -> memref<8x128xi32, #tpu.memory_space<vmem>>
          %dma_wait3A_430 = arith.constant 0 : i32
          %dma_wait3A_431 = tpu.memref_slice %arg3[%add3A, %multiple_of3A_403, %dma_wait3A_430] : memref<32x80x128xi32, #tpu.memory_space<hbm>> -> memref<1x8x128xi32, #tpu.memory_space<hbm>>
          %dma_wait3A_432 = tpu.memref_squeeze %dma_wait3A_431 : memref<1x8x128xi32, #tpu.memory_space<hbm>> -> memref<8x128xi32, #tpu.memory_space<hbm>>
          tpu.wait_dma2 semaphore(%run_scoped3A_404 : memref<!tpu.dma_semaphore, #tpu.memory_space<semaphore_mem>>) src(%dma_wait3A_432 : memref<8x128xi32, #tpu.memory_space<hbm>>) dst(%dma_wait3A_429 : memref<8x128xi32, #tpu.memory_space<vmem>>)
          tpu.yield
        }) : () -> ()
        "tpu.region"() ({
          %run_scoped3A_404 = tpu.sem_alloc : memref<!tpu.dma_semaphore, #tpu.memory_space<semaphore_mem>>
          %dma_start3A_405 = arith.constant 0 : i32
          %dma_start3A_406 = arith.constant 0 : i32
          %dma_start3A_407 = tpu.memref_slice %arg9[%select_n3A_400, %dma_start3A_405, %dma_start3A_406] : memref<2x8x128xi32, #tpu.memory_space<vmem>> -> memref<1x8x128xi32, #tpu.memory_space<vmem>>
          %dma_start3A_408 = tpu.memref_squeeze %dma_start3A_407 : memref<1x8x128xi32, #tpu.memory_space<vmem>> -> memref<8x128xi32, #tpu.memory_space<vmem>>
          %dma_start3A_409 = arith.constant 0 : i32
          %dma_start3A_410 = tpu.memref_slice %arg4[%add3A, %multiple_of3A_403, %dma_start3A_409] : memref<32x80x128xi32, #tpu.memory_space<hbm>> -> memref<1x8x128xi32, #tpu.memory_space<hbm>>
          %dma_start3A_411 = tpu.memref_squeeze %dma_start3A_410 : memref<1x8x128xi32, #tpu.memory_space<hbm>> -> memref<8x128xi32, #tpu.memory_space<hbm>>
          %dma_start3A_412 = arith.constant 0 : i32
          %dma_start3A_413 = arith.constant 0 : i32
          %dma_start3A_414 = tpu.memref_slice %arg9[%select_n3A_400, %dma_start3A_412, %dma_start3A_413] : memref<2x8x128xi32, #tpu.memory_space<vmem>> -> memref<1x8x128xi32, #tpu.memory_space<vmem>>
          %dma_start3A_415 = tpu.memref_squeeze %dma_start3A_414 : memref<1x8x128xi32, #tpu.memory_space<vmem>> -> memref<8x128xi32, #tpu.memory_space<vmem>>
          %dma_start3A_416 = arith.constant 0 : i32
          %dma_start3A_417 = tpu.memref_slice %arg4[%add3A, %multiple_of3A_403, %dma_start3A_416] : memref<32x80x128xi32, #tpu.memory_space<hbm>> -> memref<1x8x128xi32, #tpu.memory_space<hbm>>
          %dma_start3A_418 = tpu.memref_squeeze %dma_start3A_417 : memref<1x8x128xi32, #tpu.memory_space<hbm>> -> memref<8x128xi32, #tpu.memory_space<hbm>>
          tpu.enqueue_dma source(%dma_start3A_418 : memref<8x128xi32, #tpu.memory_space<hbm>>) target(%dma_start3A_415 : memref<8x128xi32, #tpu.memory_space<vmem>>) target_semaphore(%run_scoped3A_404 : memref<!tpu.dma_semaphore, #tpu.memory_space<semaphore_mem>>)
          %dma_wait3A_419 = arith.constant 0 : i32
          %dma_wait3A_420 = arith.constant 0 : i32
          %dma_wait3A_421 = tpu.memref_slice %arg9[%select_n3A_400, %dma_wait3A_419, %dma_wait3A_420] : memref<2x8x128xi32, #tpu.memory_space<vmem>> -> memref<1x8x128xi32, #tpu.memory_space<vmem>>
          %dma_wait3A_422 = tpu.memref_squeeze %dma_wait3A_421 : memref<1x8x128xi32, #tpu.memory_space<vmem>> -> memref<8x128xi32, #tpu.memory_space<vmem>>
          %dma_wait3A_423 = arith.constant 0 : i32
          %dma_wait3A_424 = tpu.memref_slice %arg4[%add3A, %multiple_of3A_403, %dma_wait3A_423] : memref<32x80x128xi32, #tpu.memory_space<hbm>> -> memref<1x8x128xi32, #tpu.memory_space<hbm>>
          %dma_wait3A_425 = tpu.memref_squeeze %dma_wait3A_424 : memref<1x8x128xi32, #tpu.memory_space<hbm>> -> memref<8x128xi32, #tpu.memory_space<hbm>>
          %dma_wait3A_426 = arith.constant 0 : i32
          %dma_wait3A_427 = arith.constant 0 : i32
          %dma_wait3A_428 = tpu.memref_slice %arg9[%select_n3A_400, %dma_wait3A_426, %dma_wait3A_427] : memref<2x8x128xi32, #tpu.memory_space<vmem>> -> memref<1x8x128xi32, #tpu.memory_space<vmem>>
          %dma_wait3A_429 = tpu.memref_squeeze %dma_wait3A_428 : memref<1x8x128xi32, #tpu.memory_space<vmem>> -> memref<8x128xi32, #tpu.memory_space<vmem>>
          %dma_wait3A_430 = arith.constant 0 : i32
          %dma_wait3A_431 = tpu.memref_slice %arg4[%add3A, %multiple_of3A_403, %dma_wait3A_430] : memref<32x80x128xi32, #tpu.memory_space<hbm>> -> memref<1x8x128xi32, #tpu.memory_space<hbm>>
          %dma_wait3A_432 = tpu.memref_squeeze %dma_wait3A_431 : memref<1x8x128xi32, #tpu.memory_space<hbm>> -> memref<8x128xi32, #tpu.memory_space<hbm>>
          tpu.wait_dma2 semaphore(%run_scoped3A_404 : memref<!tpu.dma_semaphore, #tpu.memory_space<semaphore_mem>>) src(%dma_wait3A_432 : memref<8x128xi32, #tpu.memory_space<hbm>>) dst(%dma_wait3A_429 : memref<8x128xi32, #tpu.memory_space<vmem>>)
          tpu.yield
        }) : () -> ()
      } else {
      }
      %add3A_81 = arith.constant 1 : i32
      %add3A_82 = arith.addi %mul3A_70, %add3A_81 : i32
      %jit3A = arith.constant 8 : i32
      %div3A = arith.divsi %add3A_82, %jit3A : i32
      %sign3A = arith.constant 0 : i32
      %sign3A_83 = arith.cmpi sgt, %add3A_82, %sign3A : i32
      %sign3A_84 = arith.extui %sign3A_83 : i1 to i32
      %sign3A_85 = arith.constant 0 : i32
      %sign3A_86 = arith.cmpi slt, %add3A_82, %sign3A_85 : i32
      %sign3A_87 = arith.extui %sign3A_86 : i1 to i32
      %sign3A_88 = arith.subi %sign3A_84, %sign3A_87 : i32
      %sign3A_89 = arith.constant 0 : i32
      %sign3A_90 = arith.cmpi sgt, %jit3A, %sign3A_89 : i32
      %sign3A_91 = arith.extui %sign3A_90 : i1 to i32
      %sign3A_92 = arith.constant 0 : i32
      %sign3A_93 = arith.cmpi slt, %jit3A, %sign3A_92 : i32
      %sign3A_94 = arith.extui %sign3A_93 : i1 to i32
      %sign3A_95 = arith.subi %sign3A_91, %sign3A_94 : i32
      %ne3A = arith.cmpi ne, %sign3A_88, %sign3A_95 : i32
      %rem3A_96 = arith.remsi %add3A_82, %jit3A : i32
      %ne3A_97 = arith.constant 0 : i32
      %ne3A_98 = arith.cmpi ne, %rem3A_96, %ne3A_97 : i32
      %and3A_99 = arith.andi %ne3A, %ne3A_98 : i1
      %sub3A = arith.constant 1 : i32
      %sub3A_100 = arith.subi %div3A, %sub3A : i32
      %select_n3A = arith.select %and3A_99, %sub3A_100, %div3A : i32
      %jit3A_101 = arith.constant 2 : i32
      %eq3A_102 = arith.constant 0 : i32
      %eq3A_103 = arith.cmpi eq, %jit3A_101, %eq3A_102 : i32
      %jit3A_104 = arith.constant 1 : i32
      %select_n3A_105 = arith.select %eq3A_103, %jit3A_104, %jit3A_101 : i32
      %rem3A_106 = arith.remsi %select_n3A, %select_n3A_105 : i32
      %ne3A_107 = arith.constant 0 : i32
      %ne3A_108 = arith.cmpi ne, %rem3A_106, %ne3A_107 : i32
      %lt3A_109 = arith.constant 0 : i32
      %lt3A_110 = arith.cmpi slt, %rem3A_106, %lt3A_109 : i32
      %lt3A_111 = arith.constant 0 : i32
      %lt3A_112 = arith.cmpi slt, %select_n3A_105, %lt3A_111 : i32
      %ne3A_113 = arith.xori %lt3A_110, %lt3A_112 : i1
      %and3A_114 = arith.andi %ne3A_113, %ne3A_108 : i1
      %add3A_115 = arith.addi %rem3A_106, %select_n3A_105 : i32
      %select_n3A_116 = arith.select %and3A_114, %add3A_115, %rem3A_106 : i32
      %rem3A_117 = arith.constant 8 : i32
      %rem3A_118 = arith.remsi %add3A_82, %rem3A_117 : i32
      %dma_start3A_119 = arith.constant 0 : i32
      %dma_start3A_120 = tpu.memref_slice %arg8[%select_n3A_116, %rem3A_118, %dma_start3A_119] : memref<2x8x128xi32, #tpu.memory_space<vmem>> -> memref<1x1x128xi32, #tpu.memory_space<vmem>>
      %dma_start3A_121 = tpu.memref_squeeze %dma_start3A_120 : memref<1x1x128xi32, #tpu.memory_space<vmem>> -> memref<128xi32, #tpu.memory_space<vmem>>
      %dma_start3A_122 = arith.constant 0 : i32
      %dma_start3A_123 = arith.constant 0 : i32
      %dma_start3A_124 = tpu.memref_slice %arg2[%dma_start3A_122, %dma_start3A_123] : memref<10000x128xf32, #tpu.memory_space<hbm>> -> memref<10000x128xf32, #tpu.memory_space<hbm>>
      tpu.enqueue_indirect_dma source(%dma_start3A_124 : memref<10000x128xf32, #tpu.memory_space<hbm>>) target(%arg13 : memref<128x128xf32, #tpu.memory_space<vmem>>) offsets(%dma_start3A_121 : memref<128xi32, #tpu.memory_space<vmem>>) semaphore(%arg16 : memref<!tpu.dma_semaphore, #tpu.memory_space<semaphore_mem>>)
      %jit3A_125 = arith.constant 8 : i32
      %div3A_126 = arith.divsi %mul3A_70, %jit3A_125 : i32
      %sign3A_127 = arith.constant 0 : i32
      %sign3A_128 = arith.cmpi sgt, %mul3A_70, %sign3A_127 : i32
      %sign3A_129 = arith.extui %sign3A_128 : i1 to i32
      %sign3A_130 = arith.constant 0 : i32
      %sign3A_131 = arith.cmpi slt, %mul3A_70, %sign3A_130 : i32
      %sign3A_132 = arith.extui %sign3A_131 : i1 to i32
      %sign3A_133 = arith.subi %sign3A_129, %sign3A_132 : i32
      %sign3A_134 = arith.constant 0 : i32
      %sign3A_135 = arith.cmpi sgt, %jit3A_125, %sign3A_134 : i32
      %sign3A_136 = arith.extui %sign3A_135 : i1 to i32
      %sign3A_137 = arith.constant 0 : i32
      %sign3A_138 = arith.cmpi slt, %jit3A_125, %sign3A_137 : i32
      %sign3A_139 = arith.extui %sign3A_138 : i1 to i32
      %sign3A_140 = arith.subi %sign3A_136, %sign3A_139 : i32
      %ne3A_141 = arith.cmpi ne, %sign3A_133, %sign3A_140 : i32
      %rem3A_142 = arith.remsi %mul3A_70, %jit3A_125 : i32
      %ne3A_143 = arith.constant 0 : i32
      %ne3A_144 = arith.cmpi ne, %rem3A_142, %ne3A_143 : i32
      %and3A_145 = arith.andi %ne3A_141, %ne3A_144 : i1
      %sub3A_146 = arith.constant 1 : i32
      %sub3A_147 = arith.subi %div3A_126, %sub3A_146 : i32
      %select_n3A_148 = arith.select %and3A_145, %sub3A_147, %div3A_126 : i32
      %jit3A_149 = arith.constant 2 : i32
      %eq3A_150 = arith.constant 0 : i32
      %eq3A_151 = arith.cmpi eq, %jit3A_149, %eq3A_150 : i32
      %jit3A_152 = arith.constant 1 : i32
      %select_n3A_153 = arith.select %eq3A_151, %jit3A_152, %jit3A_149 : i32
      %rem3A_154 = arith.remsi %select_n3A_148, %select_n3A_153 : i32
      %ne3A_155 = arith.constant 0 : i32
      %ne3A_156 = arith.cmpi ne, %rem3A_154, %ne3A_155 : i32
      %lt3A_157 = arith.constant 0 : i32
      %lt3A_158 = arith.cmpi slt, %rem3A_154, %lt3A_157 : i32
      %lt3A_159 = arith.constant 0 : i32
      %lt3A_160 = arith.cmpi slt, %select_n3A_153, %lt3A_159 : i32
      %ne3A_161 = arith.xori %lt3A_158, %lt3A_160 : i1
      %and3A_162 = arith.andi %ne3A_161, %ne3A_156 : i1
      %add3A_163 = arith.addi %rem3A_154, %select_n3A_153 : i32
      %select_n3A_164 = arith.select %and3A_162, %add3A_163, %rem3A_154 : i32
      %rem3A_165 = arith.constant 8 : i32
      %rem3A_166 = arith.remsi %mul3A_70, %rem3A_165 : i32
      %dma_wait3A_167 = arith.constant 0 : i32
      %dma_wait3A_168 = tpu.memref_slice %arg8[%select_n3A_164, %rem3A_166, %dma_wait3A_167] : memref<2x8x128xi32, #tpu.memory_space<vmem>> -> memref<1x1x128xi32, #tpu.memory_space<vmem>>
      %dma_wait3A_169 = tpu.memref_squeeze %dma_wait3A_168 : memref<1x1x128xi32, #tpu.memory_space<vmem>> -> memref<128xi32, #tpu.memory_space<vmem>>
      %dma_wait3A_170 = arith.constant 0 : i32
      %dma_wait3A_171 = arith.constant 0 : i32
      %dma_wait3A_172 = tpu.memref_slice %arg2[%dma_wait3A_170, %dma_wait3A_171] : memref<10000x128xf32, #tpu.memory_space<hbm>> -> memref<10000x128xf32, #tpu.memory_space<hbm>>
      tpu.wait_indirect_dma semaphore(%arg15 : memref<!tpu.dma_semaphore, #tpu.memory_space<semaphore_mem>>) src(%dma_wait3A_172 : memref<10000x128xf32, #tpu.memory_space<hbm>>) dst(%arg12 : memref<128x128xf32, #tpu.memory_space<vmem>>)
      %jit3A_173 = arith.constant 8 : i32
      %div3A_174 = arith.divsi %mul3A_70, %jit3A_173 : i32
      %sign3A_175 = arith.constant 0 : i32
      %sign3A_176 = arith.cmpi sgt, %mul3A_70, %sign3A_175 : i32
      %sign3A_177 = arith.extui %sign3A_176 : i1 to i32
      %sign3A_178 = arith.constant 0 : i32
      %sign3A_179 = arith.cmpi slt, %mul3A_70, %sign3A_178 : i32
      %sign3A_180 = arith.extui %sign3A_179 : i1 to i32
      %sign3A_181 = arith.subi %sign3A_177, %sign3A_180 : i32
      %sign3A_182 = arith.constant 0 : i32
      %sign3A_183 = arith.cmpi sgt, %jit3A_173, %sign3A_182 : i32
      %sign3A_184 = arith.extui %sign3A_183 : i1 to i32
      %sign3A_185 = arith.constant 0 : i32
      %sign3A_186 = arith.cmpi slt, %jit3A_173, %sign3A_185 : i32
      %sign3A_187 = arith.extui %sign3A_186 : i1 to i32
      %sign3A_188 = arith.subi %sign3A_184, %sign3A_187 : i32
      %ne3A_189 = arith.cmpi ne, %sign3A_181, %sign3A_188 : i32
      %rem3A_190 = arith.remsi %mul3A_70, %jit3A_173 : i32
      %ne3A_191 = arith.constant 0 : i32
      %ne3A_192 = arith.cmpi ne, %rem3A_190, %ne3A_191 : i32
      %and3A_193 = arith.andi %ne3A_189, %ne3A_192 : i1
      %sub3A_194 = arith.constant 1 : i32
      %sub3A_195 = arith.subi %div3A_174, %sub3A_194 : i32
      %select_n3A_196 = arith.select %and3A_193, %sub3A_195, %div3A_174 : i32
      %jit3A_197 = arith.constant 2 : i32
      %eq3A_198 = arith.constant 0 : i32
      %eq3A_199 = arith.cmpi eq, %jit3A_197, %eq3A_198 : i32
      %jit3A_200 = arith.constant 1 : i32
      %select_n3A_201 = arith.select %eq3A_199, %jit3A_200, %jit3A_197 : i32
      %rem3A_202 = arith.remsi %select_n3A_196, %select_n3A_201 : i32
      %ne3A_203 = arith.constant 0 : i32
      %ne3A_204 = arith.cmpi ne, %rem3A_202, %ne3A_203 : i32
      %lt3A_205 = arith.constant 0 : i32
      %lt3A_206 = arith.cmpi slt, %rem3A_202, %lt3A_205 : i32
      %lt3A_207 = arith.constant 0 : i32
      %lt3A_208 = arith.cmpi slt, %select_n3A_201, %lt3A_207 : i32
      %ne3A_209 = arith.xori %lt3A_206, %lt3A_208 : i1
      %and3A_210 = arith.andi %ne3A_209, %ne3A_204 : i1
      %add3A_211 = arith.addi %rem3A_202, %select_n3A_201 : i32
      %select_n3A_212 = arith.select %and3A_210, %add3A_211, %rem3A_202 : i32
      %rem3A_213 = arith.constant 8 : i32
      %rem3A_214 = arith.remsi %mul3A_70, %rem3A_213 : i32
      "tpu.region"() ({
        %run_scoped3A_359 = tpu.sem_alloc : memref<!tpu.dma_semaphore, #tpu.memory_space<semaphore_mem>>
        %dma_start3A_360 = arith.constant 0 : i32
        %dma_start3A_361 = tpu.memref_slice %arg9[%select_n3A_212, %rem3A_214, %dma_start3A_360] : memref<2x8x128xi32, #tpu.memory_space<vmem>> -> memref<1x1x128xi32, #tpu.memory_space<vmem>>
        %dma_start3A_362 = tpu.memref_squeeze %dma_start3A_361 : memref<1x1x128xi32, #tpu.memory_space<vmem>> -> memref<128xi32, #tpu.memory_space<vmem>>
        %dma_start3A_363 = arith.constant 0 : i32
        %dma_start3A_364 = arith.constant 0 : i32
        %dma_start3A_365 = tpu.memref_slice %arg14[%dma_start3A_363, %dma_start3A_364] : memref<10000x128xf32, #tpu.memory_space<vmem_shared>> -> memref<10000x128xf32, #tpu.memory_space<vmem_shared>>
        tpu.enqueue_indirect_dma source(%arg12 : memref<128x128xf32, #tpu.memory_space<vmem>>) target(%dma_start3A_365 : memref<10000x128xf32, #tpu.memory_space<vmem_shared>>) offsets(%dma_start3A_362 : memref<128xi32, #tpu.memory_space<vmem>>) semaphore(%run_scoped3A_359 : memref<!tpu.dma_semaphore, #tpu.memory_space<semaphore_mem>>) {add = true}
        %dma_wait3A_366 = arith.constant 0 : i32
        %dma_wait3A_367 = tpu.memref_slice %arg9[%select_n3A_212, %rem3A_214, %dma_wait3A_366] : memref<2x8x128xi32, #tpu.memory_space<vmem>> -> memref<1x1x128xi32, #tpu.memory_space<vmem>>
        %dma_wait3A_368 = tpu.memref_squeeze %dma_wait3A_367 : memref<1x1x128xi32, #tpu.memory_space<vmem>> -> memref<128xi32, #tpu.memory_space<vmem>>
        %dma_wait3A_369 = arith.constant 0 : i32
        %dma_wait3A_370 = arith.constant 0 : i32
        %dma_wait3A_371 = tpu.memref_slice %arg14[%dma_wait3A_369, %dma_wait3A_370] : memref<10000x128xf32, #tpu.memory_space<vmem_shared>> -> memref<10000x128xf32, #tpu.memory_space<vmem_shared>>
        tpu.wait_indirect_dma semaphore(%run_scoped3A_359 : memref<!tpu.dma_semaphore, #tpu.memory_space<semaphore_mem>>) src(%arg12 : memref<128x128xf32, #tpu.memory_space<vmem>>) dst(%dma_wait3A_371 : memref<10000x128xf32, #tpu.memory_space<vmem_shared>>)
        tpu.yield
      }) : () -> ()
      %add3A_215 = arith.constant 2 : i32
      %add3A_216 = arith.addi %mul3A_70, %add3A_215 : i32
      %jit3A_217 = arith.constant 8 : i32
      %div3A_218 = arith.divsi %add3A_216, %jit3A_217 : i32
      %sign3A_219 = arith.constant 0 : i32
      %sign3A_220 = arith.cmpi sgt, %add3A_216, %sign3A_219 : i32
      %sign3A_221 = arith.extui %sign3A_220 : i1 to i32
      %sign3A_222 = arith.constant 0 : i32
      %sign3A_223 = arith.cmpi slt, %add3A_216, %sign3A_222 : i32
      %sign3A_224 = arith.extui %sign3A_223 : i1 to i32
      %sign3A_225 = arith.subi %sign3A_221, %sign3A_224 : i32
      %sign3A_226 = arith.constant 0 : i32
      %sign3A_227 = arith.cmpi sgt, %jit3A_217, %sign3A_226 : i32
      %sign3A_228 = arith.extui %sign3A_227 : i1 to i32
      %sign3A_229 = arith.constant 0 : i32
      %sign3A_230 = arith.cmpi slt, %jit3A_217, %sign3A_229 : i32
      %sign3A_231 = arith.extui %sign3A_230 : i1 to i32
      %sign3A_232 = arith.subi %sign3A_228, %sign3A_231 : i32
      %ne3A_233 = arith.cmpi ne, %sign3A_225, %sign3A_232 : i32
      %rem3A_234 = arith.remsi %add3A_216, %jit3A_217 : i32
      %ne3A_235 = arith.constant 0 : i32
      %ne3A_236 = arith.cmpi ne, %rem3A_234, %ne3A_235 : i32
      %and3A_237 = arith.andi %ne3A_233, %ne3A_236 : i1
      %sub3A_238 = arith.constant 1 : i32
      %sub3A_239 = arith.subi %div3A_218, %sub3A_238 : i32
      %select_n3A_240 = arith.select %and3A_237, %sub3A_239, %div3A_218 : i32
      %jit3A_241 = arith.constant 2 : i32
      %eq3A_242 = arith.constant 0 : i32
      %eq3A_243 = arith.cmpi eq, %jit3A_241, %eq3A_242 : i32
      %jit3A_244 = arith.constant 1 : i32
      %select_n3A_245 = arith.select %eq3A_243, %jit3A_244, %jit3A_241 : i32
      %rem3A_246 = arith.remsi %select_n3A_240, %select_n3A_245 : i32
      %ne3A_247 = arith.constant 0 : i32
      %ne3A_248 = arith.cmpi ne, %rem3A_246, %ne3A_247 : i32
      %lt3A_249 = arith.constant 0 : i32
      %lt3A_250 = arith.cmpi slt, %rem3A_246, %lt3A_249 : i32
      %lt3A_251 = arith.constant 0 : i32
      %lt3A_252 = arith.cmpi slt, %select_n3A_245, %lt3A_251 : i32
      %ne3A_253 = arith.xori %lt3A_250, %lt3A_252 : i1
      %and3A_254 = arith.andi %ne3A_253, %ne3A_248 : i1
      %add3A_255 = arith.addi %rem3A_246, %select_n3A_245 : i32
      %select_n3A_256 = arith.select %and3A_254, %add3A_255, %rem3A_246 : i32
      %rem3A_257 = arith.constant 8 : i32
      %rem3A_258 = arith.remsi %add3A_216, %rem3A_257 : i32
      %dma_start3A_259 = arith.constant 0 : i32
      %dma_start3A_260 = tpu.memref_slice %arg8[%select_n3A_256, %rem3A_258, %dma_start3A_259] : memref<2x8x128xi32, #tpu.memory_space<vmem>> -> memref<1x1x128xi32, #tpu.memory_space<vmem>>
      %dma_start3A_261 = tpu.memref_squeeze %dma_start3A_260 : memref<1x1x128xi32, #tpu.memory_space<vmem>> -> memref<128xi32, #tpu.memory_space<vmem>>
      %dma_start3A_262 = arith.constant 0 : i32
      %dma_start3A_263 = arith.constant 0 : i32
      %dma_start3A_264 = tpu.memref_slice %arg2[%dma_start3A_262, %dma_start3A_263] : memref<10000x128xf32, #tpu.memory_space<hbm>> -> memref<10000x128xf32, #tpu.memory_space<hbm>>
      tpu.enqueue_indirect_dma source(%dma_start3A_264 : memref<10000x128xf32, #tpu.memory_space<hbm>>) target(%arg12 : memref<128x128xf32, #tpu.memory_space<vmem>>) offsets(%dma_start3A_261 : memref<128xi32, #tpu.memory_space<vmem>>) semaphore(%arg15 : memref<!tpu.dma_semaphore, #tpu.memory_space<semaphore_mem>>)
      %add3A_265 = arith.constant 1 : i32
      %add3A_266 = arith.addi %mul3A_70, %add3A_265 : i32
      %jit3A_267 = arith.constant 8 : i32
      %div3A_268 = arith.divsi %add3A_266, %jit3A_267 : i32
      %sign3A_269 = arith.constant 0 : i32
      %sign3A_270 = arith.cmpi sgt, %add3A_266, %sign3A_269 : i32
      %sign3A_271 = arith.extui %sign3A_270 : i1 to i32
      %sign3A_272 = arith.constant 0 : i32
      %sign3A_273 = arith.cmpi slt, %add3A_266, %sign3A_272 : i32
      %sign3A_274 = arith.extui %sign3A_273 : i1 to i32
      %sign3A_275 = arith.subi %sign3A_271, %sign3A_274 : i32
      %sign3A_276 = arith.constant 0 : i32
      %sign3A_277 = arith.cmpi sgt, %jit3A_267, %sign3A_276 : i32
      %sign3A_278 = arith.extui %sign3A_277 : i1 to i32
      %sign3A_279 = arith.constant 0 : i32
      %sign3A_280 = arith.cmpi slt, %jit3A_267, %sign3A_279 : i32
      %sign3A_281 = arith.extui %sign3A_280 : i1 to i32
      %sign3A_282 = arith.subi %sign3A_278, %sign3A_281 : i32
      %ne3A_283 = arith.cmpi ne, %sign3A_275, %sign3A_282 : i32
      %rem3A_284 = arith.remsi %add3A_266, %jit3A_267 : i32
      %ne3A_285 = arith.constant 0 : i32
      %ne3A_286 = arith.cmpi ne, %rem3A_284, %ne3A_285 : i32
      %and3A_287 = arith.andi %ne3A_283, %ne3A_286 : i1
      %sub3A_288 = arith.constant 1 : i32
      %sub3A_289 = arith.subi %div3A_268, %sub3A_288 : i32
      %select_n3A_290 = arith.select %and3A_287, %sub3A_289, %div3A_268 : i32
      %jit3A_291 = arith.constant 2 : i32
      %eq3A_292 = arith.constant 0 : i32
      %eq3A_293 = arith.cmpi eq, %jit3A_291, %eq3A_292 : i32
      %jit3A_294 = arith.constant 1 : i32
      %select_n3A_295 = arith.select %eq3A_293, %jit3A_294, %jit3A_291 : i32
      %rem3A_296 = arith.remsi %select_n3A_290, %select_n3A_295 : i32
      %ne3A_297 = arith.constant 0 : i32
      %ne3A_298 = arith.cmpi ne, %rem3A_296, %ne3A_297 : i32
      %lt3A_299 = arith.constant 0 : i32
      %lt3A_300 = arith.cmpi slt, %rem3A_296, %lt3A_299 : i32
      %lt3A_301 = arith.constant 0 : i32
      %lt3A_302 = arith.cmpi slt, %select_n3A_295, %lt3A_301 : i32
      %ne3A_303 = arith.xori %lt3A_300, %lt3A_302 : i1
      %and3A_304 = arith.andi %ne3A_303, %ne3A_298 : i1
      %add3A_305 = arith.addi %rem3A_296, %select_n3A_295 : i32
      %select_n3A_306 = arith.select %and3A_304, %add3A_305, %rem3A_296 : i32
      %rem3A_307 = arith.constant 8 : i32
      %rem3A_308 = arith.remsi %add3A_266, %rem3A_307 : i32
      %dma_wait3A_309 = arith.constant 0 : i32
      %dma_wait3A_310 = tpu.memref_slice %arg8[%select_n3A_306, %rem3A_308, %dma_wait3A_309] : memref<2x8x128xi32, #tpu.memory_space<vmem>> -> memref<1x1x128xi32, #tpu.memory_space<vmem>>
      %dma_wait3A_311 = tpu.memref_squeeze %dma_wait3A_310 : memref<1x1x128xi32, #tpu.memory_space<vmem>> -> memref<128xi32, #tpu.memory_space<vmem>>
      %dma_wait3A_312 = arith.constant 0 : i32
      %dma_wait3A_313 = arith.constant 0 : i32
      %dma_wait3A_314 = tpu.memref_slice %arg2[%dma_wait3A_312, %dma_wait3A_313] : memref<10000x128xf32, #tpu.memory_space<hbm>> -> memref<10000x128xf32, #tpu.memory_space<hbm>>
      tpu.wait_indirect_dma semaphore(%arg16 : memref<!tpu.dma_semaphore, #tpu.memory_space<semaphore_mem>>) src(%dma_wait3A_314 : memref<10000x128xf32, #tpu.memory_space<hbm>>) dst(%arg13 : memref<128x128xf32, #tpu.memory_space<vmem>>)
      %add3A_315 = arith.constant 1 : i32
      %add3A_316 = arith.addi %mul3A_70, %add3A_315 : i32
      %jit3A_317 = arith.constant 8 : i32
      %div3A_318 = arith.divsi %add3A_316, %jit3A_317 : i32
      %sign3A_319 = arith.constant 0 : i32
      %sign3A_320 = arith.cmpi sgt, %add3A_316, %sign3A_319 : i32
      %sign3A_321 = arith.extui %sign3A_320 : i1 to i32
      %sign3A_322 = arith.constant 0 : i32
      %sign3A_323 = arith.cmpi slt, %add3A_316, %sign3A_322 : i32
      %sign3A_324 = arith.extui %sign3A_323 : i1 to i32
      %sign3A_325 = arith.subi %sign3A_321, %sign3A_324 : i32
      %sign3A_326 = arith.constant 0 : i32
      %sign3A_327 = arith.cmpi sgt, %jit3A_317, %sign3A_326 : i32
      %sign3A_328 = arith.extui %sign3A_327 : i1 to i32
      %sign3A_329 = arith.constant 0 : i32
      %sign3A_330 = arith.cmpi slt, %jit3A_317, %sign3A_329 : i32
      %sign3A_331 = arith.extui %sign3A_330 : i1 to i32
      %sign3A_332 = arith.subi %sign3A_328, %sign3A_331 : i32
      %ne3A_333 = arith.cmpi ne, %sign3A_325, %sign3A_332 : i32
      %rem3A_334 = arith.remsi %add3A_316, %jit3A_317 : i32
      %ne3A_335 = arith.constant 0 : i32
      %ne3A_336 = arith.cmpi ne, %rem3A_334, %ne3A_335 : i32
      %and3A_337 = arith.andi %ne3A_333, %ne3A_336 : i1
      %sub3A_338 = arith.constant 1 : i32
      %sub3A_339 = arith.subi %div3A_318, %sub3A_338 : i32
      %select_n3A_340 = arith.select %and3A_337, %sub3A_339, %div3A_318 : i32
      %jit3A_341 = arith.constant 2 : i32
      %eq3A_342 = arith.constant 0 : i32
      %eq3A_343 = arith.cmpi eq, %jit3A_341, %eq3A_342 : i32
      %jit3A_344 = arith.constant 1 : i32
      %select_n3A_345 = arith.select %eq3A_343, %jit3A_344, %jit3A_341 : i32
      %rem3A_346 = arith.remsi %select_n3A_340, %select_n3A_345 : i32
      %ne3A_347 = arith.constant 0 : i32
      %ne3A_348 = arith.cmpi ne, %rem3A_346, %ne3A_347 : i32
      %lt3A_349 = arith.constant 0 : i32
      %lt3A_350 = arith.cmpi slt, %rem3A_346, %lt3A_349 : i32
      %lt3A_351 = arith.constant 0 : i32
      %lt3A_352 = arith.cmpi slt, %select_n3A_345, %lt3A_351 : i32
      %ne3A_353 = arith.xori %lt3A_350, %lt3A_352 : i1
      %and3A_354 = arith.andi %ne3A_353, %ne3A_348 : i1
      %add3A_355 = arith.addi %rem3A_346, %select_n3A_345 : i32
      %select_n3A_356 = arith.select %and3A_354, %add3A_355, %rem3A_346 : i32
      %rem3A_357 = arith.constant 8 : i32
      %rem3A_358 = arith.remsi %add3A_316, %rem3A_357 : i32
      "tpu.region"() ({
        %run_scoped3A_359 = tpu.sem_alloc : memref<!tpu.dma_semaphore, #tpu.memory_space<semaphore_mem>>
        %dma_start3A_360 = arith.constant 0 : i32
        %dma_start3A_361 = tpu.memref_slice %arg9[%select_n3A_356, %rem3A_358, %dma_start3A_360] : memref<2x8x128xi32, #tpu.memory_space<vmem>> -> memref<1x1x128xi32, #tpu.memory_space<vmem>>
        %dma_start3A_362 = tpu.memref_squeeze %dma_start3A_361 : memref<1x1x128xi32, #tpu.memory_space<vmem>> -> memref<128xi32, #tpu.memory_space<vmem>>
        %dma_start3A_363 = arith.constant 0 : i32
        %dma_start3A_364 = arith.constant 0 : i32
        %dma_start3A_365 = tpu.memref_slice %arg14[%dma_start3A_363, %dma_start3A_364] : memref<10000x128xf32, #tpu.memory_space<vmem_shared>> -> memref<10000x128xf32, #tpu.memory_space<vmem_shared>>
        tpu.enqueue_indirect_dma source(%arg13 : memref<128x128xf32, #tpu.memory_space<vmem>>) target(%dma_start3A_365 : memref<10000x128xf32, #tpu.memory_space<vmem_shared>>) offsets(%dma_start3A_362 : memref<128xi32, #tpu.memory_space<vmem>>) semaphore(%run_scoped3A_359 : memref<!tpu.dma_semaphore, #tpu.memory_space<semaphore_mem>>) {add = true}
        %dma_wait3A_366 = arith.constant 0 : i32
        %dma_wait3A_367 = tpu.memref_slice %arg9[%select_n3A_356, %rem3A_358, %dma_wait3A_366] : memref<2x8x128xi32, #tpu.memory_space<vmem>> -> memref<1x1x128xi32, #tpu.memory_space<vmem>>
        %dma_wait3A_368 = tpu.memref_squeeze %dma_wait3A_367 : memref<1x1x128xi32, #tpu.memory_space<vmem>> -> memref<128xi32, #tpu.memory_space<vmem>>
        %dma_wait3A_369 = arith.constant 0 : i32
        %dma_wait3A_370 = arith.constant 0 : i32
        %dma_wait3A_371 = tpu.memref_slice %arg14[%dma_wait3A_369, %dma_wait3A_370] : memref<10000x128xf32, #tpu.memory_space<vmem_shared>> -> memref<10000x128xf32, #tpu.memory_space<vmem_shared>>
        tpu.wait_indirect_dma semaphore(%run_scoped3A_359 : memref<!tpu.dma_semaphore, #tpu.memory_space<semaphore_mem>>) src(%arg13 : memref<128x128xf32, #tpu.memory_space<vmem>>) dst(%dma_wait3A_371 : memref<10000x128xf32, #tpu.memory_space<vmem_shared>>)
        tpu.yield
      }) : () -> ()
    }
    %scan3A_26 = arith.constant 38 : i32
    %rem3A_27 = arith.constant 77 : i32
    %rem3A_28 = arith.constant 8 : i32
    %rem3A_29 = arith.remsi %rem3A_27, %rem3A_28 : i32
    %dma_start3A_30 = arith.constant 1 : i32
    %dma_start3A_31 = arith.constant 0 : i32
    %dma_start3A_32 = tpu.memref_slice %arg8[%dma_start3A_30, %rem3A_29, %dma_start3A_31] : memref<2x8x128xi32, #tpu.memory_space<vmem>> -> memref<1x1x128xi32, #tpu.memory_space<vmem>>
    %dma_start3A_33 = tpu.memref_squeeze %dma_start3A_32 : memref<1x1x128xi32, #tpu.memory_space<vmem>> -> memref<128xi32, #tpu.memory_space<vmem>>
    %dma_start3A_34 = arith.constant 0 : i32
    %dma_start3A_35 = arith.constant 0 : i32
    %dma_start3A_36 = tpu.memref_slice %arg2[%dma_start3A_34, %dma_start3A_35] : memref<10000x128xf32, #tpu.memory_space<hbm>> -> memref<10000x128xf32, #tpu.memory_space<hbm>>
    tpu.enqueue_indirect_dma source(%dma_start3A_36 : memref<10000x128xf32, #tpu.memory_space<hbm>>) target(%arg13 : memref<128x128xf32, #tpu.memory_space<vmem>>) offsets(%dma_start3A_33 : memref<128xi32, #tpu.memory_space<vmem>>) semaphore(%arg16 : memref<!tpu.dma_semaphore, #tpu.memory_space<semaphore_mem>>)
    %rem3A_37 = arith.constant 76 : i32
    %rem3A_38 = arith.constant 8 : i32
    %rem3A_39 = arith.remsi %rem3A_37, %rem3A_38 : i32
    %dma_wait3A_40 = arith.constant 1 : i32
    %dma_wait3A_41 = arith.constant 0 : i32
    %dma_wait3A_42 = tpu.memref_slice %arg8[%dma_wait3A_40, %rem3A_39, %dma_wait3A_41] : memref<2x8x128xi32, #tpu.memory_space<vmem>> -> memref<1x1x128xi32, #tpu.memory_space<vmem>>
    %dma_wait3A_43 = tpu.memref_squeeze %dma_wait3A_42 : memref<1x1x128xi32, #tpu.memory_space<vmem>> -> memref<128xi32, #tpu.memory_space<vmem>>
    %dma_wait3A_44 = arith.constant 0 : i32
    %dma_wait3A_45 = arith.constant 0 : i32
    %dma_wait3A_46 = tpu.memref_slice %arg2[%dma_wait3A_44, %dma_wait3A_45] : memref<10000x128xf32, #tpu.memory_space<hbm>> -> memref<10000x128xf32, #tpu.memory_space<hbm>>
    tpu.wait_indirect_dma semaphore(%arg15 : memref<!tpu.dma_semaphore, #tpu.memory_space<semaphore_mem>>) src(%dma_wait3A_46 : memref<10000x128xf32, #tpu.memory_space<hbm>>) dst(%arg12 : memref<128x128xf32, #tpu.memory_space<vmem>>)
    %rem3A_47 = arith.constant 76 : i32
    %rem3A_48 = arith.constant 8 : i32
    %rem3A_49 = arith.remsi %rem3A_47, %rem3A_48 : i32
    %run_scoped3A_50 = arith.constant 1 : i32
    "tpu.region"() ({
      %run_scoped3A_68 = tpu.sem_alloc : memref<!tpu.dma_semaphore, #tpu.memory_space<semaphore_mem>>
      %dma_start3A_69 = arith.constant 0 : i32
      %dma_start3A_70 = tpu.memref_slice %arg9[%run_scoped3A_50, %rem3A_49, %dma_start3A_69] : memref<2x8x128xi32, #tpu.memory_space<vmem>> -> memref<1x1x128xi32, #tpu.memory_space<vmem>>
      %dma_start3A_71 = tpu.memref_squeeze %dma_start3A_70 : memref<1x1x128xi32, #tpu.memory_space<vmem>> -> memref<128xi32, #tpu.memory_space<vmem>>
      %dma_start3A_72 = arith.constant 0 : i32
      %dma_start3A_73 = arith.constant 0 : i32
      %dma_start3A_74 = tpu.memref_slice %arg14[%dma_start3A_72, %dma_start3A_73] : memref<10000x128xf32, #tpu.memory_space<vmem_shared>> -> memref<10000x128xf32, #tpu.memory_space<vmem_shared>>
      tpu.enqueue_indirect_dma source(%arg12 : memref<128x128xf32, #tpu.memory_space<vmem>>) target(%dma_start3A_74 : memref<10000x128xf32, #tpu.memory_space<vmem_shared>>) offsets(%dma_start3A_71 : memref<128xi32, #tpu.memory_space<vmem>>) semaphore(%run_scoped3A_68 : memref<!tpu.dma_semaphore, #tpu.memory_space<semaphore_mem>>) {add = true}
      %dma_wait3A_75 = arith.constant 0 : i32
      %dma_wait3A_76 = tpu.memref_slice %arg9[%run_scoped3A_50, %rem3A_49, %dma_wait3A_75] : memref<2x8x128xi32, #tpu.memory_space<vmem>> -> memref<1x1x128xi32, #tpu.memory_space<vmem>>
      %dma_wait3A_77 = tpu.memref_squeeze %dma_wait3A_76 : memref<1x1x128xi32, #tpu.memory_space<vmem>> -> memref<128xi32, #tpu.memory_space<vmem>>
      %dma_wait3A_78 = arith.constant 0 : i32
      %dma_wait3A_79 = arith.constant 0 : i32
      %dma_wait3A_80 = tpu.memref_slice %arg14[%dma_wait3A_78, %dma_wait3A_79] : memref<10000x128xf32, #tpu.memory_space<vmem_shared>> -> memref<10000x128xf32, #tpu.memory_space<vmem_shared>>
      tpu.wait_indirect_dma semaphore(%run_scoped3A_68 : memref<!tpu.dma_semaphore, #tpu.memory_space<semaphore_mem>>) src(%arg12 : memref<128x128xf32, #tpu.memory_space<vmem>>) dst(%dma_wait3A_80 : memref<10000x128xf32, #tpu.memory_space<vmem_shared>>)
      tpu.yield
    }) : () -> ()
    %rem3A_51 = arith.constant 77 : i32
    %rem3A_52 = arith.constant 8 : i32
    %rem3A_53 = arith.remsi %rem3A_51, %rem3A_52 : i32
    %dma_wait3A_54 = arith.constant 1 : i32
    %dma_wait3A_55 = arith.constant 0 : i32
    %dma_wait3A_56 = tpu.memref_slice %arg8[%dma_wait3A_54, %rem3A_53, %dma_wait3A_55] : memref<2x8x128xi32, #tpu.memory_space<vmem>> -> memref<1x1x128xi32, #tpu.memory_space<vmem>>
    %dma_wait3A_57 = tpu.memref_squeeze %dma_wait3A_56 : memref<1x1x128xi32, #tpu.memory_space<vmem>> -> memref<128xi32, #tpu.memory_space<vmem>>
    %dma_wait3A_58 = arith.constant 0 : i32
    %dma_wait3A_59 = arith.constant 0 : i32
    %dma_wait3A_60 = tpu.memref_slice %arg2[%dma_wait3A_58, %dma_wait3A_59] : memref<10000x128xf32, #tpu.memory_space<hbm>> -> memref<10000x128xf32, #tpu.memory_space<hbm>>
    tpu.wait_indirect_dma semaphore(%arg16 : memref<!tpu.dma_semaphore, #tpu.memory_space<semaphore_mem>>) src(%dma_wait3A_60 : memref<10000x128xf32, #tpu.memory_space<hbm>>) dst(%arg13 : memref<128x128xf32, #tpu.memory_space<vmem>>)
    %rem3A_61 = arith.constant 77 : i32
    %rem3A_62 = arith.constant 8 : i32
    %rem3A_63 = arith.remsi %rem3A_61, %rem3A_62 : i32
    %run_scoped3A_64 = arith.constant 1 : i32
    "tpu.region"() ({
      %run_scoped3A_68 = tpu.sem_alloc : memref<!tpu.dma_semaphore, #tpu.memory_space<semaphore_mem>>
      %dma_start3A_69 = arith.constant 0 : i32
      %dma_start3A_70 = tpu.memref_slice %arg9[%run_scoped3A_64, %rem3A_63, %dma_start3A_69] : memref<2x8x128xi32, #tpu.memory_space<vmem>> -> memref<1x1x128xi32, #tpu.memory_space<vmem>>
      %dma_start3A_71 = tpu.memref_squeeze %dma_start3A_70 : memref<1x1x128xi32, #tpu.memory_space<vmem>> -> memref<128xi32, #tpu.memory_space<vmem>>
      %dma_start3A_72 = arith.constant 0 : i32
      %dma_start3A_73 = arith.constant 0 : i32
      %dma_start3A_74 = tpu.memref_slice %arg14[%dma_start3A_72, %dma_start3A_73] : memref<10000x128xf32, #tpu.memory_space<vmem_shared>> -> memref<10000x128xf32, #tpu.memory_space<vmem_shared>>
      tpu.enqueue_indirect_dma source(%arg13 : memref<128x128xf32, #tpu.memory_space<vmem>>) target(%dma_start3A_74 : memref<10000x128xf32, #tpu.memory_space<vmem_shared>>) offsets(%dma_start3A_71 : memref<128xi32, #tpu.memory_space<vmem>>) semaphore(%run_scoped3A_68 : memref<!tpu.dma_semaphore, #tpu.memory_space<semaphore_mem>>) {add = true}
      %dma_wait3A_75 = arith.constant 0 : i32
      %dma_wait3A_76 = tpu.memref_slice %arg9[%run_scoped3A_64, %rem3A_63, %dma_wait3A_75] : memref<2x8x128xi32, #tpu.memory_space<vmem>> -> memref<1x1x128xi32, #tpu.memory_space<vmem>>
      %dma_wait3A_77 = tpu.memref_squeeze %dma_wait3A_76 : memref<1x1x128xi32, #tpu.memory_space<vmem>> -> memref<128xi32, #tpu.memory_space<vmem>>
      %dma_wait3A_78 = arith.constant 0 : i32
      %dma_wait3A_79 = arith.constant 0 : i32
      %dma_wait3A_80 = tpu.memref_slice %arg14[%dma_wait3A_78, %dma_wait3A_79] : memref<10000x128xf32, #tpu.memory_space<vmem_shared>> -> memref<10000x128xf32, #tpu.memory_space<vmem_shared>>
      tpu.wait_indirect_dma semaphore(%run_scoped3A_68 : memref<!tpu.dma_semaphore, #tpu.memory_space<semaphore_mem>>) src(%arg13 : memref<128x128xf32, #tpu.memory_space<vmem>>) dst(%dma_wait3A_80 : memref<10000x128xf32, #tpu.memory_space<vmem_shared>>)
      tpu.yield
    }) : () -> ()
    %lt3A = arith.constant 4 : i32
    %lt3A_65 = arith.cmpi slt, %add3A, %lt3A : i32
    %convert_element_type3A = arith.extui %lt3A_65 : i1 to i32
    %cond3A = arith.constant 0 : i32
    %cond3A_66 = arith.cmpi ne, %convert_element_type3A, %cond3A : i32
    scf.if %cond3A_66 {
      "tpu.region"() ({
        %run_scoped3A_83 = tpu.sem_alloc : memref<!tpu.dma_semaphore, #tpu.memory_space<semaphore_mem>>
        %dma_start3A_84 = arith.constant 0 : i32
        %dma_start3A_85 = arith.constant 0 : i32
        %dma_start3A_86 = tpu.memref_slice %arg5[%add3A, %dma_start3A_84, %dma_start3A_85] : memref<4x1x128xi32, #tpu.memory_space<hbm>> -> memref<1x1x128xi32, #tpu.memory_space<hbm>>
        %dma_start3A_87 = tpu.memref_squeeze %dma_start3A_86 : memref<1x1x128xi32, #tpu.memory_space<hbm>> -> memref<1x128xi32, #tpu.memory_space<hbm>>
        %dma_start3A_88 = arith.constant 0 : i32
        %dma_start3A_89 = arith.constant 0 : i32
        %dma_start3A_90 = tpu.memref_slice %arg5[%add3A, %dma_start3A_88, %dma_start3A_89] : memref<4x1x128xi32, #tpu.memory_space<hbm>> -> memref<1x1x128xi32, #tpu.memory_space<hbm>>
        %dma_start3A_91 = tpu.memref_squeeze %dma_start3A_90 : memref<1x1x128xi32, #tpu.memory_space<hbm>> -> memref<1x128xi32, #tpu.memory_space<hbm>>
        tpu.enqueue_dma source(%dma_start3A_91 : memref<1x128xi32, #tpu.memory_space<hbm>>) target(%arg10 : memref<1x128xi32, #tpu.memory_space<vmem>>) target_semaphore(%run_scoped3A_83 : memref<!tpu.dma_semaphore, #tpu.memory_space<semaphore_mem>>)
        %dma_wait3A_92 = arith.constant 0 : i32
        %dma_wait3A_93 = arith.constant 0 : i32
        %dma_wait3A_94 = tpu.memref_slice %arg5[%add3A, %dma_wait3A_92, %dma_wait3A_93] : memref<4x1x128xi32, #tpu.memory_space<hbm>> -> memref<1x1x128xi32, #tpu.memory_space<hbm>>
        %dma_wait3A_95 = tpu.memref_squeeze %dma_wait3A_94 : memref<1x1x128xi32, #tpu.memory_space<hbm>> -> memref<1x128xi32, #tpu.memory_space<hbm>>
        %dma_wait3A_96 = arith.constant 0 : i32
        %dma_wait3A_97 = arith.constant 0 : i32
        %dma_wait3A_98 = tpu.memref_slice %arg5[%add3A, %dma_wait3A_96, %dma_wait3A_97] : memref<4x1x128xi32, #tpu.memory_space<hbm>> -> memref<1x1x128xi32, #tpu.memory_space<hbm>>
        %dma_wait3A_99 = tpu.memref_squeeze %dma_wait3A_98 : memref<1x1x128xi32, #tpu.memory_space<hbm>> -> memref<1x128xi32, #tpu.memory_space<hbm>>
        tpu.wait_dma2 semaphore(%run_scoped3A_83 : memref<!tpu.dma_semaphore, #tpu.memory_space<semaphore_mem>>) src(%dma_wait3A_99 : memref<1x128xi32, #tpu.memory_space<hbm>>) dst(%arg10 : memref<1x128xi32, #tpu.memory_space<vmem>>)
        tpu.yield
      }) : () -> ()
      "tpu.region"() ({
        %run_scoped3A_83 = tpu.sem_alloc : memref<!tpu.dma_semaphore, #tpu.memory_space<semaphore_mem>>
        %dma_start3A_84 = arith.constant 0 : i32
        %dma_start3A_85 = arith.constant 0 : i32
        %dma_start3A_86 = tpu.memref_slice %arg6[%add3A, %dma_start3A_84, %dma_start3A_85] : memref<4x1x128xi32, #tpu.memory_space<hbm>> -> memref<1x1x128xi32, #tpu.memory_space<hbm>>
        %dma_start3A_87 = tpu.memref_squeeze %dma_start3A_86 : memref<1x1x128xi32, #tpu.memory_space<hbm>> -> memref<1x128xi32, #tpu.memory_space<hbm>>
        %dma_start3A_88 = arith.constant 0 : i32
        %dma_start3A_89 = arith.constant 0 : i32
        %dma_start3A_90 = tpu.memref_slice %arg6[%add3A, %dma_start3A_88, %dma_start3A_89] : memref<4x1x128xi32, #tpu.memory_space<hbm>> -> memref<1x1x128xi32, #tpu.memory_space<hbm>>
        %dma_start3A_91 = tpu.memref_squeeze %dma_start3A_90 : memref<1x1x128xi32, #tpu.memory_space<hbm>> -> memref<1x128xi32, #tpu.memory_space<hbm>>
        tpu.enqueue_dma source(%dma_start3A_91 : memref<1x128xi32, #tpu.memory_space<hbm>>) target(%arg11 : memref<1x128xi32, #tpu.memory_space<vmem>>) target_semaphore(%run_scoped3A_83 : memref<!tpu.dma_semaphore, #tpu.memory_space<semaphore_mem>>)
        %dma_wait3A_92 = arith.constant 0 : i32
        %dma_wait3A_93 = arith.constant 0 : i32
        %dma_wait3A_94 = tpu.memref_slice %arg6[%add3A, %dma_wait3A_92, %dma_wait3A_93] : memref<4x1x128xi32, #tpu.memory_space<hbm>> -> memref<1x1x128xi32, #tpu.memory_space<hbm>>
        %dma_wait3A_95 = tpu.memref_squeeze %dma_wait3A_94 : memref<1x1x128xi32, #tpu.memory_space<hbm>> -> memref<1x128xi32, #tpu.memory_space<hbm>>
        %dma_wait3A_96 = arith.constant 0 : i32
        %dma_wait3A_97 = arith.constant 0 : i32
        %dma_wait3A_98 = tpu.memref_slice %arg6[%add3A, %dma_wait3A_96, %dma_wait3A_97] : memref<4x1x128xi32, #tpu.memory_space<hbm>> -> memref<1x1x128xi32, #tpu.memory_space<hbm>>
        %dma_wait3A_99 = tpu.memref_squeeze %dma_wait3A_98 : memref<1x1x128xi32, #tpu.memory_space<hbm>> -> memref<1x128xi32, #tpu.memory_space<hbm>>
        tpu.wait_dma2 semaphore(%run_scoped3A_83 : memref<!tpu.dma_semaphore, #tpu.memory_space<semaphore_mem>>) src(%dma_wait3A_99 : memref<1x128xi32, #tpu.memory_space<hbm>>) dst(%arg11 : memref<1x128xi32, #tpu.memory_space<vmem>>)
        tpu.yield
      }) : () -> ()
      %dma_start3A_68 = arith.constant 0 : i32
      %dma_start3A_69 = arith.constant 0 : i32
      %dma_start3A_70 = tpu.memref_slice %arg10[%dma_start3A_68, %dma_start3A_69] : memref<1x128xi32, #tpu.memory_space<vmem>> -> memref<1x128xi32, #tpu.memory_space<vmem>>
      %dma_start3A_71 = tpu.memref_squeeze %dma_start3A_70 : memref<1x128xi32, #tpu.memory_space<vmem>> -> memref<128xi32, #tpu.memory_space<vmem>>
      %dma_start3A_72 = arith.constant 0 : i32
      %dma_start3A_73 = arith.constant 0 : i32
      %dma_start3A_74 = tpu.memref_slice %arg2[%dma_start3A_72, %dma_start3A_73] : memref<10000x128xf32, #tpu.memory_space<hbm>> -> memref<10000x128xf32, #tpu.memory_space<hbm>>
      tpu.enqueue_indirect_dma source(%dma_start3A_74 : memref<10000x128xf32, #tpu.memory_space<hbm>>) target(%arg12 : memref<128x128xf32, #tpu.memory_space<vmem>>) offsets(%dma_start3A_71 : memref<128xi32, #tpu.memory_space<vmem>>) semaphore(%arg15 : memref<!tpu.dma_semaphore, #tpu.memory_space<semaphore_mem>>)
      %dma_wait3A_75 = arith.constant 0 : i32
      %dma_wait3A_76 = arith.constant 0 : i32
      %dma_wait3A_77 = tpu.memref_slice %arg10[%dma_wait3A_75, %dma_wait3A_76] : memref<1x128xi32, #tpu.memory_space<vmem>> -> memref<1x128xi32, #tpu.memory_space<vmem>>
      %dma_wait3A_78 = tpu.memref_squeeze %dma_wait3A_77 : memref<1x128xi32, #tpu.memory_space<vmem>> -> memref<128xi32, #tpu.memory_space<vmem>>
      %dma_wait3A_79 = arith.constant 0 : i32
      %dma_wait3A_80 = arith.constant 0 : i32
      %dma_wait3A_81 = tpu.memref_slice %arg2[%dma_wait3A_79, %dma_wait3A_80] : memref<10000x128xf32, #tpu.memory_space<hbm>> -> memref<10000x128xf32, #tpu.memory_space<hbm>>
      tpu.wait_indirect_dma semaphore(%arg15 : memref<!tpu.dma_semaphore, #tpu.memory_space<semaphore_mem>>) src(%dma_wait3A_81 : memref<10000x128xf32, #tpu.memory_space<hbm>>) dst(%arg12 : memref<128x128xf32, #tpu.memory_space<vmem>>)
      %run_scoped3A_82 = arith.constant 0 : i32
      "tpu.region"() ({
        %run_scoped3A_83 = tpu.sem_alloc : memref<!tpu.dma_semaphore, #tpu.memory_space<semaphore_mem>>
        %dma_start3A_84 = arith.constant 0 : i32
        %dma_start3A_85 = tpu.memref_slice %arg11[%run_scoped3A_82, %dma_start3A_84] : memref<1x128xi32, #tpu.memory_space<vmem>> -> memref<1x128xi32, #tpu.memory_space<vmem>>
        %dma_start3A_86 = tpu.memref_squeeze %dma_start3A_85 : memref<1x128xi32, #tpu.memory_space<vmem>> -> memref<128xi32, #tpu.memory_space<vmem>>
        %dma_start3A_87 = arith.constant 0 : i32
        %dma_start3A_88 = arith.constant 0 : i32
        %dma_start3A_89 = tpu.memref_slice %arg14[%dma_start3A_87, %dma_start3A_88] : memref<10000x128xf32, #tpu.memory_space<vmem_shared>> -> memref<10000x128xf32, #tpu.memory_space<vmem_shared>>
        tpu.enqueue_indirect_dma source(%arg12 : memref<128x128xf32, #tpu.memory_space<vmem>>) target(%dma_start3A_89 : memref<10000x128xf32, #tpu.memory_space<vmem_shared>>) offsets(%dma_start3A_86 : memref<128xi32, #tpu.memory_space<vmem>>) semaphore(%run_scoped3A_83 : memref<!tpu.dma_semaphore, #tpu.memory_space<semaphore_mem>>) {add = true}
        %dma_wait3A_90 = arith.constant 0 : i32
        %dma_wait3A_91 = tpu.memref_slice %arg11[%run_scoped3A_82, %dma_wait3A_90] : memref<1x128xi32, #tpu.memory_space<vmem>> -> memref<1x128xi32, #tpu.memory_space<vmem>>
        %dma_wait3A_92 = tpu.memref_squeeze %dma_wait3A_91 : memref<1x128xi32, #tpu.memory_space<vmem>> -> memref<128xi32, #tpu.memory_space<vmem>>
        %dma_wait3A_93 = arith.constant 0 : i32
        %dma_wait3A_94 = arith.constant 0 : i32
        %dma_wait3A_95 = tpu.memref_slice %arg14[%dma_wait3A_93, %dma_wait3A_94] : memref<10000x128xf32, #tpu.memory_space<vmem_shared>> -> memref<10000x128xf32, #tpu.memory_space<vmem_shared>>
        tpu.wait_indirect_dma semaphore(%run_scoped3A_83 : memref<!tpu.dma_semaphore, #tpu.memory_space<semaphore_mem>>) src(%arg12 : memref<128x128xf32, #tpu.memory_space<vmem>>) dst(%dma_wait3A_95 : memref<10000x128xf32, #tpu.memory_space<vmem_shared>>)
        tpu.yield
      }) : () -> ()
    } else {
    }
    %barrier3A_67 = arith.constant 0 : index
    tpu.barrier barrier_id(%barrier3A_67)
    "tpu.region"() ({
      %run_scoped3A_68 = tpu.sem_alloc : memref<!tpu.dma_semaphore, #tpu.memory_space<semaphore_mem>>
      %dma_start3A_69 = arith.constant 0 : i32
      %dma_start3A_70 = tpu.memref_slice %arg7[%arg0, %multiple_of3A, %dma_start3A_69] : memref<2x10000x128xf32, #tpu.memory_space<hbm>> -> memref<1x640x128xf32, #tpu.memory_space<hbm>>
      %dma_start3A_71 = tpu.memref_squeeze %dma_start3A_70 : memref<1x640x128xf32, #tpu.memory_space<hbm>> -> memref<640x128xf32, #tpu.memory_space<hbm>>
      %dma_start3A_72 = arith.constant 0 : i32
      %dma_start3A_73 = tpu.memref_slice %arg14[%multiple_of3A, %dma_start3A_72] : memref<10000x128xf32, #tpu.memory_space<vmem_shared>> -> memref<640x128xf32, #tpu.memory_space<vmem_shared>>
      tpu.enqueue_dma source(%dma_start3A_73 : memref<640x128xf32, #tpu.memory_space<vmem_shared>>) target(%dma_start3A_71 : memref<640x128xf32, #tpu.memory_space<hbm>>) target_semaphore(%run_scoped3A_68 : memref<!tpu.dma_semaphore, #tpu.memory_space<semaphore_mem>>)
      %dma_wait3A_74 = arith.constant 0 : i32
      %dma_wait3A_75 = tpu.memref_slice %arg7[%arg0, %multiple_of3A, %dma_wait3A_74] : memref<2x10000x128xf32, #tpu.memory_space<hbm>> -> memref<1x640x128xf32, #tpu.memory_space<hbm>>
      %dma_wait3A_76 = tpu.memref_squeeze %dma_wait3A_75 : memref<1x640x128xf32, #tpu.memory_space<hbm>> -> memref<640x128xf32, #tpu.memory_space<hbm>>
      %dma_wait3A_77 = arith.constant 0 : i32
      %dma_wait3A_78 = tpu.memref_slice %arg14[%multiple_of3A, %dma_wait3A_77] : memref<10000x128xf32, #tpu.memory_space<vmem_shared>> -> memref<640x128xf32, #tpu.memory_space<vmem_shared>>
      tpu.wait_dma2 semaphore(%run_scoped3A_68 : memref<!tpu.dma_semaphore, #tpu.memory_space<semaphore_mem>>) src(%dma_wait3A_78 : memref<640x128xf32, #tpu.memory_space<vmem_shared>>) dst(%dma_wait3A_76 : memref<640x128xf32, #tpu.memory_space<hbm>>)
      tpu.yield
    }) : () -> ()
    return
  }
}

module attributes {stable_mosaic.version = 14 : i64} {
  func.func @_d1_body(%arg0: i32, %arg1: memref<2000x128xf32, #tpu.memory_space<vmem>>, %arg2: memref<128x128xf32, #tpu.memory_space<vmem>>, %arg3: memref<1x1x2000xf32, #tpu.memory_space<vmem>>, %arg4: memref<2000x128xf32, #tpu.memory_space<vmem>>) attributes {dimension_semantics = [#tpu.dimension_semantics<arbitrary>], iteration_bounds = array<i64: 5>, scalar_prefetch = 0 : i64, scratch_operands = 0 : i64, tpu.core_type = #tpu.core_type<tc>, window_params = [{transform_indices = @transform_0, window_bounds = array<i64: 2000, 128>}, {pipeline_mode = #tpu.pipeline_mode<synchronous>, transform_indices = @transform_1, window_bounds = array<i64: 128, 128>}, {transform_indices = @transform_2, window_bounds = array<i64: 1, 1, 2000>}, {transform_indices = @transform_3, window_bounds = array<i64: 2000, 128>}]} {
    %get3A = arith.constant 0 : index
    %get3A_0 = arith.constant 0 : index
    %get3A_1 = arith.constant 0 : index
    %get3A_2 = vector.load %arg3[%get3A, %get3A_0, %get3A_1] : memref<1x1x2000xf32, #tpu.memory_space<vmem>>, vector<1x1x2000xf32>
    %get3A_3 = vector.shape_cast %get3A_2 : vector<1x1x2000xf32> to vector<2000xf32>
    %rsqrt3A = math.rsqrt %get3A_3 : vector<2000xf32>
    %broadcast_in_dim3A = vector.shape_cast %rsqrt3A : vector<2000xf32> to vector<2000x1xf32>
    %get3A_4 = arith.constant 0 : index
    %get3A_5 = arith.constant 0 : index
    %get3A_6 = vector.load %arg1[%get3A_4, %get3A_5] : memref<2000x128xf32, #tpu.memory_space<vmem>>, vector<2000x128xf32>
    %get3A_7 = arith.constant 0 : index
    %get3A_8 = arith.constant 0 : index
    %get3A_9 = vector.load %arg2[%get3A_7, %get3A_8] : memref<128x128xf32, #tpu.memory_space<vmem>>, vector<128x128xf32>
    %dot_general3A = arith.constant dense<0.000000e+00> : vector<2000x128xf32>
    %dot_general3A_10 = tpu.matmul %get3A_6, %get3A_9, %dot_general3A {dimension_numbers = #tpu.dot_dimension_numbers<[1], [0], [0], [1], [0, 0, 1, 1], [], []>, transpose_lhs_hint = false} : vector<2000x128xf32>, vector<128x128xf32>, vector<2000x128xf32> -> vector<2000x128xf32>
    %mul3A = vector.broadcast %broadcast_in_dim3A : vector<2000x1xf32> to vector<2000x128xf32>
    %mul3A_11 = arith.mulf %dot_general3A_10, %mul3A : vector<2000x128xf32>
    %swap3A = arith.constant 0 : index
    %swap3A_12 = arith.constant 0 : index
    %swap3A_13 = vector.load %arg4[%swap3A, %swap3A_12] : memref<2000x128xf32, #tpu.memory_space<vmem>>, vector<2000x128xf32>
    tpu.vector_store %arg4[%swap3A, %swap3A_12], %mul3A_11 {strides = array<i32>} : memref<2000x128xf32, #tpu.memory_space<vmem>>, vector<2000x128xf32>,
    return
  }
  func.func @transform_0(%arg0: i32) -> (i32, i32) {
    %c0_i32 = arith.constant 0 : i32
    %c0_i32_0 = arith.constant 0 : i32
    return %arg0, %c0_i32 : i32, i32
  }
  func.func @transform_1(%arg0: i32) -> (i32, i32) {
    %c0_i32 = arith.constant 0 : i32
    %c0_i32_0 = arith.constant 0 : i32
    %c0_i32_1 = arith.constant 0 : i32
    return %c0_i32, %c0_i32_0 : i32, i32
  }
  func.func @transform_2(%arg0: i32) -> (i32, i32, i32) {
    %c0_i32 = arith.constant 0 : i32
    %c0_i32_0 = arith.constant 0 : i32
    %c0_i32_1 = arith.constant 0 : i32
    return %arg0, %c0_i32, %c0_i32_0 : i32, i32, i32
  }
  func.func @transform_3(%arg0: i32) -> (i32, i32) {
    %c0_i32 = arith.constant 0 : i32
    %c0_i32_0 = arith.constant 0 : i32
    return %arg0, %c0_i32 : i32, i32
  }
}

module attributes {stable_mosaic.version = 14 : i64} {
  func.func @_ref_body(%arg0: i32, %arg1: memref<2x319488xi32, #tpu.memory_space<vmem>>, %arg2: memref<2x512xi32, #tpu.memory_space<vmem>>, %arg3: memref<32x80x128xi32, #tpu.memory_space<vmem>>, %arg4: memref<32x80x128xi32, #tpu.memory_space<vmem>>, %arg5: memref<4x1x128xi32, #tpu.memory_space<vmem>>, %arg6: memref<4x1x128xi32, #tpu.memory_space<vmem>>) attributes {dimension_semantics = [#tpu.dimension_semantics<arbitrary>], iteration_bounds = array<i64: 1>, scalar_prefetch = 0 : i64, scratch_operands = 0 : i64, tpu.core_type = #tpu.core_type<tc>, window_params = [{transform_indices = @transform_0, window_bounds = array<i64: 2, 319488>}, {transform_indices = @transform_1, window_bounds = array<i64: 2, 512>}, {pipeline_mode = #tpu.pipeline_mode<synchronous>, transform_indices = @transform_2, window_bounds = array<i64: 32, 80, 128>}, {pipeline_mode = #tpu.pipeline_mode<synchronous>, transform_indices = @transform_3, window_bounds = array<i64: 32, 80, 128>}, {pipeline_mode = #tpu.pipeline_mode<synchronous>, transform_indices = @transform_4, window_bounds = array<i64: 4, 1, 128>}, {pipeline_mode = #tpu.pipeline_mode<synchronous>, transform_indices = @transform_5, window_bounds = array<i64: 4, 1, 128>}]} {
    %broadcast_in_dim3A = arith.constant 0 : i32
    %broadcast_in_dim3A_0 = vector.broadcast %broadcast_in_dim3A : i32 to vector<32x2x128xi32>
    %get3A = arith.constant 0 : index
    %get3A_1 = arith.constant 0 : index
    %get3A_2 = vector.load %arg1[%get3A, %get3A_1] : memref<2x319488xi32, #tpu.memory_space<vmem>>, vector<1x319488xi32>
    %get3A_3 = vector.shape_cast %get3A_2 : vector<1x319488xi32> to vector<319488xi32>
    %reshape3A = vector.shape_cast %get3A_3 : vector<319488xi32> to vector<32x78x128xi32>
    %concatenate3A = tpu.concatenate %reshape3A, %broadcast_in_dim3A_0 in 1 : vector<32x78x128xi32>, vector<32x2x128xi32> -> vector<32x80x128xi32>
    %swap3A = arith.constant 0 : index
    %swap3A_4 = arith.constant 0 : index
    %swap3A_5 = arith.constant 0 : index
    %swap3A_6 = vector.load %arg3[%swap3A, %swap3A_4, %swap3A_5] : memref<32x80x128xi32, #tpu.memory_space<vmem>>, vector<32x80x128xi32>
    tpu.vector_store %arg3[%swap3A, %swap3A_4, %swap3A_5], %concatenate3A {strides = array<i32>} : memref<32x80x128xi32, #tpu.memory_space<vmem>>, vector<32x80x128xi32>,
    %get3A_7 = arith.constant 1 : index
    %get3A_8 = arith.constant 0 : index
    %get3A_9 = vector.load %arg1[%get3A_7, %get3A_8] : memref<2x319488xi32, #tpu.memory_space<vmem>>, vector<1x319488xi32>
    %get3A_10 = vector.shape_cast %get3A_9 : vector<1x319488xi32> to vector<319488xi32>
    %reshape3A_11 = vector.shape_cast %get3A_10 : vector<319488xi32> to vector<32x78x128xi32>
    %concatenate3A_12 = tpu.concatenate %reshape3A_11, %broadcast_in_dim3A_0 in 1 : vector<32x78x128xi32>, vector<32x2x128xi32> -> vector<32x80x128xi32>
    %swap3A_13 = arith.constant 0 : index
    %swap3A_14 = arith.constant 0 : index
    %swap3A_15 = arith.constant 0 : index
    %swap3A_16 = vector.load %arg4[%swap3A_13, %swap3A_14, %swap3A_15] : memref<32x80x128xi32, #tpu.memory_space<vmem>>, vector<32x80x128xi32>
    tpu.vector_store %arg4[%swap3A_13, %swap3A_14, %swap3A_15], %concatenate3A_12 {strides = array<i32>} : memref<32x80x128xi32, #tpu.memory_space<vmem>>, vector<32x80x128xi32>,
    %get3A_17 = arith.constant 0 : index
    %get3A_18 = arith.constant 0 : index
    %get3A_19 = vector.load %arg2[%get3A_17, %get3A_18] : memref<2x512xi32, #tpu.memory_space<vmem>>, vector<1x512xi32>
    %get3A_20 = vector.shape_cast %get3A_19 : vector<1x512xi32> to vector<512xi32>
    %reshape3A_21 = vector.shape_cast %get3A_20 : vector<512xi32> to vector<4x1x128xi32>
    %swap3A_22 = arith.constant 0 : index
    %swap3A_23 = arith.constant 0 : index
    %swap3A_24 = arith.constant 0 : index
    %swap3A_25 = vector.load %arg5[%swap3A_22, %swap3A_23, %swap3A_24] : memref<4x1x128xi32, #tpu.memory_space<vmem>>, vector<4x1x128xi32>
    tpu.vector_store %arg5[%swap3A_22, %swap3A_23, %swap3A_24], %reshape3A_21 {strides = array<i32>} : memref<4x1x128xi32, #tpu.memory_space<vmem>>, vector<4x1x128xi32>,
    %get3A_26 = arith.constant 1 : index
    %get3A_27 = arith.constant 0 : index
    %get3A_28 = vector.load %arg2[%get3A_26, %get3A_27] : memref<2x512xi32, #tpu.memory_space<vmem>>, vector<1x512xi32>
    %get3A_29 = vector.shape_cast %get3A_28 : vector<1x512xi32> to vector<512xi32>
    %reshape3A_30 = vector.shape_cast %get3A_29 : vector<512xi32> to vector<4x1x128xi32>
    %swap3A_31 = arith.constant 0 : index
    %swap3A_32 = arith.constant 0 : index
    %swap3A_33 = arith.constant 0 : index
    %swap3A_34 = vector.load %arg6[%swap3A_31, %swap3A_32, %swap3A_33] : memref<4x1x128xi32, #tpu.memory_space<vmem>>, vector<4x1x128xi32>
    tpu.vector_store %arg6[%swap3A_31, %swap3A_32, %swap3A_33], %reshape3A_30 {strides = array<i32>} : memref<4x1x128xi32, #tpu.memory_space<vmem>>, vector<4x1x128xi32>,
    return
  }
  func.func @transform_0(%arg0: i32) -> (i32, i32) {
    %c0_i32 = arith.constant 0 : i32
    %c0_i32_0 = arith.constant 0 : i32
    %c0_i32_1 = arith.constant 0 : i32
    return %c0_i32, %c0_i32_0 : i32, i32
  }
  func.func @transform_1(%arg0: i32) -> (i32, i32) {
    %c0_i32 = arith.constant 0 : i32
    %c624_i32 = arith.constant 624 : i32
    %c0_i32_0 = arith.constant 0 : i32
    return %c0_i32, %c624_i32 : i32, i32
  }
  func.func @transform_2(%arg0: i32) -> (i32, i32, i32) {
    %c0_i32 = arith.constant 0 : i32
    %c0_i32_0 = arith.constant 0 : i32
    %c0_i32_1 = arith.constant 0 : i32
    %c0_i32_2 = arith.constant 0 : i32
    return %c0_i32, %c0_i32_0, %c0_i32_1 : i32, i32, i32
  }
  func.func @transform_3(%arg0: i32) -> (i32, i32, i32) {
    %c0_i32 = arith.constant 0 : i32
    %c0_i32_0 = arith.constant 0 : i32
    %c0_i32_1 = arith.constant 0 : i32
    %c0_i32_2 = arith.constant 0 : i32
    return %c0_i32, %c0_i32_0, %c0_i32_1 : i32, i32, i32
  }
  func.func @transform_4(%arg0: i32) -> (i32, i32, i32) {
    %c0_i32 = arith.constant 0 : i32
    %c0_i32_0 = arith.constant 0 : i32
    %c0_i32_1 = arith.constant 0 : i32
    %c0_i32_2 = arith.constant 0 : i32
    return %c0_i32, %c0_i32_0, %c0_i32_1 : i32, i32, i32
  }
  func.func @transform_5(%arg0: i32) -> (i32, i32, i32) {
    %c0_i32 = arith.constant 0 : i32
    %c0_i32_0 = arith.constant 0 : i32
    %c0_i32_1 = arith.constant 0 : i32
    %c0_i32_2 = arith.constant 0 : i32
    return %c0_i32, %c0_i32_0, %c0_i32_1 : i32, i32, i32
  }
}

module attributes {stable_mosaic.version = 14 : i64} {
  func.func @_d2_body(%arg0: i32, %arg1: memref<1x2000x128xf32, #tpu.memory_space<vmem>>, %arg2: memref<1x2000x128xf32, #tpu.memory_space<vmem>>, %arg3: memref<2000x128xf32, #tpu.memory_space<vmem>>, %arg4: memref<1x1x2000xf32, #tpu.memory_space<vmem>>, %arg5: memref<1x128xf32, #tpu.memory_space<vmem>>, %arg6: memref<128x128xf32, #tpu.memory_space<vmem>>, %arg7: memref<2000x128xf32, #tpu.memory_space<vmem>>) attributes {dimension_semantics = [#tpu.dimension_semantics<arbitrary>], iteration_bounds = array<i64: 5>, scalar_prefetch = 0 : i64, scratch_operands = 0 : i64, tpu.core_type = #tpu.core_type<tc>, window_params = [{transform_indices = @transform_0, window_bounds = array<i64: 1, 2000, 128>}, {transform_indices = @transform_1, window_bounds = array<i64: 1, 2000, 128>}, {transform_indices = @transform_2, window_bounds = array<i64: 2000, 128>}, {transform_indices = @transform_3, window_bounds = array<i64: 1, 1, 2000>}, {pipeline_mode = #tpu.pipeline_mode<synchronous>, transform_indices = @transform_4, window_bounds = array<i64: 1, 128>}, {pipeline_mode = #tpu.pipeline_mode<synchronous>, transform_indices = @transform_5, window_bounds = array<i64: 128, 128>}, {transform_indices = @transform_6, window_bounds = array<i64: 2000, 128>}]} {
    %get3A = arith.constant 0 : index
    %get3A_0 = arith.constant 0 : index
    %get3A_1 = arith.constant 0 : index
    %get3A_2 = vector.load %arg4[%get3A, %get3A_0, %get3A_1] : memref<1x1x2000xf32, #tpu.memory_space<vmem>>, vector<1x1x2000xf32>
    %get3A_3 = vector.shape_cast %get3A_2 : vector<1x1x2000xf32> to vector<2000xf32>
    %rsqrt3A = math.rsqrt %get3A_3 : vector<2000xf32>
    %broadcast_in_dim3A = vector.shape_cast %rsqrt3A : vector<2000xf32> to vector<2000x1xf32>
    %get3A_4 = arith.constant 0 : index
    %get3A_5 = arith.constant 0 : index
    %get3A_6 = arith.constant 0 : index
    %get3A_7 = vector.load %arg1[%get3A_4, %get3A_5, %get3A_6] : memref<1x2000x128xf32, #tpu.memory_space<vmem>>, vector<1x2000x128xf32>
    %get3A_8 = vector.shape_cast %get3A_7 : vector<1x2000x128xf32> to vector<2000x128xf32>
    %get3A_9 = arith.constant 0 : index
    %get3A_10 = arith.constant 0 : index
    %get3A_11 = arith.constant 0 : index
    %get3A_12 = vector.load %arg2[%get3A_9, %get3A_10, %get3A_11] : memref<1x2000x128xf32, #tpu.memory_space<vmem>>, vector<1x2000x128xf32>
    %get3A_13 = vector.shape_cast %get3A_12 : vector<1x2000x128xf32> to vector<2000x128xf32>
    %add3A = arith.addf %get3A_8, %get3A_13 : vector<2000x128xf32>
    %get3A_14 = arith.constant 0 : index
    %get3A_15 = arith.constant 0 : index
    %get3A_16 = vector.load %arg3[%get3A_14, %get3A_15] : memref<2000x128xf32, #tpu.memory_space<vmem>>, vector<2000x128xf32>
    %sub3A = arith.subf %add3A, %get3A_16 : vector<2000x128xf32>
    %mul3A = vector.broadcast %broadcast_in_dim3A : vector<2000x1xf32> to vector<2000x128xf32>
    %mul3A_17 = arith.mulf %sub3A, %mul3A : vector<2000x128xf32>
    %get3A_18 = arith.constant 0 : index
    %get3A_19 = arith.constant 0 : index
    %get3A_20 = vector.load %arg5[%get3A_18, %get3A_19] : memref<1x128xf32, #tpu.memory_space<vmem>>, vector<1x128xf32>
    %add3A_21 = vector.broadcast %get3A_20 : vector<1x128xf32> to vector<2000x128xf32>
    %add3A_22 = arith.addf %mul3A_17, %add3A_21 : vector<2000x128xf32>
    %max3A = arith.constant 0.000000e+00 : f32
    %max3A_23 = vector.broadcast %max3A : f32 to vector<2000x128xf32>
    %max3A_24 = arith.maximumf %add3A_22, %max3A_23 : vector<2000x128xf32>
    %get3A_25 = arith.constant 0 : index
    %get3A_26 = arith.constant 0 : index
    %get3A_27 = vector.load %arg6[%get3A_25, %get3A_26] : memref<128x128xf32, #tpu.memory_space<vmem>>, vector<128x128xf32>
    %dot_general3A = arith.constant dense<0.000000e+00> : vector<2000x128xf32>
    %dot_general3A_28 = tpu.matmul %max3A_24, %get3A_27, %dot_general3A {dimension_numbers = #tpu.dot_dimension_numbers<[1], [0], [0], [1], [0, 0, 1, 1], [], []>, transpose_lhs_hint = false} : vector<2000x128xf32>, vector<128x128xf32>, vector<2000x128xf32> -> vector<2000x128xf32>
    %mul3A_29 = vector.broadcast %broadcast_in_dim3A : vector<2000x1xf32> to vector<2000x128xf32>
    %mul3A_30 = arith.mulf %dot_general3A_28, %mul3A_29 : vector<2000x128xf32>
    %swap3A = arith.constant 0 : index
    %swap3A_31 = arith.constant 0 : index
    %swap3A_32 = vector.load %arg7[%swap3A, %swap3A_31] : memref<2000x128xf32, #tpu.memory_space<vmem>>, vector<2000x128xf32>
    tpu.vector_store %arg7[%swap3A, %swap3A_31], %mul3A_30 {strides = array<i32>} : memref<2000x128xf32, #tpu.memory_space<vmem>>, vector<2000x128xf32>,
    return
  }
  func.func @transform_0(%arg0: i32) -> (i32, i32, i32) {
    %c0_i32 = arith.constant 0 : i32
    %c0_i32_0 = arith.constant 0 : i32
    %c0_i32_1 = arith.constant 0 : i32
    return %c0_i32, %arg0, %c0_i32_0 : i32, i32, i32
  }
  func.func @transform_1(%arg0: i32) -> (i32, i32, i32) {
    %c1_i32 = arith.constant 1 : i32
    %c0_i32 = arith.constant 0 : i32
    %c0_i32_0 = arith.constant 0 : i32
    return %c1_i32, %arg0, %c0_i32 : i32, i32, i32
  }
  func.func @transform_2(%arg0: i32) -> (i32, i32) {
    %c0_i32 = arith.constant 0 : i32
    %c0_i32_0 = arith.constant 0 : i32
    return %arg0, %c0_i32 : i32, i32
  }
  func.func @transform_3(%arg0: i32) -> (i32, i32, i32) {
    %c0_i32 = arith.constant 0 : i32
    %c0_i32_0 = arith.constant 0 : i32
    %c0_i32_1 = arith.constant 0 : i32
    return %arg0, %c0_i32, %c0_i32_0 : i32, i32, i32
  }
  func.func @transform_4(%arg0: i32) -> (i32, i32) {
    %c0_i32 = arith.constant 0 : i32
    %c0_i32_0 = arith.constant 0 : i32
    %c0_i32_1 = arith.constant 0 : i32
    return %c0_i32, %c0_i32_0 : i32, i32
  }
  func.func @transform_5(%arg0: i32) -> (i32, i32) {
    %c0_i32 = arith.constant 0 : i32
    %c0_i32_0 = arith.constant 0 : i32
    %c0_i32_1 = arith.constant 0 : i32
    return %c0_i32, %c0_i32_0 : i32, i32
  }
  func.func @transform_6(%arg0: i32) -> (i32, i32) {
    %c0_i32 = arith.constant 0 : i32
    %c0_i32_0 = arith.constant 0 : i32
    return %arg0, %c0_i32 : i32, i32
  }
}

module attributes {stable_mosaic.version = 14 : i64} {
  func.func @_d3_body(%arg0: i32, %arg1: memref<1x2000x128xf32, #tpu.memory_space<vmem>>, %arg2: memref<1x2000x128xf32, #tpu.memory_space<vmem>>, %arg3: memref<2000x128xf32, #tpu.memory_space<vmem>>, %arg4: memref<1x1x2000xf32, #tpu.memory_space<vmem>>, %arg5: memref<1x128xf32, #tpu.memory_space<vmem>>, %arg6: memref<2000x128xf32, #tpu.memory_space<vmem>>) attributes {dimension_semantics = [#tpu.dimension_semantics<arbitrary>], iteration_bounds = array<i64: 5>, scalar_prefetch = 0 : i64, scratch_operands = 0 : i64, tpu.core_type = #tpu.core_type<tc>, window_params = [{transform_indices = @transform_0, window_bounds = array<i64: 1, 2000, 128>}, {transform_indices = @transform_1, window_bounds = array<i64: 1, 2000, 128>}, {transform_indices = @transform_2, window_bounds = array<i64: 2000, 128>}, {transform_indices = @transform_3, window_bounds = array<i64: 1, 1, 2000>}, {pipeline_mode = #tpu.pipeline_mode<synchronous>, transform_indices = @transform_4, window_bounds = array<i64: 1, 128>}, {transform_indices = @transform_5, window_bounds = array<i64: 2000, 128>}]} {
    %get3A = arith.constant 0 : index
    %get3A_0 = arith.constant 0 : index
    %get3A_1 = arith.constant 0 : index
    %get3A_2 = vector.load %arg4[%get3A, %get3A_0, %get3A_1] : memref<1x1x2000xf32, #tpu.memory_space<vmem>>, vector<1x1x2000xf32>
    %get3A_3 = vector.shape_cast %get3A_2 : vector<1x1x2000xf32> to vector<2000xf32>
    %rsqrt3A = math.rsqrt %get3A_3 : vector<2000xf32>
    %broadcast_in_dim3A = vector.shape_cast %rsqrt3A : vector<2000xf32> to vector<2000x1xf32>
    %get3A_4 = arith.constant 0 : index
    %get3A_5 = arith.constant 0 : index
    %get3A_6 = arith.constant 0 : index
    %get3A_7 = vector.load %arg1[%get3A_4, %get3A_5, %get3A_6] : memref<1x2000x128xf32, #tpu.memory_space<vmem>>, vector<1x2000x128xf32>
    %get3A_8 = vector.shape_cast %get3A_7 : vector<1x2000x128xf32> to vector<2000x128xf32>
    %get3A_9 = arith.constant 0 : index
    %get3A_10 = arith.constant 0 : index
    %get3A_11 = arith.constant 0 : index
    %get3A_12 = vector.load %arg2[%get3A_9, %get3A_10, %get3A_11] : memref<1x2000x128xf32, #tpu.memory_space<vmem>>, vector<1x2000x128xf32>
    %get3A_13 = vector.shape_cast %get3A_12 : vector<1x2000x128xf32> to vector<2000x128xf32>
    %add3A = arith.addf %get3A_8, %get3A_13 : vector<2000x128xf32>
    %get3A_14 = arith.constant 0 : index
    %get3A_15 = arith.constant 0 : index
    %get3A_16 = vector.load %arg3[%get3A_14, %get3A_15] : memref<2000x128xf32, #tpu.memory_space<vmem>>, vector<2000x128xf32>
    %sub3A = arith.subf %add3A, %get3A_16 : vector<2000x128xf32>
    %mul3A = vector.broadcast %broadcast_in_dim3A : vector<2000x1xf32> to vector<2000x128xf32>
    %mul3A_17 = arith.mulf %sub3A, %mul3A : vector<2000x128xf32>
    %get3A_18 = arith.constant 0 : index
    %get3A_19 = arith.constant 0 : index
    %get3A_20 = vector.load %arg5[%get3A_18, %get3A_19] : memref<1x128xf32, #tpu.memory_space<vmem>>, vector<1x128xf32>
    %add3A_21 = vector.broadcast %get3A_20 : vector<1x128xf32> to vector<2000x128xf32>
    %add3A_22 = arith.addf %mul3A_17, %add3A_21 : vector<2000x128xf32>
    %reduce_max3A = arith.constant dense<0xFF800000> : vector<2000xf32>
    %reduce_max3A_23 = vector.multi_reduction <maximumf>, %add3A_22, %reduce_max3A [1] : vector<2000x128xf32> to vector<2000xf32>
    %broadcast_in_dim3A_24 = vector.shape_cast %reduce_max3A_23 : vector<2000xf32> to vector<2000x1xf32>
    %sub3A_25 = vector.broadcast %broadcast_in_dim3A_24 : vector<2000x1xf32> to vector<2000x128xf32>
    %sub3A_26 = arith.subf %add3A_22, %sub3A_25 : vector<2000x128xf32>
    %exp3A = math.exp %sub3A_26 : vector<2000x128xf32>
    %reduce_sum3A = arith.constant dense<0.000000e+00> : vector<2000xf32>
    %reduce_sum3A_27 = vector.multi_reduction <add>, %exp3A, %reduce_sum3A [1] : vector<2000x128xf32> to vector<2000xf32>
    %broadcast_in_dim3A_28 = vector.shape_cast %reduce_sum3A_27 : vector<2000xf32> to vector<2000x1xf32>
    %log3A = math.log %broadcast_in_dim3A_28 : vector<2000x1xf32>
    %sub3A_29 = vector.broadcast %log3A : vector<2000x1xf32> to vector<2000x128xf32>
    %sub3A_30 = arith.subf %sub3A_26, %sub3A_29 : vector<2000x128xf32>
    %swap3A = arith.constant 0 : index
    %swap3A_31 = arith.constant 0 : index
    %swap3A_32 = vector.load %arg6[%swap3A, %swap3A_31] : memref<2000x128xf32, #tpu.memory_space<vmem>>, vector<2000x128xf32>
    tpu.vector_store %arg6[%swap3A, %swap3A_31], %sub3A_30 {strides = array<i32>} : memref<2000x128xf32, #tpu.memory_space<vmem>>, vector<2000x128xf32>,
    return
  }
  func.func @transform_0(%arg0: i32) -> (i32, i32, i32) {
    %c0_i32 = arith.constant 0 : i32
    %c0_i32_0 = arith.constant 0 : i32
    %c0_i32_1 = arith.constant 0 : i32
    return %c0_i32, %arg0, %c0_i32_0 : i32, i32, i32
  }
  func.func @transform_1(%arg0: i32) -> (i32, i32, i32) {
    %c1_i32 = arith.constant 1 : i32
    %c0_i32 = arith.constant 0 : i32
    %c0_i32_0 = arith.constant 0 : i32
    return %c1_i32, %arg0, %c0_i32 : i32, i32, i32
  }
  func.func @transform_2(%arg0: i32) -> (i32, i32) {
    %c0_i32 = arith.constant 0 : i32
    %c0_i32_0 = arith.constant 0 : i32
    return %arg0, %c0_i32 : i32, i32
  }
  func.func @transform_3(%arg0: i32) -> (i32, i32, i32) {
    %c0_i32 = arith.constant 0 : i32
    %c0_i32_0 = arith.constant 0 : i32
    %c0_i32_1 = arith.constant 0 : i32
    return %arg0, %c0_i32, %c0_i32_0 : i32, i32, i32
  }
  func.func @transform_4(%arg0: i32) -> (i32, i32) {
    %c0_i32 = arith.constant 0 : i32
    %c0_i32_0 = arith.constant 0 : i32
    %c0_i32_1 = arith.constant 0 : i32
    return %c0_i32, %c0_i32_0 : i32, i32
  }
  func.func @transform_5(%arg0: i32) -> (i32, i32) {
    %c0_i32 = arith.constant 0 : i32
    %c0_i32_0 = arith.constant 0 : i32
    return %arg0, %c0_i32 : i32, i32
  }
}

</mosaic_0001>

<sc_bundles>
// kernel: kernel.12.cloned.1.call-start
scs
__scs_entry_jumppad:
0x0: {  	(pc) =	sbr.rel $0x88, $3  }
0x1: {  	(tag) =	ssettag $0x0;
	lr =	simm.s32 $0x1  }
0x2: {  	[smem:$0x3F9B] =	sst lr;
	_ =	strace $0xD0000000  }
0x3: {  	_ = 	snop  }
0x4: {  	_ = 	snop  }
0x5: {  	_ = 	snop  }
0x6: {  	_ = 	snop  }
0x7: {  	_ = 	snop  }
__scs_overlays_trampoline_lowered:
0x8: {  	[smem:$0x3FAA] =	sst s0  }
0x9: {  	[smem:$0x3FAB] =	sst s1  }
0xa: {  	[smem:$0x3FAC] =	sst s2  }
0xb: {  	[smem:$0x3FAD] =	sst s3  }
0xc: {  	[smem:$0x3FAE] =	sst s4  }
0xd: {  	[smem:$0x3FAF] =	sst s5  }
0xe: {  	[smem:$0x3FB0] =	sst s6  }
0xf: {  	[smem:$0x3FB1] =	sst s7  }
0x10: {  	[smem:$0x3FB2] =	sst s8  }
0x11: {  	[smem:$0x3FB3] =	sst s9;
	s0 =	simm.s32 @!p0 $0x0  }
0x12: {  	s1 =	sld [smem:$0x3F99];
	s0 =	simm.s32 @p0 $0x1  }
0x13: {  	[smem:$0x3FB4] =	sst s0;
	s0 =	simm.s32 @!p1 $0x0  }
0x14: {  	s2 =	sld [smem:$0x3F98];
	s0 =	simm.s32 @p1 $0x1  }
0x15: {  	[smem:$0x3FB5] =	sst s0;
	s0 =	simm.s32 @!p2 $0x0  }
0x16: {  	s3 =	sld [smem:$0x3FDB];
	s0 =	simm.s32 @p2 $0x1  }
0x17: {  	s4 =	simm.s32 $0x1BF5;
	[smem:$0x3FB7] =	sst s0  }
0x18: {  	s0 =	sld [smem:$0x3F9A];
	_ =	swait.ge [sflag:s4], $0x0  }
0x19: {  	s7 =	sld [smem:$0x3F9B]  }
0x1a: {  	s8 =	sadd.s32 $0xFFFFE003, lr  }
0x1b: {  	s9 =	sadd.s32 $0xFFFFFEF7, lr;
	s5 =	simm.s32 $0xFFFFFFFF;
	p2 =	slt.u32 s8, $0xFFFFF086  }
0x1c: {  	p1 =	slt.u32 s9, $0xF7A;
	s5 =	simm.s32 @!p2 $0x0  }
0x1d: {  	s5 =	simm.s32 @p1 $0x1;
	p0 =	seq.s32 s7, s2  }
0x1e: {  	s7 =	smul.u32 @!p0 $0xF7A, s2;
	p2 =	seq.s32 @!p0 s5, $0x0  }
0x1f: {  	s9 =	smul.u32 $0xF7A, s1;
	s8 =	simm.s32 @!p0 $0x1BF5;
	p2 =	por !p2, p0  }
0x20: {  	[sflag:s8] =	ssyncset.s32 @!p0 $0xFFFFF086;
	s6 =	sadd.s32 @!p0 s3, s7;
	s7 =	simm.s32 @!p0 $0x108  }
0x21: {  	s3 =	sadd.s32 s3, s9;
	s6 =	sadd.s32 @!p0 $0x88, s6;
	s7 =	simm.s32 @p2 $0x1082  }
0x22: {  	[simem:s7], [sflag:s8] =	dma.local @!p0 [hbm:s6], $0xF7A  }
0x23: {  	s9 =	sor.u32 $0xD0000000, s2;
	s6 =	simm.s32 $0x108;
	_ =	swait.ge @!p0 [sflag:s8], $0x0  }
0x24: {  	s3 =	sadd.s32 $0x88, s3;
	s6 =	simm.s32 @!p1 $0x1082;
	[sflag:s4] =	ssyncset.s32 $0xFFFFF086  }
0x25: {  	[simem:s6], [sflag:s4] =	dma.local [hbm:s3], $0xF7A  }
0x26: {  	[smem:$0x3F9B] =	sst s1;
	(tag) =	ssettag s2;
	_ =	strace s9  }
0x27: {  	s1 =	sld [smem:$0x3FAB]  }
0x28: {  	s2 =	sld [smem:$0x3FAC]  }
0x29: {  	s4 =	sld [smem:$0x3FAE]  }
0x2a: {  	p0 =	seq.s32 s5, $0x0;
	s5 =	sld [smem:$0x3FAF]  }
0x2b: {  	s6 =	sld [smem:$0x3FB0]  }
0x2c: {  	s7 =	sld [smem:$0x3FB1]  }
0x2d: {  	s3 =	simm.s32 $0x108;
	s8 =	sld [smem:$0x3FB2]  }
0x2e: {  	s3 =	simm.s32 @!p0 $0x1082;
	s9 =	sld [smem:$0x3FB3]  }
0x2f: {  	lr =	sadd.s32 s0, s3;
	s0 =	sld [smem:$0x3FAA]  }
0x30: {  	s3 =	sld [smem:$0x3FAD]  }
0x31: {  	[smem:$0x3FB6] =	sst s10  }
0x32: {  	s10 =	sld [smem:$0x3FB4];
	_ =	sdelay $0x3  }
0x33: {  	p0 =	seq.s32 s10, $0x1;
	s10 =	sld [smem:$0x3FB6];
	_ =	sdelay $0x3  }
0x34: {  	[smem:$0x3FB6] =	sst s10  }
0x35: {  	s10 =	sld [smem:$0x3FB5];
	_ =	sdelay $0x3  }
0x36: {  	p1 =	seq.s32 s10, $0x1;
	s10 =	sld [smem:$0x3FB6];
	_ =	sdelay $0x3  }
0x37: {  	[smem:$0x3FB6] =	sst s10  }
0x38: {  	s10 =	sld [smem:$0x3FB7]  }
0x39: {  	_ = 	snop;
	(pc) =	sbr.ind lr, $3  }
0x3a: {  	_ = 	snop  }
0x3b: {  	_ = 	snop  }
0x3c: {  	p2 =	seq.s32 s10, $0x1;
	s10 =	sld [smem:$0x3FB6]  }
0x3d: {  	_ =	shalt  }
0x3e: {  	_ =	shalt  }
0x3f: {  	_ =	shalt  }
0x40: {  	_ =	shalt  }
0x41: {  	_ =	shalt  }
0x42: {  	_ =	shalt  }
0x43: {  	_ =	shalt  }
0x44: {  	_ =	shalt  }
0x45: {  	_ =	shalt  }
0x46: {  	_ =	shalt  }
0x47: {  	_ =	shalt  }
0x48: {  	_ =	shalt  }
0x49: {  	_ =	shalt  }
0x4a: {  	_ =	shalt  }
0x4b: {  	_ =	shalt  }
0x4c: {  	_ =	shalt  }
0x4d: {  	_ =	shalt  }
0x4e: {  	_ =	shalt  }
0x4f: {  	_ =	shalt  }
0x50: {  	_ =	shalt  }
0x51: {  	_ =	shalt  }
0x52: {  	_ =	shalt  }
0x53: {  	_ =	shalt  }
0x54: {  	_ =	shalt  }
0x55: {  	_ =	shalt  }
0x56: {  	_ =	shalt  }
0x57: {  	_ =	shalt  }
0x58: {  	_ =	shalt  }
0x59: {  	_ =	shalt  }
0x5a: {  	_ =	shalt  }
0x5b: {  	_ =	shalt  }
0x5c: {  	_ =	shalt  }
0x5d: {  	_ =	shalt  }
0x5e: {  	_ =	shalt  }
0x5f: {  	_ =	shalt  }
0x60: {  	_ =	shalt  }
0x61: {  	_ =	shalt  }
0x62: {  	_ =	shalt  }
0x63: {  	_ =	shalt  }
0x64: {  	_ =	shalt  }
0x65: {  	_ =	shalt  }
0x66: {  	_ =	shalt  }
0x67: {  	_ =	shalt  }
0x68: {  	_ =	shalt  }
0x69: {  	_ =	shalt  }
0x6a: {  	_ =	shalt  }
0x6b: {  	_ =	shalt  }
0x6c: {  	_ =	shalt  }
0x6d: {  	_ =	shalt  }
0x6e: {  	_ =	shalt  }
0x6f: {  	_ =	shalt  }
0x70: {  	_ =	shalt  }
0x71: {  	_ =	shalt  }
0x72: {  	_ =	shalt  }
0x73: {  	_ =	shalt  }
0x74: {  	_ =	shalt  }
0x75: {  	_ =	shalt  }
0x76: {  	_ =	shalt  }
0x77: {  	_ =	shalt  }
0x78: {  	_ =	shalt  }
0x79: {  	_ =	shalt  }
0x7a: {  	_ =	shalt  }
0x7b: {  	_ =	shalt  }
0x7c: {  	_ =	shalt  }
0x7d: {  	_ =	shalt  }
0x7e: {  	_ =	shalt  }
0x7f: {  	_ =	shalt  }
0x80: {  	_ =	shalt  }
0x81: {  	_ =	shalt  }
0x82: {  	_ =	shalt  }
0x83: {  	_ =	shalt  }
0x84: {  	_ =	shalt  }
0x85: {  	_ =	shalt  }
0x86: {  	_ =	shalt  }
0x87: {  	_ =	shalt  }
.Lfunc_end0:
.L_simem_size_0:
called_computation.1_lowered:
.L_overlay_start_0:
0x88: {  	s2 =	sld [smem:$0x3FD9]  }
0x89: {  	s3 =	sld [smem:$0x3FFE];
	_ =	sdelay $0x1  }
0x8a: {  	s1 =	srdreg.scid  }
0x8b: {  	s0 =	sand.u32 $0x1, s1  }
0x8c: {  	s17 =	sshll.u32 s0, $0xA;
	s2 =	sadd.s32 s3, s2  }
0x8d: {  	s2 =	sadd.s32 s2, s17  }
0x8e: {  	[smem:$0x3FC2] =	sst s2  }
0x8f: {  	_ = 	snop  }
0x90: {  	s2 =	sld [smem:$0x3FD0];
	(tm) =	ssettm $0x1  }
0x91: {  	s18 =	sld [smem:$0x3FFB];
	_ =	sdelay $0x3  }
0x92: {  	_ =	strace s18  }
0x93: {  	s3 =	sld [smem:$0x3FFC];
	_ =	sdelay $0x3  }
0x94: {  	_ =	strace s3  }
0x95: {  	s3 =	sld [smem:$0x3FFD];
	_ =	sdelay $0x3  }
0x96: {  	_ =	strace s3  }
0x97: {  	_ =	strace $0x8FFFFFFF  }
0x98: {  	s19 =	sld [smem:$0x3FDB];
	_ =	sdelay $0x1  }
0x99: {  	s4 =	simm.s32 $_scs_section_size  }
0x9a: {  	s5 =	simm.s32 $_size__tile_overlayer_lowered;
	s6 =	simm.s32 $_tile_overlayer_lowered  }
0x9b: {  	s22 =	simm.s32 $0x1BFF;
	s21 =	sshll.u32 s6, $0x1;
	s3 =	sadd.s32 s4, s19  }
0x9c: {  	s7 =	simm.s32 $0x0;
	s20 =	sshll.u32 s5, $0x1;
	s5 =	sadd.s32 s21, s3  }
0x9d: {  	[timem:s7], [sflag:s22] =	dma.local [hbm:s5], s20  }
0x9e: {  	_ =	swait.ge [sflag:s22], s20  }
0x9f: {  	s4 =	ssub.s32 $0x0, s20;
	[sflag:s22] =	ssyncset.done $0x0  }
0xa0: {  	[sflag:s22] =	ssyncadd.s32 s4;
	_ =	sdelay $0x1  }
0xa1: {  	s23 =	simm.s32 $0x1B8B  }
0xa2: {  	_ =	swait.ge [sflag:s23], $0x1  }
0xa3: {  	[sflag:s23] =	ssyncset.done $0x0  }
0xa4: {  	s25 =	simm.s32 $0x1B8E;
	s24 =	sld [smem:$0x3FFE];
	[sflag:s23] =	ssyncadd.s32 $0xFFFFFFFF  }
0xa5: {  	s26 =	simm.s32 $execute0_lowered;
	[smem:$0x3FD2] =	sst s25  }
0xa6: {  	s5 =	sshll.u32 s26, $0x1;
	_ =	strace $0x80000049;
	[dreg:$0x1] =	wrdreg $0xFFFFFFFF  }
0xa7: {  	s28 =	simm.s32 $_size_execute0_lowered;
	s3 =	sadd.s32 s3, s5;
	[dreg:$0x0] =	wrdreg $0x0  }
0xa8: {  	s5 =	sshll.u32 s28, $0x1;
	[dreg:$0x2] =	wrdreg s3  }
0xa9: {  	[dreg:$0x3] =	wrdreg s5  }
0xaa: {  	[dreg:$0x4] =	wrdreg $0xC0  }
0xab: {  	_ =	task [dreg:s7], $0x5FFFF  }
0xac: {  	[dreg:$0x1] =	wrdreg $0xFFFFFFFF  }
0xad: {  	[dreg:$0x0] =	wrdreg $0x60  }
0xae: {  	[dreg:$0x2] =	wrdreg s2  }
0xaf: {  	[dreg:$0x3] =	wrdreg s24  }
0xb0: {  	[dreg:$0x4] =	wrdreg $0x91000  }
0xb1: {  	[dreg:$0x5] =	wrdreg $0x9  }
0xb2: {  	_ =	task.clear_ibuf [dreg:s7], $0x6FFFF;
	_ =	strace $0x90000049  }
0xb3: {  	s29 =	simm.s32 $0x9;
	_ =	strace $0x8000004B  }
0xb4: {  	_ =	swait.ge [sflag:s29], $0x1  }
0xb5: {  	[sflag:s29] =	ssyncadd.s32 $0xFFFFFFFF  }
0xb6: {  	_ =	strace $0x9000004B  }
0xb7: {  	_ =	sfence  }
0xb8: {  	s30 =	sld [smem:$0x0];
	_ =	sdelay $0x2  }
0xb9: {  	s31 =	sshll.u32 s1, $0xD;
	s1 =	sshrl.u32 s1, $0x2  }
0xba: {  	s3 =	sand.u32 $0x4000, s31;
	s1 =	sadd.s32 s1, s30  }
0xbb: {  	s0 =	sor.u32 s3, s0;
	s1 =	sshll.u32 s1, $0x11  }
0xbc: {  	s0 =	sor.u32 s1, s0  }
0xbd: {  	s0 =	sadd.s32 $0x8F2B, s0  }
0xbe: {  	[sflag:s0] =	ssyncadd.remote.s32 $0x1  }
0xbf: {  	_ =	sfence.sel $0xFFFF  }
0xc0: {  	[dreg:$0x0] =	wrdreg $0xFFFFFFFF;
	(pc) =	sbr.abs _section_cstart, $3  }
0xc1: {  	[dreg:$0x1] =	wrdreg $0xFFFFFFFF  }
0xc2: {  	_ =	task.clear_ibuf [dreg:s7], $0x2FFFF;
	_ =	strace $0x9FFFFFFF  }
0xc3: {  	(tm) =	ssettm $0x7FFFFFFF  }
tec
execute0_lowered:
.L_overlay_start_1:
0x0: {  	(tag) =	ssettag $0x1  }
0x1: {  	s1 =	rddreg [dreg:$0x0]  }
0x2: {  	s0 =	rddreg [dreg:$0x1]  }
0x3: {  	s3 =	rddreg [dreg:$0x2];
	s4 =	simm.s32 $0x0;
	s19 =	stileid.u32  }
0x4: {  	s2 =	srdreg.scid;
	s18 =	simm.s32 $0x4;
	s20 =	simm.s32 $0x80  }
0x5: {  	s21 =	simm.s32 $0x1100;
	s22 =	simm.s32 $0x3;
	s23 =	simm.s32 $0x5100  }
0x6: {  	s24 =	simm.s32 $0x1;
	s25 =	simm.s32 $0x2;
	s30 =	simm.s32 $0x0  }
0x7: {  	[smem:$0x7FF] =	sst s4;
	s5 =	smul.u32 $0x280, s19;
	s2 =	sand.u32 $0x1, s2  }
0x8: {  	s6 =	sshll.u32 s19, $0x1;
	p0 =	sgt.u32 s19, $0x1;
	_ =	strace $0x8000004A  }
0x9: {  	s7 =	smul.u32 $0x138800, s2;
	s9 =	sor.u32 s2, s6;
	s6 =	sadd.s32 $0x2A00, s0  }
0xa: {  	s2 =	ssub.s32 $0x2, s2;
	s8 =	smin.u32 s5, $0x2490;
	s5 =	sadd.s32 $0xCC00, s0  }
0xb: {  	s11 =	sshll.u32 s9, $0x4;
	s29 =	sshrl.u32 s2, $0x1;
	s10 =	sshll.u32 s8, $0x7  }
0xc: {  	s14 =	sadd.s32 s11, s0;
	s2 =	ssub.s32 s2, s29;
	s8 =	sshll.u32 s8, $0x4  }
0xd: {  	s7 =	sadd.s32 s7, s10;
	s17 =	sadd.s32 s10, s3;
	s8 =	sadd.s32 s1, s8  }
0xe: {  	s13 =	sadd.s32 $0x16C00, s14;
	s14 =	sadd.s32 $0xCA00, s14;
	s7 =	sshrl.u32 s7, $0x3  }
0xf: {  	s16 =	smax.u32 s2, $0x1;
	s0 =	sadd.s32 s7, s0;
	s7 =	smul.u32 $0x2800, s9  }
0x10: {  	[dreg:$0x4] =	wrdreg s8;
	s17 =	sshrl.u32 s17, $0x3;
	s9 =	sshll.u32 s19, $0x6  }
0x11: {  	s31 =	sor.u32 $0x1C03, s9;
	s15 =	sadd.s32 $0x16E00, s0;
	s12 =	sshrl.u32 s7, $0x3  }
0x12: {  	[dreg:$0x5] =	wrdreg s31;
	s11 =	sadd.s32 s5, s12;
	s12 =	sadd.s32 s6, s12  }
.LBB2_1:
0x13: {  	s0 =	rddreg [dreg:$0x4]  }
0x14: {  	s2 =	rddreg [dreg:$0x5]  }
0x15: {  	[spmem:s17], [sflag:s2] =	dma.local [hbm:s0], $0x2800  }
0x16: {  	[tilespmem:s4], [sflag:$0x4] =	stream.linear.gather [hbm4b:s11+s4], $0x400, $0x38;
	[tilespmem:$0x1C980] =	vst v63  }
0x17: {  	_ =	swait.ge [sflag:s18], $0x400  }
0x18: {  	[sflag:s18] =	ssyncset.done $0x0  }
0x19: {  	s29 =	simm.s32 $0x800;
	[sflag:s18] =	ssyncadd.s32 $0xFFFFFC00  }
0x1a: {  	[tilespmem:s29], [sflag:$0x4] =	stream.linear.gather [hbm4b:s12+s4], $0x400, $0x38;
	[tilespmem:$0x1C980] =	vst v63  }
0x1b: {  	_ =	swait.ge [sflag:s18], $0x400  }
0x1c: {  	[sflag:s18] =	ssyncset.done $0x0  }
0x1d: {  	[sflag:s18] =	ssyncadd.s32 $0xFFFFFC00  }
0x1e: {  	[tilespmem:s21], [sflag:$0x1] =	stream.indirect.gather [hbm4b:s1+s20], $0x80, s4, s20, $0xb8;
	[tilespmem:$0x1C980] =	vst v63  }
0x1f: {  	_ =	swait.ge [sflag:s22], $0x2800  }
0x20: {  	[sflag:s22] =	ssyncset.done $0x0  }
0x21: {  	s31 =	simm.s32 $0x400;
	s19 =	simm.s32 $0x0;
	[sflag:s22] =	ssyncadd.s32 $0xFFFFD800  }
0x22: {  	s0 =	simm.s32 $0x0;
	s2 =	simm.s32 $0x0;
	[bflag:$0x0] =	sbarrier.arrive $0xFFFF  }
.LBB2_2:
0x23: {  	s26 =	sand.u32 $0x6, s0;
	p1 =	sgt.u32 s19, $0x23  }
0x24: {  	p2 =	seq.s32 @!p1 s26, $0x0  }
0x25: {  	s28 =	sand.u32 $0x400, s2;
	p1 =	por p1, !p2  }
0x26: {  	s28 =	sadd.s32 @!p1 $0x400, s2  }
0x27: {  	s28 =	sand.u32 @!p1 $0x7C00, s28  }
0x28: {  	s29 =	sadd.s32 @!p1 s7, s28  }
0x29: {  	s28 =	sand.u32 @!p1 $0x400, s2;
	s29 =	sshrl.u32 @!p1 s29, $0x3  }
0x2a: {  	s8 =	sxor.u32 @!p1 $0x400, s28;
	s10 =	sadd.s32 @!p1 s5, s29  }
0x2b: {  	[tilespmem:s8], [sflag:$0x4] =	stream.linear.gather @!p1 [hbm4b:s10+s4], $0x400, $0x38;
	[tilespmem:$0x1C980] =	vst v63  }
0x2c: {  	_ =	swait.ge @!p1 [sflag:s18], $0x400  }
0x2d: {  	[sflag:s18] =	ssyncset.done @!p1 $0x0  }
0x2e: {  	s8 =	sor.u32 @!p1 $0x800, s8;
	s10 =	sadd.s32 @!p1 s6, s29;
	[sflag:s18] =	ssyncadd.s32 @!p1 $0xFFFFFC00  }
0x2f: {  	[tilespmem:s8], [sflag:$0x4] =	stream.linear.gather @!p1 [hbm4b:s10+s4], $0x400, $0x38;
	[tilespmem:$0x1C980] =	vst v63  }
0x30: {  	_ =	swait.ge @!p1 [sflag:s18], $0x400  }
0x31: {  	s8 =	sand.u32 $0x700, s2;
	[sflag:s18] =	ssyncset.done @!p1 $0x0  }
0x32: {  	s29 =	sor.u32 $0x80, s8;
	[sflag:s18] =	ssyncadd.s32 @!p1 $0xFFFFFC00  }
0x33: {  	[tilespmem:s23], [sflag:$0x2] =	stream.indirect.gather [hbm4b:s1+s20], $0x80, s29, s20, $0xb8;
	[tilespmem:$0x1C980] =	vst v63  }
0x34: {  	s26 =	sshll.u32 s26, $0x7;
	_ =	swait.ge [sflag:s24], $0x4000  }
0x35: {  	s10 =	sadd.s32 s26, s28;
	[sflag:s24] =	ssyncset.done $0x0  }
0x36: {  	s10 =	sadd.s32 $0x800, s10;
	[sflag:s24] =	ssyncadd.s32 $0xFFFFC000  }
0x37: {  	[spmem:s3] =	stream.indirect.scatter.add.f32 [tilespmem:s21], [sflag:$0x4], $0x80, s10, s20, $0xb8;
	[tilespmem:$0x1C980] =	vst v63  }
0x38: {  	s2 =	sadd.s32 $0x100, s2;
	s28 =	sand.u32 $0xC00, s31;
	_ =	swait.ge [sflag:s18], $0x4000  }
0x39: {  	s29 =	sand.u32 $0x400, s2;
	s10 =	sshrl.u32 s28, $0x2;
	[sflag:s18] =	ssyncset.done $0x0  }
0x3a: {  	s10 =	sor.u32 s10, s29;
	[sflag:s18] =	ssyncadd.s32 $0xFFFFC000  }
0x3b: {  	[tilespmem:s21], [sflag:$0x1] =	stream.indirect.gather [hbm4b:s1+s20], $0x80, s10, s20, $0xb8;
	[tilespmem:$0x1C980] =	vst v63  }
0x3c: {  	_ =	swait.ge [sflag:s25], $0x4000  }
0x3d: {  	p1 =	sne.s32 s2, $0x2600;
	[sflag:s25] =	ssyncset.done $0x0  }
.Ltmp0:
0x3e: {  	s8 =	sor.u32 $0x880, s8;
	[sflag:s25] =	ssyncadd.s32 $0xFFFFC000;
	(pc) =	sbr.rel @p1 .LBB2_2-.Ltmp0, $4  }
0x3f: {  	[spmem:s3] =	stream.indirect.scatter.add.f32 [tilespmem:s23], [sflag:$0x4], $0x80, s8, s20, $0xb8;
	[tilespmem:$0x1C980] =	vst v63  }
0x40: {  	_ =	swait.ge [sflag:s18], $0x4000  }
0x41: {  	s19 =	sadd.s32 $0x1, s19;
	[sflag:s18] =	ssyncset.done $0x0  }
0x42: {  	s0 =	sadd.s32 $0x2, s0;
	s31 =	sadd.s32 $0x400, s31;
	[sflag:s18] =	ssyncadd.s32 $0xFFFFC000  }
0x43: {  	s0 =	simm.s32 $0x680  }
0x44: {  	[tilespmem:s23], [sflag:$0x2] =	stream.indirect.gather [hbm4b:s1+s20], $0x80, s0, s20, $0xb8;
	[tilespmem:$0x1C980] =	vst v63  }
0x45: {  	_ =	swait.ge [sflag:s24], $0x4000  }
0x46: {  	[sflag:s24] =	ssyncset.done $0x0  }
0x47: {  	s28 =	simm.s32 $0xE00;
	[sflag:s24] =	ssyncadd.s32 $0xFFFFC000  }
0x48: {  	[spmem:s3] =	stream.indirect.scatter.add.f32 [tilespmem:s21], [sflag:$0x4], $0x80, s28, s20, $0xb8;
	[tilespmem:$0x1C980] =	vst v63  }
0x49: {  	_ =	swait.ge [sflag:s18], $0x4000  }
0x4a: {  	[sflag:s18] =	ssyncset.done $0x0  }
0x4b: {  	[sflag:s18] =	ssyncadd.s32 $0xFFFFC000  }
0x4c: {  	_ =	swait.ge [sflag:s25], $0x4000  }
0x4d: {  	[sflag:s25] =	ssyncset.done $0x0  }
0x4e: {  	s29 =	simm.s32 $0xE80;
	[sflag:s25] =	ssyncadd.s32 $0xFFFFC000  }
0x4f: {  	[spmem:s3] =	stream.indirect.scatter.add.f32 [tilespmem:s23], [sflag:$0x4], $0x80, s29, s20, $0xb8;
	[tilespmem:$0x1C980] =	vst v63  }
0x50: {  	_ =	swait.ge [sflag:s18], $0x4000  }
0x51: {  	s2 =	simm.s32 @!p0 $0x1000;
	[sflag:s18] =	ssyncset.done $0x0  }
0x52: {  	s8 =	simm.s32 @!p0 $0x4;
	s0 =	simm.s32 @!p0 $0x0;
	[sflag:s18] =	ssyncadd.s32 $0xFFFFC000  }
0x53: {  	[tilespmem:s2], [sflag:$0x4] =	stream.linear.gather @!p0 [hbm4b:s13+s0], $0x80, $0x38;
	[tilespmem:$0x1C980] =	vst v63  }
0x54: {  	_ =	swait.ge @!p0 [sflag:s8], $0x80  }
0x55: {  	[sflag:s8] =	ssyncset.done @!p0 $0x0  }
0x56: {  	s10 =	simm.s32 @!p0 $0x1080;
	[sflag:s8] =	ssyncadd.s32 @!p0 $0xFFFFFF80  }
0x57: {  	[tilespmem:s10], [sflag:$0x4] =	stream.linear.gather @!p0 [hbm4b:s14+s0], $0x80, $0x38;
	[tilespmem:$0x1C980] =	vst v63  }
0x58: {  	_ =	swait.ge @!p0 [sflag:s8], $0x80  }
0x59: {  	[sflag:s8] =	ssyncset.done @!p0 $0x0  }
0x5a: {  	s19 =	simm.s32 @!p0 $0x1100;
	s0 =	simm.s32 @!p0 $0x80;
	[sflag:s8] =	ssyncadd.s32 @!p0 $0xFFFFFF80  }
0x5b: {  	[tilespmem:s19], [sflag:$0x1] =	stream.indirect.gather @!p0 [hbm4b:s1+s0], $0x80, s2, s0, $0xb8;
	[tilespmem:$0x1C980] =	vst v63  }
0x5c: {  	s2 =	simm.s32 @!p0 $0x1  }
0x5d: {  	_ =	swait.ge @!p0 [sflag:s2], $0x4000  }
0x5e: {  	[sflag:s2] =	ssyncset.done @!p0 $0x0  }
0x5f: {  	[sflag:s2] =	ssyncadd.s32 @!p0 $0xFFFFC000  }
0x60: {  	[spmem:s3] =	stream.indirect.scatter.add.f32 @!p0 [tilespmem:s19], [sflag:$0x4], $0x80, s10, s0, $0xb8;
	[tilespmem:$0x1C980] =	vst v63  }
0x61: {  	_ =	swait.ge @!p0 [sflag:s8], $0x4000  }
0x62: {  	s30 =	sadd.s32 $0x1, s30;
	[sflag:s8] =	ssyncset.done @!p0 $0x0  }
0x63: {  	p1 =	sne.s32 s30, s16;
	[sflag:s8] =	ssyncadd.s32 @!p0 $0xFFFFC000  }
.Ltmp1:
0x64: {  	s31 =	sor.u32 $0x1C04, s9;
	[bflag:$0x0] =	sbarrier.arrive $0xFFFF;
	(pc) =	sbr.rel @p1 .LBB2_1-.Ltmp1, $4  }
0x65: {  	[hbm:s15], [sflag:s31] =	dma.local [spmem:s17], $0x2800  }
0x66: {  	_ =	swait.ge [sflag:s18], $0x2800  }
0x67: {  	[sflag:s18] =	ssyncset.done $0x0  }
0x68: {  	[sflag:s18] =	ssyncadd.s32 $0xFFFFD800  }
0x69: {  	_ =	sfence.sel $0x180000  }
0x6a: {  	[bflag:$0x0] =	sbarrier.arrive $0xFFFF  }
0x6b: {  	_ =	strace $0x9000004A  }
0x6c: {  	s0 =	stileid.u32;
	[bflag:$0x2] =	sbarrier.arrive $0xFFFF  }
0x6d: {  	p0 =	sne.s32 s0, $0x0;
	s0 =	rddreg [dreg:$0x3]  }
0x6e: {  	s0 =	sadd.s32 @!p0 $0x100000, s0  }
0x6f: {  	[sflag:s0] =	ssyncadd.tile.s32 @!p0 $0x1;
	_ =	shalt  }
.Lfunc_end2:
_tile_overlayer_lowered:
.L_overlay_start_2:
0x70: {  	(tag) =	ssettag $0x2  }
0x71: {  	s0 =	rddreg [dreg:$0x0];
	s2 =	stileid.u32  }
0x72: {  	s1 =	rddreg [dreg:$0x1];
	p0 =	sne.s32 s2, $0x0  }
0x73: {  	s3 =	rddreg [dreg:$0x2];
	[bflag:$0x3] =	sbarrier.arrive $0xFFFF;
	s2 =	simm.s32 @!p0 $0x1C04  }
0x74: {  	[timem:s3], [sflag:s2] =	dma.local @!p0 [hbm:s0], s1  }
0x75: {  	s0 =	simm.s32 @!p0 $0x4  }
0x76: {  	_ =	swait.ge @!p0 [sflag:s0], s1  }
0x77: {  	s1 =	ssub.s32 @!p0 $0x0, s1;
	[sflag:s0] =	ssyncset.done @!p0 $0x0  }
0x78: {  	[sflag:s0] =	ssyncadd.s32 @!p0 s1  }
0x79: {  	[bflag:$0x3] =	sbarrier.arrive $0xFFFF  }
0x7a: {  	_ =	shalt  }

// kernel: kernel.15.cloned.1.call-start
scs
__scs_entry_jumppad:
0x0: {  	(pc) =	sbr.rel $0x88, $3  }
0x1: {  	(tag) =	ssettag $0x0;
	lr =	simm.s32 $0x1  }
0x2: {  	[smem:$0x3F9B] =	sst lr;
	_ =	strace $0xD0000000  }
0x3: {  	_ = 	snop  }
0x4: {  	_ = 	snop  }
0x5: {  	_ = 	snop  }
0x6: {  	_ = 	snop  }
0x7: {  	_ = 	snop  }
__scs_overlays_trampoline_lowered:
0x8: {  	[smem:$0x3FAA] =	sst s0  }
0x9: {  	[smem:$0x3FAB] =	sst s1  }
0xa: {  	[smem:$0x3FAC] =	sst s2  }
0xb: {  	[smem:$0x3FAD] =	sst s3  }
0xc: {  	[smem:$0x3FAE] =	sst s4  }
0xd: {  	[smem:$0x3FAF] =	sst s5  }
0xe: {  	[smem:$0x3FB0] =	sst s6  }
0xf: {  	[smem:$0x3FB1] =	sst s7  }
0x10: {  	[smem:$0x3FB2] =	sst s8  }
0x11: {  	[smem:$0x3FB3] =	sst s9;
	s0 =	simm.s32 @!p0 $0x0  }
0x12: {  	s1 =	sld [smem:$0x3F99];
	s0 =	simm.s32 @p0 $0x1  }
0x13: {  	[smem:$0x3FB4] =	sst s0;
	s0 =	simm.s32 @!p1 $0x0  }
0x14: {  	s2 =	sld [smem:$0x3F98];
	s0 =	simm.s32 @p1 $0x1  }
0x15: {  	[smem:$0x3FB5] =	sst s0;
	s0 =	simm.s32 @!p2 $0x0  }
0x16: {  	s3 =	sld [smem:$0x3FDB];
	s0 =	simm.s32 @p2 $0x1  }
0x17: {  	s4 =	simm.s32 $0x1BF5;
	[smem:$0x3FB7] =	sst s0  }
0x18: {  	s0 =	sld [smem:$0x3F9A];
	_ =	swait.ge [sflag:s4], $0x0  }
0x19: {  	s7 =	sld [smem:$0x3F9B]  }
0x1a: {  	s8 =	sadd.s32 $0xFFFFE003, lr  }
0x1b: {  	s9 =	sadd.s32 $0xFFFFFEF7, lr;
	s5 =	simm.s32 $0xFFFFFFFF;
	p2 =	slt.u32 s8, $0xFFFFF086  }
0x1c: {  	p1 =	slt.u32 s9, $0xF7A;
	s5 =	simm.s32 @!p2 $0x0  }
0x1d: {  	s5 =	simm.s32 @p1 $0x1;
	p0 =	seq.s32 s7, s2  }
0x1e: {  	s7 =	smul.u32 @!p0 $0xF7A, s2;
	p2 =	seq.s32 @!p0 s5, $0x0  }
0x1f: {  	s9 =	smul.u32 $0xF7A, s1;
	s8 =	simm.s32 @!p0 $0x1BF5;
	p2 =	por !p2, p0  }
0x20: {  	[sflag:s8] =	ssyncset.s32 @!p0 $0xFFFFF086;
	s6 =	sadd.s32 @!p0 s3, s7;
	s7 =	simm.s32 @!p0 $0x108  }
0x21: {  	s3 =	sadd.s32 s3, s9;
	s6 =	sadd.s32 @!p0 $0x88, s6;
	s7 =	simm.s32 @p2 $0x1082  }
0x22: {  	[simem:s7], [sflag:s8] =	dma.local @!p0 [hbm:s6], $0xF7A  }
0x23: {  	s9 =	sor.u32 $0xD0000000, s2;
	s6 =	simm.s32 $0x108;
	_ =	swait.ge @!p0 [sflag:s8], $0x0  }
0x24: {  	s3 =	sadd.s32 $0x88, s3;
	s6 =	simm.s32 @!p1 $0x1082;
	[sflag:s4] =	ssyncset.s32 $0xFFFFF086  }
0x25: {  	[simem:s6], [sflag:s4] =	dma.local [hbm:s3], $0xF7A  }
0x26: {  	[smem:$0x3F9B] =	sst s1;
	(tag) =	ssettag s2;
	_ =	strace s9  }
0x27: {  	s1 =	sld [smem:$0x3FAB]  }
0x28: {  	s2 =	sld [smem:$0x3FAC]  }
0x29: {  	s4 =	sld [smem:$0x3FAE]  }
0x2a: {  	p0 =	seq.s32 s5, $0x0;
	s5 =	sld [smem:$0x3FAF]  }
0x2b: {  	s6 =	sld [smem:$0x3FB0]  }
0x2c: {  	s7 =	sld [smem:$0x3FB1]  }
0x2d: {  	s3 =	simm.s32 $0x108;
	s8 =	sld [smem:$0x3FB2]  }
0x2e: {  	s3 =	simm.s32 @!p0 $0x1082;
	s9 =	sld [smem:$0x3FB3]  }
0x2f: {  	lr =	sadd.s32 s0, s3;
	s0 =	sld [smem:$0x3FAA]  }
0x30: {  	s3 =	sld [smem:$0x3FAD]  }
0x31: {  	[smem:$0x3FB6] =	sst s10  }
0x32: {  	s10 =	sld [smem:$0x3FB4];
	_ =	sdelay $0x3  }
0x33: {  	p0 =	seq.s32 s10, $0x1;
	s10 =	sld [smem:$0x3FB6];
	_ =	sdelay $0x3  }
0x34: {  	[smem:$0x3FB6] =	sst s10  }
0x35: {  	s10 =	sld [smem:$0x3FB5];
	_ =	sdelay $0x3  }
0x36: {  	p1 =	seq.s32 s10, $0x1;
	s10 =	sld [smem:$0x3FB6];
	_ =	sdelay $0x3  }
0x37: {  	[smem:$0x3FB6] =	sst s10  }
0x38: {  	s10 =	sld [smem:$0x3FB7]  }
0x39: {  	_ = 	snop;
	(pc) =	sbr.ind lr, $3  }
0x3a: {  	_ = 	snop  }
0x3b: {  	_ = 	snop  }
0x3c: {  	p2 =	seq.s32 s10, $0x1;
	s10 =	sld [smem:$0x3FB6]  }
0x3d: {  	_ =	shalt  }
0x3e: {  	_ =	shalt  }
0x3f: {  	_ =	shalt  }
0x40: {  	_ =	shalt  }
0x41: {  	_ =	shalt  }
0x42: {  	_ =	shalt  }
0x43: {  	_ =	shalt  }
0x44: {  	_ =	shalt  }
0x45: {  	_ =	shalt  }
0x46: {  	_ =	shalt  }
0x47: {  	_ =	shalt  }
0x48: {  	_ =	shalt  }
0x49: {  	_ =	shalt  }
0x4a: {  	_ =	shalt  }
0x4b: {  	_ =	shalt  }
0x4c: {  	_ =	shalt  }
0x4d: {  	_ =	shalt  }
0x4e: {  	_ =	shalt  }
0x4f: {  	_ =	shalt  }
0x50: {  	_ =	shalt  }
0x51: {  	_ =	shalt  }
0x52: {  	_ =	shalt  }
0x53: {  	_ =	shalt  }
0x54: {  	_ =	shalt  }
0x55: {  	_ =	shalt  }
0x56: {  	_ =	shalt  }
0x57: {  	_ =	shalt  }
0x58: {  	_ =	shalt  }
0x59: {  	_ =	shalt  }
0x5a: {  	_ =	shalt  }
0x5b: {  	_ =	shalt  }
0x5c: {  	_ =	shalt  }
0x5d: {  	_ =	shalt  }
0x5e: {  	_ =	shalt  }
0x5f: {  	_ =	shalt  }
0x60: {  	_ =	shalt  }
0x61: {  	_ =	shalt  }
0x62: {  	_ =	shalt  }
0x63: {  	_ =	shalt  }
0x64: {  	_ =	shalt  }
0x65: {  	_ =	shalt  }
0x66: {  	_ =	shalt  }
0x67: {  	_ =	shalt  }
0x68: {  	_ =	shalt  }
0x69: {  	_ =	shalt  }
0x6a: {  	_ =	shalt  }
0x6b: {  	_ =	shalt  }
0x6c: {  	_ =	shalt  }
0x6d: {  	_ =	shalt  }
0x6e: {  	_ =	shalt  }
0x6f: {  	_ =	shalt  }
0x70: {  	_ =	shalt  }
0x71: {  	_ =	shalt  }
0x72: {  	_ =	shalt  }
0x73: {  	_ =	shalt  }
0x74: {  	_ =	shalt  }
0x75: {  	_ =	shalt  }
0x76: {  	_ =	shalt  }
0x77: {  	_ =	shalt  }
0x78: {  	_ =	shalt  }
0x79: {  	_ =	shalt  }
0x7a: {  	_ =	shalt  }
0x7b: {  	_ =	shalt  }
0x7c: {  	_ =	shalt  }
0x7d: {  	_ =	shalt  }
0x7e: {  	_ =	shalt  }
0x7f: {  	_ =	shalt  }
0x80: {  	_ =	shalt  }
0x81: {  	_ =	shalt  }
0x82: {  	_ =	shalt  }
0x83: {  	_ =	shalt  }
0x84: {  	_ =	shalt  }
0x85: {  	_ =	shalt  }
0x86: {  	_ =	shalt  }
0x87: {  	_ =	shalt  }
.Lfunc_end0:
.L_simem_size_0:
called_computation.2_lowered:
.L_overlay_start_0:
0x88: {  	s2 =	sld [smem:$0x3FD9]  }
0x89: {  	s3 =	sld [smem:$0x3FFE];
	_ =	sdelay $0x1  }
0x8a: {  	s1 =	srdreg.scid  }
0x8b: {  	s0 =	sand.u32 $0x1, s1  }
0x8c: {  	s17 =	sshll.u32 s0, $0xA;
	s2 =	sadd.s32 s3, s2  }
0x8d: {  	s2 =	sadd.s32 s2, s17  }
0x8e: {  	[smem:$0x3FC2] =	sst s2  }
0x8f: {  	_ = 	snop  }
0x90: {  	s2 =	sld [smem:$0x3FD0];
	(tm) =	ssettm $0x1  }
0x91: {  	s18 =	sld [smem:$0x3FFB];
	_ =	sdelay $0x3  }
0x92: {  	_ =	strace s18  }
0x93: {  	s3 =	sld [smem:$0x3FFC];
	_ =	sdelay $0x3  }
0x94: {  	_ =	strace s3  }
0x95: {  	s3 =	sld [smem:$0x3FFD];
	_ =	sdelay $0x3  }
0x96: {  	_ =	strace s3  }
0x97: {  	_ =	strace $0x8FFFFFFF  }
0x98: {  	s19 =	sld [smem:$0x3FDB];
	_ =	sdelay $0x1  }
0x99: {  	s4 =	simm.s32 $_scs_section_size  }
0x9a: {  	s5 =	simm.s32 $_size__tile_overlayer_lowered;
	s6 =	simm.s32 $_tile_overlayer_lowered  }
0x9b: {  	s22 =	simm.s32 $0x1BFF;
	s21 =	sshll.u32 s6, $0x1;
	s3 =	sadd.s32 s4, s19  }
0x9c: {  	s7 =	simm.s32 $0x0;
	s20 =	sshll.u32 s5, $0x1;
	s5 =	sadd.s32 s21, s3  }
0x9d: {  	[timem:s7], [sflag:s22] =	dma.local [hbm:s5], s20  }
0x9e: {  	_ =	swait.ge [sflag:s22], s20  }
0x9f: {  	s4 =	ssub.s32 $0x0, s20;
	[sflag:s22] =	ssyncset.done $0x0  }
0xa0: {  	[sflag:s22] =	ssyncadd.s32 s4;
	_ =	sdelay $0x1  }
0xa1: {  	s23 =	simm.s32 $0x1B8B  }
0xa2: {  	_ =	swait.ge [sflag:s23], $0x1  }
0xa3: {  	[sflag:s23] =	ssyncset.done $0x0  }
0xa4: {  	s25 =	simm.s32 $0x1B8E;
	s24 =	sld [smem:$0x3FFE];
	[sflag:s23] =	ssyncadd.s32 $0xFFFFFFFF  }
0xa5: {  	s26 =	simm.s32 $execute0_lowered;
	[smem:$0x3FD2] =	sst s25  }
0xa6: {  	s5 =	sshll.u32 s26, $0x1;
	_ =	strace $0x8000004C;
	[dreg:$0x1] =	wrdreg $0xFFFFFFFF  }
0xa7: {  	s28 =	simm.s32 $_size_execute0_lowered;
	s3 =	sadd.s32 s3, s5;
	[dreg:$0x0] =	wrdreg $0x0  }
0xa8: {  	s5 =	sshll.u32 s28, $0x1;
	[dreg:$0x2] =	wrdreg s3  }
0xa9: {  	[dreg:$0x3] =	wrdreg s5  }
0xaa: {  	[dreg:$0x4] =	wrdreg $0xC0  }
0xab: {  	_ =	task [dreg:s7], $0x5FFFF  }
0xac: {  	[dreg:$0x1] =	wrdreg $0xFFFFFFFF  }
0xad: {  	[dreg:$0x0] =	wrdreg $0x60  }
0xae: {  	[dreg:$0x2] =	wrdreg s2  }
0xaf: {  	[dreg:$0x3] =	wrdreg s24  }
0xb0: {  	[dreg:$0x4] =	wrdreg $0x91000  }
0xb1: {  	[dreg:$0x5] =	wrdreg $0x9  }
0xb2: {  	_ =	task.clear_ibuf [dreg:s7], $0x6FFFF;
	_ =	strace $0x9000004C  }
0xb3: {  	s29 =	simm.s32 $0x9;
	_ =	strace $0x8000004E  }
0xb4: {  	_ =	swait.ge [sflag:s29], $0x1  }
0xb5: {  	[sflag:s29] =	ssyncadd.s32 $0xFFFFFFFF  }
0xb6: {  	_ =	strace $0x9000004E  }
0xb7: {  	_ =	sfence  }
0xb8: {  	s30 =	sld [smem:$0x0];
	_ =	sdelay $0x2  }
0xb9: {  	s31 =	sshll.u32 s1, $0xD;
	s1 =	sshrl.u32 s1, $0x2  }
0xba: {  	s3 =	sand.u32 $0x4000, s31;
	s1 =	sadd.s32 s1, s30  }
0xbb: {  	s0 =	sor.u32 s3, s0;
	s1 =	sshll.u32 s1, $0x11  }
0xbc: {  	s0 =	sor.u32 s1, s0  }
0xbd: {  	s0 =	sadd.s32 $0x8F2B, s0  }
0xbe: {  	[sflag:s0] =	ssyncadd.remote.s32 $0x1  }
0xbf: {  	_ =	sfence.sel $0xFFFF  }
0xc0: {  	[dreg:$0x0] =	wrdreg $0xFFFFFFFF;
	(pc) =	sbr.abs _section_cstart, $3  }
0xc1: {  	[dreg:$0x1] =	wrdreg $0xFFFFFFFF  }
0xc2: {  	_ =	task.clear_ibuf [dreg:s7], $0x2FFFF;
	_ =	strace $0x9FFFFFFF  }
0xc3: {  	(tm) =	ssettm $0x7FFFFFFF  }
tec
execute0_lowered:
.L_overlay_start_1:
0x0: {  	(tag) =	ssettag $0x1  }
0x1: {  	s1 =	rddreg [dreg:$0x0]  }
0x2: {  	s0 =	rddreg [dreg:$0x1]  }
0x3: {  	s3 =	rddreg [dreg:$0x2];
	s4 =	simm.s32 $0x0;
	s19 =	stileid.u32  }
0x4: {  	s2 =	srdreg.scid;
	s18 =	simm.s32 $0x4;
	s20 =	simm.s32 $0x80  }
0x5: {  	s21 =	simm.s32 $0x1100;
	s22 =	simm.s32 $0x3;
	s23 =	simm.s32 $0x5100  }
0x6: {  	s24 =	simm.s32 $0x1;
	s25 =	simm.s32 $0x2;
	s30 =	simm.s32 $0x0  }
0x7: {  	[smem:$0x7FF] =	sst s4;
	s5 =	smul.u32 $0x280, s19;
	s2 =	sand.u32 $0x1, s2  }
0x8: {  	s6 =	sshll.u32 s19, $0x1;
	p0 =	sgt.u32 s19, $0x1;
	_ =	strace $0x8000004D  }
0x9: {  	s7 =	smul.u32 $0x138800, s2;
	s9 =	sor.u32 s2, s6;
	s6 =	sadd.s32 $0x2A00, s0  }
0xa: {  	s2 =	ssub.s32 $0x2, s2;
	s8 =	smin.u32 s5, $0x2490;
	s5 =	sadd.s32 $0xCC00, s0  }
0xb: {  	s11 =	sshll.u32 s9, $0x4;
	s29 =	sshrl.u32 s2, $0x1;
	s10 =	sshll.u32 s8, $0x7  }
0xc: {  	s14 =	sadd.s32 s11, s0;
	s2 =	ssub.s32 s2, s29;
	s8 =	sshll.u32 s8, $0x4  }
0xd: {  	s7 =	sadd.s32 s7, s10;
	s17 =	sadd.s32 s10, s3;
	s8 =	sadd.s32 s1, s8  }
0xe: {  	s13 =	sadd.s32 $0x16C00, s14;
	s14 =	sadd.s32 $0xCA00, s14;
	s7 =	sshrl.u32 s7, $0x3  }
0xf: {  	s16 =	smax.u32 s2, $0x1;
	s0 =	sadd.s32 s7, s0;
	s7 =	smul.u32 $0x2800, s9  }
0x10: {  	[dreg:$0x4] =	wrdreg s8;
	s17 =	sshrl.u32 s17, $0x3;
	s9 =	sshll.u32 s19, $0x6  }
0x11: {  	s31 =	sor.u32 $0x1C03, s9;
	s15 =	sadd.s32 $0x16E00, s0;
	s12 =	sshrl.u32 s7, $0x3  }
0x12: {  	[dreg:$0x5] =	wrdreg s31;
	s11 =	sadd.s32 s5, s12;
	s12 =	sadd.s32 s6, s12  }
.LBB2_1:
0x13: {  	s0 =	rddreg [dreg:$0x4]  }
0x14: {  	s2 =	rddreg [dreg:$0x5]  }
0x15: {  	[spmem:s17], [sflag:s2] =	dma.local [hbm:s0], $0x2800  }
0x16: {  	[tilespmem:s4], [sflag:$0x4] =	stream.linear.gather [hbm4b:s11+s4], $0x400, $0x38;
	[tilespmem:$0x1C980] =	vst v63  }
0x17: {  	_ =	swait.ge [sflag:s18], $0x400  }
0x18: {  	[sflag:s18] =	ssyncset.done $0x0  }
0x19: {  	s29 =	simm.s32 $0x800;
	[sflag:s18] =	ssyncadd.s32 $0xFFFFFC00  }
0x1a: {  	[tilespmem:s29], [sflag:$0x4] =	stream.linear.gather [hbm4b:s12+s4], $0x400, $0x38;
	[tilespmem:$0x1C980] =	vst v63  }
0x1b: {  	_ =	swait.ge [sflag:s18], $0x400  }
0x1c: {  	[sflag:s18] =	ssyncset.done $0x0  }
0x1d: {  	[sflag:s18] =	ssyncadd.s32 $0xFFFFFC00  }
0x1e: {  	[tilespmem:s21], [sflag:$0x1] =	stream.indirect.gather [hbm4b:s1+s20], $0x80, s4, s20, $0xb8;
	[tilespmem:$0x1C980] =	vst v63  }
0x1f: {  	_ =	swait.ge [sflag:s22], $0x2800  }
0x20: {  	[sflag:s22] =	ssyncset.done $0x0  }
0x21: {  	s31 =	simm.s32 $0x400;
	s19 =	simm.s32 $0x0;
	[sflag:s22] =	ssyncadd.s32 $0xFFFFD800  }
0x22: {  	s0 =	simm.s32 $0x0;
	s2 =	simm.s32 $0x0;
	[bflag:$0x0] =	sbarrier.arrive $0xFFFF  }
.LBB2_2:
0x23: {  	s26 =	sand.u32 $0x6, s0;
	p1 =	sgt.u32 s19, $0x23  }
0x24: {  	p2 =	seq.s32 @!p1 s26, $0x0  }
0x25: {  	s28 =	sand.u32 $0x400, s2;
	p1 =	por p1, !p2  }
0x26: {  	s28 =	sadd.s32 @!p1 $0x400, s2  }
0x27: {  	s28 =	sand.u32 @!p1 $0x7C00, s28  }
0x28: {  	s29 =	sadd.s32 @!p1 s7, s28  }
0x29: {  	s28 =	sand.u32 @!p1 $0x400, s2;
	s29 =	sshrl.u32 @!p1 s29, $0x3  }
0x2a: {  	s8 =	sxor.u32 @!p1 $0x400, s28;
	s10 =	sadd.s32 @!p1 s5, s29  }
0x2b: {  	[tilespmem:s8], [sflag:$0x4] =	stream.linear.gather @!p1 [hbm4b:s10+s4], $0x400, $0x38;
	[tilespmem:$0x1C980] =	vst v63  }
0x2c: {  	_ =	swait.ge @!p1 [sflag:s18], $0x400  }
0x2d: {  	[sflag:s18] =	ssyncset.done @!p1 $0x0  }
0x2e: {  	s8 =	sor.u32 @!p1 $0x800, s8;
	s10 =	sadd.s32 @!p1 s6, s29;
	[sflag:s18] =	ssyncadd.s32 @!p1 $0xFFFFFC00  }
0x2f: {  	[tilespmem:s8], [sflag:$0x4] =	stream.linear.gather @!p1 [hbm4b:s10+s4], $0x400, $0x38;
	[tilespmem:$0x1C980] =	vst v63  }
0x30: {  	_ =	swait.ge @!p1 [sflag:s18], $0x400  }
0x31: {  	s8 =	sand.u32 $0x700, s2;
	[sflag:s18] =	ssyncset.done @!p1 $0x0  }
0x32: {  	s29 =	sor.u32 $0x80, s8;
	[sflag:s18] =	ssyncadd.s32 @!p1 $0xFFFFFC00  }
0x33: {  	[tilespmem:s23], [sflag:$0x2] =	stream.indirect.gather [hbm4b:s1+s20], $0x80, s29, s20, $0xb8;
	[tilespmem:$0x1C980] =	vst v63  }
0x34: {  	s26 =	sshll.u32 s26, $0x7;
	_ =	swait.ge [sflag:s24], $0x4000  }
0x35: {  	s10 =	sadd.s32 s26, s28;
	[sflag:s24] =	ssyncset.done $0x0  }
0x36: {  	s10 =	sadd.s32 $0x800, s10;
	[sflag:s24] =	ssyncadd.s32 $0xFFFFC000  }
0x37: {  	[spmem:s3] =	stream.indirect.scatter.add.f32 [tilespmem:s21], [sflag:$0x4], $0x80, s10, s20, $0xb8;
	[tilespmem:$0x1C980] =	vst v63  }
0x38: {  	s2 =	sadd.s32 $0x100, s2;
	s28 =	sand.u32 $0xC00, s31;
	_ =	swait.ge [sflag:s18], $0x4000  }
0x39: {  	s29 =	sand.u32 $0x400, s2;
	s10 =	sshrl.u32 s28, $0x2;
	[sflag:s18] =	ssyncset.done $0x0  }
0x3a: {  	s10 =	sor.u32 s10, s29;
	[sflag:s18] =	ssyncadd.s32 $0xFFFFC000  }
0x3b: {  	[tilespmem:s21], [sflag:$0x1] =	stream.indirect.gather [hbm4b:s1+s20], $0x80, s10, s20, $0xb8;
	[tilespmem:$0x1C980] =	vst v63  }
0x3c: {  	_ =	swait.ge [sflag:s25], $0x4000  }
0x3d: {  	p1 =	sne.s32 s2, $0x2600;
	[sflag:s25] =	ssyncset.done $0x0  }
.Ltmp0:
0x3e: {  	s8 =	sor.u32 $0x880, s8;
	[sflag:s25] =	ssyncadd.s32 $0xFFFFC000;
	(pc) =	sbr.rel @p1 .LBB2_2-.Ltmp0, $4  }
0x3f: {  	[spmem:s3] =	stream.indirect.scatter.add.f32 [tilespmem:s23], [sflag:$0x4], $0x80, s8, s20, $0xb8;
	[tilespmem:$0x1C980] =	vst v63  }
0x40: {  	_ =	swait.ge [sflag:s18], $0x4000  }
0x41: {  	s19 =	sadd.s32 $0x1, s19;
	[sflag:s18] =	ssyncset.done $0x0  }
0x42: {  	s0 =	sadd.s32 $0x2, s0;
	s31 =	sadd.s32 $0x400, s31;
	[sflag:s18] =	ssyncadd.s32 $0xFFFFC000  }
0x43: {  	s0 =	simm.s32 $0x680  }
0x44: {  	[tilespmem:s23], [sflag:$0x2] =	stream.indirect.gather [hbm4b:s1+s20], $0x80, s0, s20, $0xb8;
	[tilespmem:$0x1C980] =	vst v63  }
0x45: {  	_ =	swait.ge [sflag:s24], $0x4000  }
0x46: {  	[sflag:s24] =	ssyncset.done $0x0  }
0x47: {  	s28 =	simm.s32 $0xE00;
	[sflag:s24] =	ssyncadd.s32 $0xFFFFC000  }
0x48: {  	[spmem:s3] =	stream.indirect.scatter.add.f32 [tilespmem:s21], [sflag:$0x4], $0x80, s28, s20, $0xb8;
	[tilespmem:$0x1C980] =	vst v63  }
0x49: {  	_ =	swait.ge [sflag:s18], $0x4000  }
0x4a: {  	[sflag:s18] =	ssyncset.done $0x0  }
0x4b: {  	[sflag:s18] =	ssyncadd.s32 $0xFFFFC000  }
0x4c: {  	_ =	swait.ge [sflag:s25], $0x4000  }
0x4d: {  	[sflag:s25] =	ssyncset.done $0x0  }
0x4e: {  	s29 =	simm.s32 $0xE80;
	[sflag:s25] =	ssyncadd.s32 $0xFFFFC000  }
0x4f: {  	[spmem:s3] =	stream.indirect.scatter.add.f32 [tilespmem:s23], [sflag:$0x4], $0x80, s29, s20, $0xb8;
	[tilespmem:$0x1C980] =	vst v63  }
0x50: {  	_ =	swait.ge [sflag:s18], $0x4000  }
0x51: {  	s2 =	simm.s32 @!p0 $0x1000;
	[sflag:s18] =	ssyncset.done $0x0  }
0x52: {  	s8 =	simm.s32 @!p0 $0x4;
	s0 =	simm.s32 @!p0 $0x0;
	[sflag:s18] =	ssyncadd.s32 $0xFFFFC000  }
0x53: {  	[tilespmem:s2], [sflag:$0x4] =	stream.linear.gather @!p0 [hbm4b:s13+s0], $0x80, $0x38;
	[tilespmem:$0x1C980] =	vst v63  }
0x54: {  	_ =	swait.ge @!p0 [sflag:s8], $0x80  }
0x55: {  	[sflag:s8] =	ssyncset.done @!p0 $0x0  }
0x56: {  	s10 =	simm.s32 @!p0 $0x1080;
	[sflag:s8] =	ssyncadd.s32 @!p0 $0xFFFFFF80  }
0x57: {  	[tilespmem:s10], [sflag:$0x4] =	stream.linear.gather @!p0 [hbm4b:s14+s0], $0x80, $0x38;
	[tilespmem:$0x1C980] =	vst v63  }
0x58: {  	_ =	swait.ge @!p0 [sflag:s8], $0x80  }
0x59: {  	[sflag:s8] =	ssyncset.done @!p0 $0x0  }
0x5a: {  	s19 =	simm.s32 @!p0 $0x1100;
	s0 =	simm.s32 @!p0 $0x80;
	[sflag:s8] =	ssyncadd.s32 @!p0 $0xFFFFFF80  }
0x5b: {  	[tilespmem:s19], [sflag:$0x1] =	stream.indirect.gather @!p0 [hbm4b:s1+s0], $0x80, s2, s0, $0xb8;
	[tilespmem:$0x1C980] =	vst v63  }
0x5c: {  	s2 =	simm.s32 @!p0 $0x1  }
0x5d: {  	_ =	swait.ge @!p0 [sflag:s2], $0x4000  }
0x5e: {  	[sflag:s2] =	ssyncset.done @!p0 $0x0  }
0x5f: {  	[sflag:s2] =	ssyncadd.s32 @!p0 $0xFFFFC000  }
0x60: {  	[spmem:s3] =	stream.indirect.scatter.add.f32 @!p0 [tilespmem:s19], [sflag:$0x4], $0x80, s10, s0, $0xb8;
	[tilespmem:$0x1C980] =	vst v63  }
0x61: {  	_ =	swait.ge @!p0 [sflag:s8], $0x4000  }
0x62: {  	s30 =	sadd.s32 $0x1, s30;
	[sflag:s8] =	ssyncset.done @!p0 $0x0  }
0x63: {  	p1 =	sne.s32 s30, s16;
	[sflag:s8] =	ssyncadd.s32 @!p0 $0xFFFFC000  }
.Ltmp1:
0x64: {  	s31 =	sor.u32 $0x1C04, s9;
	[bflag:$0x0] =	sbarrier.arrive $0xFFFF;
	(pc) =	sbr.rel @p1 .LBB2_1-.Ltmp1, $4  }
0x65: {  	[hbm:s15], [sflag:s31] =	dma.local [spmem:s17], $0x2800  }
0x66: {  	_ =	swait.ge [sflag:s18], $0x2800  }
0x67: {  	[sflag:s18] =	ssyncset.done $0x0  }
0x68: {  	[sflag:s18] =	ssyncadd.s32 $0xFFFFD800  }
0x69: {  	_ =	sfence.sel $0x180000  }
0x6a: {  	[bflag:$0x0] =	sbarrier.arrive $0xFFFF  }
0x6b: {  	_ =	strace $0x9000004D  }
0x6c: {  	s0 =	stileid.u32;
	[bflag:$0x2] =	sbarrier.arrive $0xFFFF  }
0x6d: {  	p0 =	sne.s32 s0, $0x0;
	s0 =	rddreg [dreg:$0x3]  }
0x6e: {  	s0 =	sadd.s32 @!p0 $0x100000, s0  }
0x6f: {  	[sflag:s0] =	ssyncadd.tile.s32 @!p0 $0x1;
	_ =	shalt  }
.Lfunc_end2:
_tile_overlayer_lowered:
.L_overlay_start_2:
0x70: {  	(tag) =	ssettag $0x2  }
0x71: {  	s0 =	rddreg [dreg:$0x0];
	s2 =	stileid.u32  }
0x72: {  	s1 =	rddreg [dreg:$0x1];
	p0 =	sne.s32 s2, $0x0  }
0x73: {  	s3 =	rddreg [dreg:$0x2];
	[bflag:$0x3] =	sbarrier.arrive $0xFFFF;
	s2 =	simm.s32 @!p0 $0x1C04  }
0x74: {  	[timem:s3], [sflag:s2] =	dma.local @!p0 [hbm:s0], s1  }
0x75: {  	s0 =	simm.s32 @!p0 $0x4  }
0x76: {  	_ =	swait.ge @!p0 [sflag:s0], s1  }
0x77: {  	s1 =	ssub.s32 @!p0 $0x0, s1;
	[sflag:s0] =	ssyncset.done @!p0 $0x0  }
0x78: {  	[sflag:s0] =	ssyncadd.s32 @!p0 s1  }
0x79: {  	[bflag:$0x3] =	sbarrier.arrive $0xFFFF  }
0x7a: {  	_ =	shalt  }

// kernel: kernel.9.cloned.1.call-start
scs
__scs_entry_jumppad:
0x0: {  	(pc) =	sbr.rel $0x88, $3  }
0x1: {  	(tag) =	ssettag $0x0;
	lr =	simm.s32 $0x1  }
0x2: {  	[smem:$0x3F9B] =	sst lr;
	_ =	strace $0xD0000000  }
0x3: {  	_ = 	snop  }
0x4: {  	_ = 	snop  }
0x5: {  	_ = 	snop  }
0x6: {  	_ = 	snop  }
0x7: {  	_ = 	snop  }
__scs_overlays_trampoline_lowered:
0x8: {  	[smem:$0x3FAA] =	sst s0  }
0x9: {  	[smem:$0x3FAB] =	sst s1  }
0xa: {  	[smem:$0x3FAC] =	sst s2  }
0xb: {  	[smem:$0x3FAD] =	sst s3  }
0xc: {  	[smem:$0x3FAE] =	sst s4  }
0xd: {  	[smem:$0x3FAF] =	sst s5  }
0xe: {  	[smem:$0x3FB0] =	sst s6  }
0xf: {  	[smem:$0x3FB1] =	sst s7  }
0x10: {  	[smem:$0x3FB2] =	sst s8  }
0x11: {  	[smem:$0x3FB3] =	sst s9;
	s0 =	simm.s32 @!p0 $0x0  }
0x12: {  	s1 =	sld [smem:$0x3F99];
	s0 =	simm.s32 @p0 $0x1  }
0x13: {  	[smem:$0x3FB4] =	sst s0;
	s0 =	simm.s32 @!p1 $0x0  }
0x14: {  	s2 =	sld [smem:$0x3F98];
	s0 =	simm.s32 @p1 $0x1  }
0x15: {  	[smem:$0x3FB5] =	sst s0;
	s0 =	simm.s32 @!p2 $0x0  }
0x16: {  	s3 =	sld [smem:$0x3FDB];
	s0 =	simm.s32 @p2 $0x1  }
0x17: {  	s4 =	simm.s32 $0x1BF5;
	[smem:$0x3FB7] =	sst s0  }
0x18: {  	s0 =	sld [smem:$0x3F9A];
	_ =	swait.ge [sflag:s4], $0x0  }
0x19: {  	s7 =	sld [smem:$0x3F9B]  }
0x1a: {  	s8 =	sadd.s32 $0xFFFFE003, lr  }
0x1b: {  	s9 =	sadd.s32 $0xFFFFFEF7, lr;
	s5 =	simm.s32 $0xFFFFFFFF;
	p2 =	slt.u32 s8, $0xFFFFF086  }
0x1c: {  	p1 =	slt.u32 s9, $0xF7A;
	s5 =	simm.s32 @!p2 $0x0  }
0x1d: {  	s5 =	simm.s32 @p1 $0x1;
	p0 =	seq.s32 s7, s2  }
0x1e: {  	s7 =	smul.u32 @!p0 $0xF7A, s2;
	p2 =	seq.s32 @!p0 s5, $0x0  }
0x1f: {  	s9 =	smul.u32 $0xF7A, s1;
	s8 =	simm.s32 @!p0 $0x1BF5;
	p2 =	por !p2, p0  }
0x20: {  	[sflag:s8] =	ssyncset.s32 @!p0 $0xFFFFF086;
	s6 =	sadd.s32 @!p0 s3, s7;
	s7 =	simm.s32 @!p0 $0x108  }
0x21: {  	s3 =	sadd.s32 s3, s9;
	s6 =	sadd.s32 @!p0 $0x88, s6;
	s7 =	simm.s32 @p2 $0x1082  }
0x22: {  	[simem:s7], [sflag:s8] =	dma.local @!p0 [hbm:s6], $0xF7A  }
0x23: {  	s9 =	sor.u32 $0xD0000000, s2;
	s6 =	simm.s32 $0x108;
	_ =	swait.ge @!p0 [sflag:s8], $0x0  }
0x24: {  	s3 =	sadd.s32 $0x88, s3;
	s6 =	simm.s32 @!p1 $0x1082;
	[sflag:s4] =	ssyncset.s32 $0xFFFFF086  }
0x25: {  	[simem:s6], [sflag:s4] =	dma.local [hbm:s3], $0xF7A  }
0x26: {  	[smem:$0x3F9B] =	sst s1;
	(tag) =	ssettag s2;
	_ =	strace s9  }
0x27: {  	s1 =	sld [smem:$0x3FAB]  }
0x28: {  	s2 =	sld [smem:$0x3FAC]  }
0x29: {  	s4 =	sld [smem:$0x3FAE]  }
0x2a: {  	p0 =	seq.s32 s5, $0x0;
	s5 =	sld [smem:$0x3FAF]  }
0x2b: {  	s6 =	sld [smem:$0x3FB0]  }
0x2c: {  	s7 =	sld [smem:$0x3FB1]  }
0x2d: {  	s3 =	simm.s32 $0x108;
	s8 =	sld [smem:$0x3FB2]  }
0x2e: {  	s3 =	simm.s32 @!p0 $0x1082;
	s9 =	sld [smem:$0x3FB3]  }
0x2f: {  	lr =	sadd.s32 s0, s3;
	s0 =	sld [smem:$0x3FAA]  }
0x30: {  	s3 =	sld [smem:$0x3FAD]  }
0x31: {  	[smem:$0x3FB6] =	sst s10  }
0x32: {  	s10 =	sld [smem:$0x3FB4];
	_ =	sdelay $0x3  }
0x33: {  	p0 =	seq.s32 s10, $0x1;
	s10 =	sld [smem:$0x3FB6];
	_ =	sdelay $0x3  }
0x34: {  	[smem:$0x3FB6] =	sst s10  }
0x35: {  	s10 =	sld [smem:$0x3FB5];
	_ =	sdelay $0x3  }
0x36: {  	p1 =	seq.s32 s10, $0x1;
	s10 =	sld [smem:$0x3FB6];
	_ =	sdelay $0x3  }
0x37: {  	[smem:$0x3FB6] =	sst s10  }
0x38: {  	s10 =	sld [smem:$0x3FB7]  }
0x39: {  	_ = 	snop;
	(pc) =	sbr.ind lr, $3  }
0x3a: {  	_ = 	snop  }
0x3b: {  	_ = 	snop  }
0x3c: {  	p2 =	seq.s32 s10, $0x1;
	s10 =	sld [smem:$0x3FB6]  }
0x3d: {  	_ =	shalt  }
0x3e: {  	_ =	shalt  }
0x3f: {  	_ =	shalt  }
0x40: {  	_ =	shalt  }
0x41: {  	_ =	shalt  }
0x42: {  	_ =	shalt  }
0x43: {  	_ =	shalt  }
0x44: {  	_ =	shalt  }
0x45: {  	_ =	shalt  }
0x46: {  	_ =	shalt  }
0x47: {  	_ =	shalt  }
0x48: {  	_ =	shalt  }
0x49: {  	_ =	shalt  }
0x4a: {  	_ =	shalt  }
0x4b: {  	_ =	shalt  }
0x4c: {  	_ =	shalt  }
0x4d: {  	_ =	shalt  }
0x4e: {  	_ =	shalt  }
0x4f: {  	_ =	shalt  }
0x50: {  	_ =	shalt  }
0x51: {  	_ =	shalt  }
0x52: {  	_ =	shalt  }
0x53: {  	_ =	shalt  }
0x54: {  	_ =	shalt  }
0x55: {  	_ =	shalt  }
0x56: {  	_ =	shalt  }
0x57: {  	_ =	shalt  }
0x58: {  	_ =	shalt  }
0x59: {  	_ =	shalt  }
0x5a: {  	_ =	shalt  }
0x5b: {  	_ =	shalt  }
0x5c: {  	_ =	shalt  }
0x5d: {  	_ =	shalt  }
0x5e: {  	_ =	shalt  }
0x5f: {  	_ =	shalt  }
0x60: {  	_ =	shalt  }
0x61: {  	_ =	shalt  }
0x62: {  	_ =	shalt  }
0x63: {  	_ =	shalt  }
0x64: {  	_ =	shalt  }
0x65: {  	_ =	shalt  }
0x66: {  	_ =	shalt  }
0x67: {  	_ =	shalt  }
0x68: {  	_ =	shalt  }
0x69: {  	_ =	shalt  }
0x6a: {  	_ =	shalt  }
0x6b: {  	_ =	shalt  }
0x6c: {  	_ =	shalt  }
0x6d: {  	_ =	shalt  }
0x6e: {  	_ =	shalt  }
0x6f: {  	_ =	shalt  }
0x70: {  	_ =	shalt  }
0x71: {  	_ =	shalt  }
0x72: {  	_ =	shalt  }
0x73: {  	_ =	shalt  }
0x74: {  	_ =	shalt  }
0x75: {  	_ =	shalt  }
0x76: {  	_ =	shalt  }
0x77: {  	_ =	shalt  }
0x78: {  	_ =	shalt  }
0x79: {  	_ =	shalt  }
0x7a: {  	_ =	shalt  }
0x7b: {  	_ =	shalt  }
0x7c: {  	_ =	shalt  }
0x7d: {  	_ =	shalt  }
0x7e: {  	_ =	shalt  }
0x7f: {  	_ =	shalt  }
0x80: {  	_ =	shalt  }
0x81: {  	_ =	shalt  }
0x82: {  	_ =	shalt  }
0x83: {  	_ =	shalt  }
0x84: {  	_ =	shalt  }
0x85: {  	_ =	shalt  }
0x86: {  	_ =	shalt  }
0x87: {  	_ =	shalt  }
.Lfunc_end0:
.L_simem_size_0:
called_computation_lowered:
.L_overlay_start_0:
0x88: {  	s2 =	sld [smem:$0x3FD9]  }
0x89: {  	s3 =	sld [smem:$0x3FFE];
	_ =	sdelay $0x1  }
0x8a: {  	s1 =	srdreg.scid  }
0x8b: {  	s0 =	sand.u32 $0x1, s1  }
0x8c: {  	s17 =	sshll.u32 s0, $0xA;
	s2 =	sadd.s32 s3, s2  }
0x8d: {  	s2 =	sadd.s32 s2, s17  }
0x8e: {  	[smem:$0x3FC2] =	sst s2  }
0x8f: {  	_ = 	snop  }
0x90: {  	s2 =	sld [smem:$0x3FD0];
	(tm) =	ssettm $0x1  }
0x91: {  	s18 =	sld [smem:$0x3FFB];
	_ =	sdelay $0x3  }
0x92: {  	_ =	strace s18  }
0x93: {  	s3 =	sld [smem:$0x3FFC];
	_ =	sdelay $0x3  }
0x94: {  	_ =	strace s3  }
0x95: {  	s3 =	sld [smem:$0x3FFD];
	_ =	sdelay $0x3  }
0x96: {  	_ =	strace s3  }
0x97: {  	_ =	strace $0x8FFFFFFF  }
0x98: {  	s19 =	sld [smem:$0x3FDB];
	_ =	sdelay $0x1  }
0x99: {  	s4 =	simm.s32 $_scs_section_size  }
0x9a: {  	s5 =	simm.s32 $_size__tile_overlayer_lowered;
	s6 =	simm.s32 $_tile_overlayer_lowered  }
0x9b: {  	s22 =	simm.s32 $0x1BFF;
	s21 =	sshll.u32 s6, $0x1;
	s3 =	sadd.s32 s4, s19  }
0x9c: {  	s7 =	simm.s32 $0x0;
	s20 =	sshll.u32 s5, $0x1;
	s5 =	sadd.s32 s21, s3  }
0x9d: {  	[timem:s7], [sflag:s22] =	dma.local [hbm:s5], s20  }
0x9e: {  	_ =	swait.ge [sflag:s22], s20  }
0x9f: {  	s4 =	ssub.s32 $0x0, s20;
	[sflag:s22] =	ssyncset.done $0x0  }
0xa0: {  	[sflag:s22] =	ssyncadd.s32 s4;
	_ =	sdelay $0x1  }
0xa1: {  	s23 =	simm.s32 $0x1B8B  }
0xa2: {  	_ =	swait.ge [sflag:s23], $0x1  }
0xa3: {  	[sflag:s23] =	ssyncset.done $0x0  }
0xa4: {  	s25 =	simm.s32 $0x1B8E;
	s24 =	sld [smem:$0x3FFE];
	[sflag:s23] =	ssyncadd.s32 $0xFFFFFFFF  }
0xa5: {  	s26 =	simm.s32 $execute0_lowered;
	[smem:$0x3FD2] =	sst s25  }
0xa6: {  	s5 =	sshll.u32 s26, $0x1;
	_ =	strace $0x80000046;
	[dreg:$0x1] =	wrdreg $0xFFFFFFFF  }
0xa7: {  	s28 =	simm.s32 $_size_execute0_lowered;
	s3 =	sadd.s32 s3, s5;
	[dreg:$0x0] =	wrdreg $0x0  }
0xa8: {  	s5 =	sshll.u32 s28, $0x1;
	[dreg:$0x2] =	wrdreg s3  }
0xa9: {  	[dreg:$0x3] =	wrdreg s5  }
0xaa: {  	[dreg:$0x4] =	wrdreg $0xC0  }
0xab: {  	_ =	task [dreg:s7], $0x5FFFF  }
0xac: {  	[dreg:$0x1] =	wrdreg $0xFFFFFFFF  }
0xad: {  	[dreg:$0x0] =	wrdreg $0x60  }
0xae: {  	[dreg:$0x2] =	wrdreg s24  }
0xaf: {  	[dreg:$0x3] =	wrdreg s2  }
0xb0: {  	[dreg:$0x4] =	wrdreg $0x2B800  }
0xb1: {  	[dreg:$0x5] =	wrdreg $0x9  }
0xb2: {  	_ =	task.clear_ibuf [dreg:s7], $0x6FFFF;
	_ =	strace $0x90000046  }
0xb3: {  	s29 =	simm.s32 $0x9;
	_ =	strace $0x80000048  }
0xb4: {  	_ =	swait.ge [sflag:s29], $0x1  }
0xb5: {  	[sflag:s29] =	ssyncadd.s32 $0xFFFFFFFF  }
0xb6: {  	_ =	strace $0x90000048  }
0xb7: {  	_ =	sfence  }
0xb8: {  	s30 =	sld [smem:$0x0];
	_ =	sdelay $0x2  }
0xb9: {  	s31 =	sshll.u32 s1, $0xD;
	s1 =	sshrl.u32 s1, $0x2  }
0xba: {  	s3 =	sand.u32 $0x4000, s31;
	s1 =	sadd.s32 s1, s30  }
0xbb: {  	s0 =	sor.u32 s3, s0;
	s1 =	sshll.u32 s1, $0x11  }
0xbc: {  	s0 =	sor.u32 s1, s0  }
0xbd: {  	s0 =	sadd.s32 $0x8F2B, s0  }
0xbe: {  	[sflag:s0] =	ssyncadd.remote.s32 $0x1  }
0xbf: {  	_ =	sfence.sel $0xFFFF  }
0xc0: {  	[dreg:$0x0] =	wrdreg $0xFFFFFFFF;
	(pc) =	sbr.abs _section_cstart, $3  }
0xc1: {  	[dreg:$0x1] =	wrdreg $0xFFFFFFFF  }
0xc2: {  	_ =	task.clear_ibuf [dreg:s7], $0x2FFFF;
	_ =	strace $0x9FFFFFFF  }
0xc3: {  	(tm) =	ssettm $0x7FFFFFFF  }
tec
execute0_lowered:
.L_overlay_start_1:
0x0: {  	(tag) =	ssettag $0x1  }
0x1: {  	s4 =	rddreg [dreg:$0x0]  }
0x2: {  	s7 =	rddreg [dreg:$0x1]  }
0x3: {  	s1 =	srdreg.scid;
	s0 =	stileid.u32  }
0x4: {  	s2 =	rddreg [dreg:$0x2];
	s3 =	simm.s32 $0x0;
	s13 =	simm.s32 $0x1  }
0x5: {  	s14 =	simm.s32 $0x2;
	s17 =	simm.s32 $0x20;
	s18 =	simm.s32 $0x10  }
0x6: {  	s19 =	simm.s32 $0x0;
	s5 =	sand.u32 $0x1, s1;
	s1 =	rddreg [dreg:$0x3]  }
0x7: {  	s6 =	sshll.u32 s0, $0x1;
	[smem:$0x7FF] =	sst s3;
	s10 =	smul.u32 $0xA00, s0  }
0x8: {  	s12 =	smul.u32 $0x500, s0;
	s15 =	sshll.u32 s0, $0x6;
	p0 =	sgt.u32 s0, $0x1  }
0x9: {  	s6 =	sor.u32 s5, s6;
	_ =	strace $0x80000047;
	s9 =	ssub.s32 $0x2, s5  }
0xa: {  	s5 =	sshll.u32 s5, $0x7;
	s15 =	sor.u32 $0x1C03, s15;
	s8 =	smul.u32 $0x500, s6  }
0xb: {  	s6 =	sshll.u32 s6, $0x4;
	s11 =	sshrl.u32 s9, $0x1;
	s29 =	sshrl.u32 s10, $0x2  }
0xc: {  	s30 =	sor.u32 s5, s12;
	s10 =	simm.s32 $0x2900;
	s12 =	simm.s32 $0x2880  }
0xd: {  	s6 =	sadd.s32 s6, s4;
	s9 =	ssub.s32 s9, s11;
	s5 =	sadd.s32 s29, s2  }
0xe: {  	s31 =	sshrl.u32 s30, $0x3;
	s11 =	simm.s32 $0x80;
	s8 =	sadd.s32 s8, s4  }
0xf: {  	s6 =	sadd.s32 $0xCA00, s6;
	s7 =	sadd.s32 s7, s31;
	s16 =	sshrl.u32 s5, $0x3  }
0x10: {  	v0 =	vimm.f32 $1.000000000e+00;
	v1 =	vimm.f32 $0.0e+00;
	s4 =	sadd.s32 $0x2A00, s8;
	s8 =	smax.u32 s9, $0x1;
	s9 =	simm.s32 $0x3  }
.LBB2_1:
0x11: {  	[tilespmem:$0x2880] =	vst v0  }
0x12: {  	[tilespmem:$0x2890] =	vst v0  }
0x13: {  	[tilespmem:$0x28A0] =	vst v0  }
0x14: {  	[tilespmem:$0x28B0] =	vst v0  }
0x15: {  	[tilespmem:$0x28C0] =	vst v0  }
0x16: {  	[tilespmem:$0x28D0] =	vst v0  }
0x17: {  	[tilespmem:$0x28E0] =	vst v0  }
0x18: {  	[tilespmem:$0x28F0] =	vst v0  }
0x19: {  	[tilespmem:$0x2900] =	vst v1  }
0x1a: {  	[tilespmem:$0x2910] =	vst v1  }
0x1b: {  	[tilespmem:$0x2920] =	vst v1  }
0x1c: {  	[tilespmem:$0x2930] =	vst v1  }
0x1d: {  	[tilespmem:$0x2940] =	vst v1  }
0x1e: {  	[tilespmem:$0x2950] =	vst v1  }
0x1f: {  	[tilespmem:$0x2960] =	vst v1  }
0x20: {  	[tilespmem:$0x2970] =	vst v1  }
0x21: {  	[tilespmem:$0x2980] =	vst v1  }
0x22: {  	[tilespmem:$0x2990] =	vst v1  }
0x23: {  	[tilespmem:$0x29A0] =	vst v1  }
0x24: {  	[tilespmem:$0x29B0] =	vst v1  }
0x25: {  	[tilespmem:$0x29C0] =	vst v1  }
0x26: {  	[tilespmem:$0x29D0] =	vst v1  }
0x27: {  	[tilespmem:$0x29E0] =	vst v1  }
0x28: {  	[tilespmem:$0x29F0] =	vst v1  }
0x29: {  	[tilespmem:$0x2A00] =	vst v1  }
0x2a: {  	[tilespmem:$0x2A10] =	vst v1  }
0x2b: {  	[tilespmem:$0x2A20] =	vst v1  }
0x2c: {  	[tilespmem:$0x2A30] =	vst v1  }
0x2d: {  	[tilespmem:$0x2A40] =	vst v1  }
0x2e: {  	[tilespmem:$0x2A50] =	vst v1  }
0x2f: {  	[tilespmem:$0x2A60] =	vst v1  }
0x30: {  	[tilespmem:$0x2A70] =	vst v1  }
0x31: {  	[tilespmem:$0x2A80] =	vst v1  }
0x32: {  	[tilespmem:$0x2A90] =	vst v1  }
0x33: {  	[tilespmem:$0x2AA0] =	vst v1  }
0x34: {  	[tilespmem:$0x2AB0] =	vst v1  }
0x35: {  	[tilespmem:$0x2AC0] =	vst v1  }
0x36: {  	[tilespmem:$0x2AD0] =	vst v1  }
0x37: {  	[tilespmem:$0x2AE0] =	vst v1  }
0x38: {  	[tilespmem:$0x2AF0] =	vst v1  }
0x39: {  	[tilespmem:$0x2B00] =	vst v1  }
0x3a: {  	[tilespmem:$0x2B10] =	vst v1  }
0x3b: {  	[tilespmem:$0x2B20] =	vst v1  }
0x3c: {  	[tilespmem:$0x2B30] =	vst v1  }
0x3d: {  	[tilespmem:$0x2B40] =	vst v1  }
0x3e: {  	[tilespmem:$0x2B50] =	vst v1  }
0x3f: {  	[tilespmem:$0x2B60] =	vst v1  }
0x40: {  	[tilespmem:$0x2B70] =	vst v1  }
0x41: {  	[tilespmem:s3], [sflag:$0x3] =	stream.linear.gather [hbm4b:s4+s3], $0x2800, $0x38;
	[tilespmem:$0x2E00] =	vst v63  }
0x42: {  	_ =	swait.ge [sflag:s9], $0x2800  }
0x43: {  	[sflag:s9] =	ssyncset.done $0x0  }
0x44: {  	[sflag:s9] =	ssyncadd.s32 $0xFFFFD800  }
0x45: {  	[spmem:s5] =	stream.linear.scatter [tilespmem:s10], [sflag:$0x3], $0x280, $0x38;
	[tilespmem:$0x2E00] =	vst v63  }
0x46: {  	_ =	swait.ge [sflag:s9], $0x280  }
0x47: {  	[sflag:s9] =	ssyncset.done $0x0  }
0x48: {  	[sflag:s9] =	ssyncadd.s32 $0xFFFFFD80  }
0x49: {  	[bflag:$0x0] =	sbarrier.arrive $0xFFFF  }
0x4a: {  	[spmem:s2] =	stream.indirect.scatter.add.f32 [tilespmem:s12], [sflag:$0x1], $0x1, s3, s11, $0xb8;
	[tilespmem:$0x2E00] =	vst v63  }
0x4b: {  	_ = 	snop  }
0x4c: {  	[spmem:s2] =	stream.indirect.scatter.add.f32 [tilespmem:s12], [sflag:$0x2], $0x1, s11, s11, $0xb8;
	[tilespmem:$0x2E00] =	vst v63  }
0x4d: {  	_ =	swait.ge [sflag:s13], $0x80  }
0x4e: {  	[sflag:s13] =	ssyncset.done $0x0  }
0x4f: {  	s20 =	simm.s32 $0x100;
	[sflag:s13] =	ssyncadd.s32 $0xFFFFFF80  }
0x50: {  	[spmem:s2] =	stream.indirect.scatter.add.f32 [tilespmem:s12], [sflag:$0x1], $0x1, s20, s11, $0xb8;
	[tilespmem:$0x2E00] =	vst v63  }
0x51: {  	_ =	swait.ge [sflag:s14], $0x80  }
0x52: {  	[sflag:s14] =	ssyncset.done $0x0  }
0x53: {  	s21 =	simm.s32 $0x180;
	s20 =	simm.s32 $0xFFFF6C00;
	[sflag:s14] =	ssyncadd.s32 $0xFFFFFF80  }
.LBB2_2:
0x54: {  	[spmem:s2] =	stream.indirect.scatter.add.f32 [tilespmem:s12], [sflag:$0x2], $0x1, s21, s11, $0xb8;
	[tilespmem:$0x2E00] =	vst v63  }
0x55: {  	s21 =	smov.u32 s20  }
0x56: {  	p1 =	sne.s32 s20, $0xFFFFFC00;
	s20 =	sadd.s32 $0x400, s20;
	_ =	swait.ge [sflag:s13], $0x80  }
0x57: {  	s21 =	sshra.s32 s21, $0x2;
	[sflag:s13] =	ssyncset.done $0x0  }
.Ltmp0:
0x58: {  	s22 =	sadd.s32 $0x2700, s21;
	[sflag:s13] =	ssyncadd.s32 $0xFFFFFF80;
	(pc) =	sbr.rel @p1 .LBB2_2-.Ltmp0, $4  }
0x59: {  	[spmem:s2] =	stream.indirect.scatter.add.f32 [tilespmem:s12], [sflag:$0x1], $0x1, s22, s11, $0xb8;
	[tilespmem:$0x2E00] =	vst v63  }
0x5a: {  	_ =	swait.ge [sflag:s14], $0x80  }
0x5b: {  	[sflag:s14] =	ssyncset.done $0x0  }
0x5c: {  	s21 =	sadd.s32 $0x2780, s21;
	[sflag:s14] =	ssyncadd.s32 $0xFFFFFF80  }
0x5d: {  	[spmem:s2] =	stream.indirect.scatter.add.f32 [tilespmem:s12], [sflag:$0x2], $0x1, s21, s11, $0xb8;
	[tilespmem:$0x2E00] =	vst v63  }
0x5e: {  	_ =	swait.ge [sflag:s13], $0x80  }
0x5f: {  	[sflag:s13] =	ssyncset.done $0x0  }
0x60: {  	[sflag:s13] =	ssyncadd.s32 $0xFFFFFF80  }
0x61: {  	_ =	swait.ge [sflag:s14], $0x80  }
0x62: {  	[sflag:s14] =	ssyncset.done $0x0  }
0x63: {  	s20 =	simm.s32 @!p0 $0x0;
	s21 =	simm.s32 @!p0 $0x2800;
	[sflag:s14] =	ssyncadd.s32 $0xFFFFFF80  }
0x64: {  	[tilespmem:s21], [sflag:$0x3] =	stream.linear.gather @!p0 [hbm4b:s6+s20], $0x80, $0x38;
	[tilespmem:$0x2E00] =	vst v63  }
0x65: {  	s20 =	simm.s32 @!p0 $0x3  }
0x66: {  	_ =	swait.ge @!p0 [sflag:s20], $0x80  }
0x67: {  	[sflag:s20] =	ssyncset.done @!p0 $0x0  }
0x68: {  	s22 =	simm.s32 @!p0 $0x80;
	s23 =	simm.s32 @!p0 $0x2880;
	[sflag:s20] =	ssyncadd.s32 @!p0 $0xFFFFFF80  }
0x69: {  	[spmem:s2] =	stream.indirect.scatter.add.f32 @!p0 [tilespmem:s23], [sflag:$0x3], $0x1, s21, s22, $0xb8;
	[tilespmem:$0x2E00] =	vst v63  }
0x6a: {  	_ =	swait.ge @!p0 [sflag:s20], $0x80  }
0x6b: {  	s19 =	sadd.s32 $0x1, s19;
	[sflag:s20] =	ssyncset.done @!p0 $0x0  }
0x6c: {  	p1 =	sne.s32 s19, s8;
	[sflag:s20] =	ssyncadd.s32 @!p0 $0xFFFFFF80  }
.Ltmp1:
0x6d: {  	[bflag:$0x0] =	sbarrier.arrive $0xFFFF;
	(pc) =	sbr.rel @p1 .LBB2_1-.Ltmp1, $4  }
0x6e: {  	[hbm:s7@s17], [sflag:s15] =	dma.strided [spmem:s16@s18], $0x50, s13, $0x10   }
0x6f: {  	_ =	swait.ge [sflag:s9], $0x50  }
0x70: {  	[sflag:s9] =	ssyncset.done $0x0  }
0x71: {  	[sflag:s9] =	ssyncadd.s32 $0xFFFFFFB0  }
0x72: {  	_ =	sfence.sel $0x180000  }
0x73: {  	[bflag:$0x0] =	sbarrier.arrive $0xFFFF  }
0x74: {  	p0 =	sne.s32 s0, $0x0;
	_ =	strace $0x90000047  }
0x75: {  	s0 =	sadd.s32 @!p0 $0x100000, s1;
	[bflag:$0x2] =	sbarrier.arrive $0xFFFF  }
0x76: {  	[sflag:s0] =	ssyncadd.tile.s32 @!p0 $0x1;
	_ =	shalt  }
.Lfunc_end2:
_tile_overlayer_lowered:
.L_overlay_start_2:
0x77: {  	(tag) =	ssettag $0x2  }
0x78: {  	s0 =	rddreg [dreg:$0x0];
	s2 =	stileid.u32  }
0x79: {  	s1 =	rddreg [dreg:$0x1];
	p0 =	sne.s32 s2, $0x0  }
0x7a: {  	s3 =	rddreg [dreg:$0x2];
	[bflag:$0x3] =	sbarrier.arrive $0xFFFF;
	s2 =	simm.s32 @!p0 $0x1C03  }
0x7b: {  	[timem:s3], [sflag:s2] =	dma.local @!p0 [hbm:s0], s1  }
0x7c: {  	s0 =	simm.s32 @!p0 $0x3  }
0x7d: {  	_ =	swait.ge @!p0 [sflag:s0], s1  }
0x7e: {  	s1 =	ssub.s32 @!p0 $0x0, s1;
	[sflag:s0] =	ssyncset.done @!p0 $0x0  }
0x7f: {  	[sflag:s0] =	ssyncadd.s32 @!p0 s1  }
0x80: {  	[bflag:$0x3] =	sbarrier.arrive $0xFFFF  }
0x81: {  	_ =	shalt  }

</sc_bundles>
